<compile_context>
chip_gen: v7x
topology: tpu7x:2x2x1
jax: 0.10.2.dev20260603
libtpu: 0.0.44.dev20260713+nightly
codegen_flags: <defaults>
</compile_context>

<pallas_src>
import functools

import jax
import jax.numpy as jnp
from jax import lax
from jax.experimental import pallas as pl
from jax.experimental.pallas import tpu as pltpu
from jax.experimental.pallas import tpu_sc as plsc

N = 10000
E = 320000
D = 128
H = 128
P = 8192

NC = 2
NS = 16
NW = NC * NS
CH = 128
NCH = 80
EW = NCH * CH
EP = NW * EW
NPAD = 10240
RPT = NPAD // NS
NB = 2
PH = 2
CPP = NCH // PH

PW = (2 * P) // NW
PCH = PW // CH

_MESH = dict(core_axis_name="c", subcore_axis_name="s")


def _make_agg(with_deg):
    out_type = [jax.ShapeDtypeStruct((NC, NPAD, D), jnp.float32)]
    if with_deg:
        out_type.append(jax.ShapeDtypeStruct((NC, NPAD), jnp.float32))
    scratch = (
        [pltpu.VMEM((CPP, CH), jnp.int32),
         pltpu.VMEM((CPP, CH), jnp.int32)]
        + [pltpu.VMEM((CH, D), jnp.float32) for _ in range(NB)]
        + [pltpu.VMEM((CH,), jnp.float32),
           pltpu.VMEM_SHARED((NPAD, D), jnp.float32),
           pltpu.VMEM_SHARED((NPAD,), jnp.float32)]
        + [pltpu.SemaphoreType.DMA for _ in range(NB + 1)]
    )

    @functools.partial(
        pl.kernel,
        mesh=plsc.VectorSubcoreMesh(**_MESH),
        out_type=out_type,
        scratch_types=scratch,
    )
    def agg_kernel(table, srcp, dstp, zeros2, zeros1, ones_h, *rest):
        if with_deg:
            agg_out, deg_out = rest[0], rest[1]
            rest = rest[2:]
        else:
            agg_out = rest[0]
            rest = rest[1:]
        src_v, dst_v = rest[0], rest[1]
        bufs = rest[2:2 + NB]
        ones_v, acc_sh, deg_sh = rest[2 + NB:5 + NB]
        sems = rest[5 + NB:5 + 2 * NB]
        sem_d = rest[5 + 2 * NB]
        c = lax.axis_index("c")
        s = lax.axis_index("s")
        wid = c * NS + s

        pltpu.sync_copy(zeros2, acc_sh.at[pl.ds(s * RPT, RPT)])
        if with_deg:
            pltpu.sync_copy(zeros1, deg_sh.at[pl.ds(s * RPT, RPT)])
            pltpu.sync_copy(ones_h, ones_v)
        plsc.subcore_barrier()

        for p in range(PH):
            pltpu.sync_copy(srcp.at[wid, pl.ds(p * CPP, CPP)], src_v)
            pltpu.sync_copy(dstp.at[wid, pl.ds(p * CPP, CPP)], dst_v)
            for b in range(NB - 1):
                pltpu.async_copy(table.at[src_v.at[b]], bufs[b], sems[b])

            def body(i, carry):
                jj = i * NB
                for b in range(NB):
                    j = jj + b
                    nx = j + NB - 1
                    nb = (b + NB - 1) % NB

                    @pl.when(nx < CPP)
                    def _():
                        pltpu.async_copy(table.at[src_v.at[nx]], bufs[nb],
                                         sems[nb])

                    pltpu.make_async_copy(table.at[src_v.at[j]], bufs[b],
                                          sems[b]).wait()
                    if with_deg:
                        @pl.when(j > 0)
                        def _():
                            pltpu.make_async_copy(
                                ones_v, deg_sh.at[dst_v.at[j - 1]],
                                sem_d).wait()
                        pltpu.async_copy(ones_v, deg_sh.at[dst_v.at[j]],
                                         sem_d, add=True)
                    pltpu.sync_copy(bufs[b], acc_sh.at[dst_v.at[j]], add=True)
                return carry

            lax.fori_loop(0, CPP // NB, body, 0)
            if with_deg:
                pltpu.make_async_copy(
                    ones_v, deg_sh.at[dst_v.at[CPP - 1]], sem_d).wait()
        plsc.subcore_barrier()

        pltpu.sync_copy(acc_sh.at[pl.ds(s * RPT, RPT)],
                        agg_out.at[c, pl.ds(s * RPT, RPT)])
        if with_deg:
            pltpu.sync_copy(deg_sh.at[pl.ds(s * RPT, RPT)],
                            deg_out.at[c, pl.ds(s * RPT, RPT)])

    return agg_kernel


_agg = _make_agg(True)


@functools.partial(
    pl.kernel,
    mesh=plsc.VectorSubcoreMesh(**_MESH),
    out_type=jax.ShapeDtypeStruct((2 * P, D), jnp.float32),
    scratch_types=[
        pltpu.VMEM((PCH, CH), jnp.int32),
        pltpu.VMEM((CH, D), jnp.float32),
        pltpu.SemaphoreType.DMA,
    ],
)
def _pair_gather(table, idxp, out, idx_v, rows_v, sem):
    c = lax.axis_index("c")
    s = lax.axis_index("s")
    wid = c * NS + s
    pltpu.sync_copy(idxp.at[wid], idx_v)

    def body(j, carry):
        pltpu.async_copy(table.at[idx_v.at[j]], rows_v, sem).wait()
        pltpu.sync_copy(rows_v, out.at[pl.ds(wid * PW + j * CH, CH)])
        return carry

    lax.fori_loop(0, PCH, body, 0)


def _emb_body(x_ref, w_ref, b_ref, o_ref):
    o_ref[...] = lax.dot_general(
        x_ref[...], w_ref[...], (((1,), (1,)), ((), ())),
        preferred_element_type=jnp.float32) + b_ref[...]


def _conv_body(act, aggp_ref, degp_ref, h_ref, wl_ref, bl_ref, wr_ref, o_ref):
    agg = aggp_ref[0, :N] + aggp_ref[1, :N]
    deg = jnp.maximum(degp_ref[0, :N] + degp_ref[1, :N], 1.0)
    agg = agg / deg
    o = lax.dot_general(agg, wl_ref[...], (((1,), (1,)), ((), ())),
                        preferred_element_type=jnp.float32) + bl_ref[...]
    o = o + lax.dot_general(h_ref[...], wr_ref[...], (((1,), (1,)), ((), ())),
                            preferred_element_type=jnp.float32)
    if act:
        o = jnp.where(o > 0, o, 0.1 * o)
    o_ref[...] = o


def _head_body(hp_ref, w1_ref, b1_ref, w2_ref, b2_ref, o_ref):
    u = lax.dot_general(hp_ref[...], w1_ref[...], (((1,), (1,)), ((), ())),
                        preferred_element_type=jnp.float32) + b1_ref[...]
    u = jnp.where(u > 0, u, 0.1 * u)
    o_ref[...] = lax.dot_general(
        u, w2_ref[...], (((1,), (1,)), ((), ())),
        preferred_element_type=jnp.float32) + b2_ref[...]


def _emb(x, w, b):
    return pl.pallas_call(
        _emb_body,
        out_shape=jax.ShapeDtypeStruct((N, D), jnp.float32),
    )(x, w, b.reshape(1, H))


def _conv(act, aggp, degp, h, wl, bl, wr):
    return pl.pallas_call(
        functools.partial(_conv_body, act),
        out_shape=jax.ShapeDtypeStruct((N, H), jnp.float32),
    )(aggp, degp, h, wl, bl.reshape(1, H), wr)


def _head(hp, w1, b1, w2, b2):
    w2r = jnp.broadcast_to(w2.reshape(1, H), (H, H))
    b2r = jnp.broadcast_to(b2.reshape(1, 1), (1, H))
    o = pl.pallas_call(
        _head_body,
        out_shape=jax.ShapeDtypeStruct((P, H), jnp.float32),
    )(hp, w1, b1.reshape(1, H), w2r, b2r)
    return o[:, :1]


def kernel(x, edge_index, edge_attr, pairs, W_emb, b_emb, Wl0, bl0, Wr0,
           Wl1, bl1, Wr1, W1, b1, W2, b2):
    src = edge_index[0]
    dst = edge_index[1]
    srcp = jnp.pad(src, (0, EP - E)).reshape(NW, NCH, CH)
    dstp = jnp.pad(dst, (0, EP - E), constant_values=N).reshape(NW, NCH, CH)
    zeros2 = jnp.zeros((RPT, D), jnp.float32)
    zeros1 = jnp.zeros((RPT,), jnp.float32)
    ones_h = jnp.ones((CH,), jnp.float32)
    idxp = pairs.reshape(NW, PCH, CH)

    h0 = _emb(x, W_emb, b_emb)
    aggp0, degp = _agg(h0, srcp, dstp, zeros2, zeros1, ones_h)
    deg = degp[:, :, None]
    h1 = _conv(True, aggp0, deg, h0, Wl0, bl0, Wr0)
    aggp1, _ = _agg(h1, srcp, dstp, zeros2, zeros1, ones_h)
    h2 = _conv(False, aggp1, deg, h1, Wl1, bl1, Wr1)
    rows = _pair_gather(h2, idxp)
    hp = rows.reshape(P, 2 * H)
    return _head(hp, W1, b1, W2, b2)

# --- scband reference (transcript-rebuilt; emitter-appended) ---
"""Pipeline reference for scband-graph-sage-pairwise-16183436771650 (READ-ONLY COPY).

The authoritative reference and input builder live on the scoring server;
editing this copy changes nothing except your own understanding.
"""

import jax, jax.numpy as jnp
import numpy as np

N = 10000
E = 320000
D = 128
H = 128
P = 8192
OUT = 1


def leaky(v):
    return jnp.where(v > 0, v, 0.1 * v)


def sage_conv(x, src, dst, Wl, bl, Wr):
    # PyG SAGEConv default: mean aggregation over incoming edges,
    # out = lin_l(mean_j x_j) + lin_r(x_i); lin_l has bias, lin_r has no bias.
    msg = jnp.take(x, src, axis=0)
    agg = jax.ops.segment_sum(msg, dst, num_segments=N)
    deg = jax.ops.segment_sum(jnp.ones((src.shape[0],), dtype=x.dtype), dst, num_segments=N)
    agg = agg / jnp.clip(deg, 1.0, None)[:, None]
    return agg @ Wl.T + bl + x @ Wr.T


def setup_inputs(seed: int = 0) -> dict:
    key = jax.random.key(seed)
    ks = jax.random.split(key, 20)
    inp = {}
    inp["x"] = jax.random.normal(ks[0], (N, D), dtype=jnp.float32)
    inp["edge_index"] = jax.random.randint(ks[1], (2, E), 0, N, dtype=jnp.int32)
    inp["edge_attr"] = jax.random.normal(ks[2], (E, 4), dtype=jnp.float32)
    inp["pairs"] = jax.random.randint(ks[3], (P, 2), 0, N, dtype=jnp.int32)
    # learned parameters (torch Linear convention: W[out,in])
    inp["W_emb"] = jax.random.normal(ks[4], (H, D), dtype=jnp.float32) * 0.05
    inp["b_emb"] = jnp.zeros((H,), dtype=jnp.float32)
    inp["Wl0"] = jax.random.normal(ks[5], (H, H), dtype=jnp.float32) * 0.05
    inp["bl0"] = jnp.zeros((H,), dtype=jnp.float32)
    inp["Wr0"] = jax.random.normal(ks[6], (H, H), dtype=jnp.float32) * 0.05
    inp["Wl1"] = jax.random.normal(ks[7], (H, H), dtype=jnp.float32) * 0.05
    inp["bl1"] = jnp.zeros((H,), dtype=jnp.float32)
    inp["Wr1"] = jax.random.normal(ks[8], (H, H), dtype=jnp.float32) * 0.05
    inp["W1"] = jax.random.normal(ks[9], (H, 2 * H), dtype=jnp.float32) * 0.05
    inp["b1"] = jnp.zeros((H,), dtype=jnp.float32)
    inp["W2"] = jax.random.normal(ks[10], (OUT, H), dtype=jnp.float32) * 0.05
    inp["b2"] = jnp.zeros((OUT,), dtype=jnp.float32)
    return inp


def reference(x, edge_index, edge_attr, pairs, W_emb, b_emb, Wl0, bl0, Wr0, Wl1, bl1, Wr1, W1, b1, W2, b2):
    src = edge_index[0]
    dst = edge_index[1]
    h = x @ W_emb.T + b_emb
    # num_layers = 2: first conv + activation (dropout=None), then last conv
    h = sage_conv(h, src, dst, Wl0, bl0, Wr0)
    h = leaky(h)
    h = sage_conv(h, src, dst, Wl1, bl1, Wr1)
    hp = jnp.take(h, pairs, axis=0)  # [P, 2, H]
    hp = hp.reshape(pairs.shape[0], 2 * h.shape[1])
    out = hp @ W1.T + b1
    out = leaky(out)
    out = out @ W2.T + b2
    return out

if __name__ == "__main__":
    import jax
    _d = setup_inputs()
    print(jax.jit(kernel)(*tuple(_d.values())))

</pallas_src>

<mosaic_0001>
#map = affine_map<(d0, d1) -> (0, 0)>
#map1 = affine_map<(d0, d1) -> (0, 0, 0)>
#map2 = affine_map<(d0, d1) -> (0)>
module attributes {stable_mosaic.version = 14 : i64} {
  func.func @agg_kernel(%arg0: i32, %arg1: i32, %arg2: memref<10000x128xf32, #tpu.memory_space<hbm>>, %arg3: memref<32x80x128xi32, #tpu.memory_space<hbm>>, %arg4: memref<32x80x128xi32, #tpu.memory_space<hbm>>, %arg5: memref<640x128xf32, #tpu.memory_space<hbm>>, %arg6: memref<640xf32, #tpu.memory_space<hbm>>, %arg7: memref<128xf32, #tpu.memory_space<hbm>>, %arg8: memref<2x10240x128xf32, #tpu.memory_space<hbm>>, %arg9: memref<2x10240xf32, #tpu.memory_space<hbm>>, %arg10: memref<40x128xi32, #tpu.memory_space<vmem>>, %arg11: memref<40x128xi32, #tpu.memory_space<vmem>>, %arg12: memref<128x128xf32, #tpu.memory_space<vmem>>, %arg13: memref<128x128xf32, #tpu.memory_space<vmem>>, %arg14: memref<128xf32, #tpu.memory_space<vmem>>, %arg15: memref<10240x128xf32, #tpu.memory_space<vmem_shared>>, %arg16: memref<10240xf32, #tpu.memory_space<vmem_shared>>, %arg17: memref<!tpu.dma_semaphore, #tpu.memory_space<semaphore_mem>>, %arg18: memref<!tpu.dma_semaphore, #tpu.memory_space<semaphore_mem>>, %arg19: memref<!tpu.dma_semaphore, #tpu.memory_space<semaphore_mem>>) attributes {dimension_semantics = [#tpu.dimension_semantics<core_parallel>, #tpu.dimension_semantics<subcore_parallel>], iteration_bounds = array<i64: 2, 16>, scalar_prefetch = 0 : i64, scratch_operands = 10 : i64, tpu.core_type = #tpu.core_type<sc_vector_subcore>, window_params = [{transform_indices = #map}, {transform_indices = #map1}, {transform_indices = #map1}, {transform_indices = #map}, {transform_indices = #map2}, {transform_indices = #map2}, {transform_indices = #map1}, {transform_indices = #map}]} {
    %mul3A = arith.constant 16 : i32
    %mul3A_0 = arith.muli %arg0, %mul3A : i32
    %add3A = arith.addi %mul3A_0, %arg1 : i32
    %mul3A_1 = arith.constant 640 : i32
    %mul3A_2 = arith.muli %arg1, %mul3A_1 : i32
    "tpu.region"() ({
      %run_scoped3A = tpu.sem_alloc : memref<!tpu.dma_semaphore, #tpu.memory_space<semaphore_mem>>
      %dma_start3A_49 = arith.constant 0 : i32
      %dma_start3A_50 = tpu.memref_slice %arg15[%mul3A_2, %dma_start3A_49] : memref<10240x128xf32, #tpu.memory_space<vmem_shared>> -> memref<640x128xf32, #tpu.memory_space<vmem_shared>>
      tpu.enqueue_dma source(%arg5 : memref<640x128xf32, #tpu.memory_space<hbm>>) target(%dma_start3A_50 : memref<640x128xf32, #tpu.memory_space<vmem_shared>>) target_semaphore(%run_scoped3A : memref<!tpu.dma_semaphore, #tpu.memory_space<semaphore_mem>>)
      %dma_wait3A_51 = arith.constant 0 : i32
      %dma_wait3A_52 = tpu.memref_slice %arg15[%mul3A_2, %dma_wait3A_51] : memref<10240x128xf32, #tpu.memory_space<vmem_shared>> -> memref<640x128xf32, #tpu.memory_space<vmem_shared>>
      tpu.wait_dma2 semaphore(%run_scoped3A : memref<!tpu.dma_semaphore, #tpu.memory_space<semaphore_mem>>) src(%arg5 : memref<640x128xf32, #tpu.memory_space<hbm>>) dst(%dma_wait3A_52 : memref<640x128xf32, #tpu.memory_space<vmem_shared>>)
      tpu.yield
    }) : () -> ()
    %mul3A_3 = arith.constant 640 : i32
    %mul3A_4 = arith.muli %arg1, %mul3A_3 : i32
    "tpu.region"() ({
      %run_scoped3A = tpu.sem_alloc : memref<!tpu.dma_semaphore, #tpu.memory_space<semaphore_mem>>
      %dma_start3A_49 = tpu.memref_slice %arg16[%mul3A_4] : memref<10240xf32, #tpu.memory_space<vmem_shared>> -> memref<640xf32, #tpu.memory_space<vmem_shared>>
      tpu.enqueue_dma source(%arg6 : memref<640xf32, #tpu.memory_space<hbm>>) target(%dma_start3A_49 : memref<640xf32, #tpu.memory_space<vmem_shared>>) target_semaphore(%run_scoped3A : memref<!tpu.dma_semaphore, #tpu.memory_space<semaphore_mem>>)
      %dma_wait3A_50 = tpu.memref_slice %arg16[%mul3A_4] : memref<10240xf32, #tpu.memory_space<vmem_shared>> -> memref<640xf32, #tpu.memory_space<vmem_shared>>
      tpu.wait_dma2 semaphore(%run_scoped3A : memref<!tpu.dma_semaphore, #tpu.memory_space<semaphore_mem>>) src(%arg6 : memref<640xf32, #tpu.memory_space<hbm>>) dst(%dma_wait3A_50 : memref<640xf32, #tpu.memory_space<vmem_shared>>)
      tpu.yield
    }) : () -> ()
    "tpu.region"() ({
      %run_scoped3A = tpu.sem_alloc : memref<!tpu.dma_semaphore, #tpu.memory_space<semaphore_mem>>
      tpu.enqueue_dma source(%arg7 : memref<128xf32, #tpu.memory_space<hbm>>) target(%arg14 : memref<128xf32, #tpu.memory_space<vmem>>) target_semaphore(%run_scoped3A : memref<!tpu.dma_semaphore, #tpu.memory_space<semaphore_mem>>)
      tpu.wait_dma2 semaphore(%run_scoped3A : memref<!tpu.dma_semaphore, #tpu.memory_space<semaphore_mem>>) src(%arg7 : memref<128xf32, #tpu.memory_space<hbm>>) dst(%arg14 : memref<128xf32, #tpu.memory_space<vmem>>)
      tpu.yield
    }) : () -> ()
    %barrier3A = arith.constant 0 : index
    tpu.barrier barrier_id(%barrier3A)
    "tpu.region"() ({
      %run_scoped3A = tpu.sem_alloc : memref<!tpu.dma_semaphore, #tpu.memory_space<semaphore_mem>>
      %dma_start3A_49 = arith.constant 0 : i32
      %dma_start3A_50 = arith.constant 0 : i32
      %dma_start3A_51 = tpu.memref_slice %arg3[%add3A, %dma_start3A_49, %dma_start3A_50] : memref<32x80x128xi32, #tpu.memory_space<hbm>> -> memref<1x40x128xi32, #tpu.memory_space<hbm>>
      %dma_start3A_52 = tpu.memref_squeeze %dma_start3A_51 : memref<1x40x128xi32, #tpu.memory_space<hbm>> -> memref<40x128xi32, #tpu.memory_space<hbm>>
      %dma_start3A_53 = arith.constant 0 : i32
      %dma_start3A_54 = arith.constant 0 : i32
      %dma_start3A_55 = tpu.memref_slice %arg3[%add3A, %dma_start3A_53, %dma_start3A_54] : memref<32x80x128xi32, #tpu.memory_space<hbm>> -> memref<1x40x128xi32, #tpu.memory_space<hbm>>
      %dma_start3A_56 = tpu.memref_squeeze %dma_start3A_55 : memref<1x40x128xi32, #tpu.memory_space<hbm>> -> memref<40x128xi32, #tpu.memory_space<hbm>>
      tpu.enqueue_dma source(%dma_start3A_56 : memref<40x128xi32, #tpu.memory_space<hbm>>) target(%arg10 : memref<40x128xi32, #tpu.memory_space<vmem>>) target_semaphore(%run_scoped3A : memref<!tpu.dma_semaphore, #tpu.memory_space<semaphore_mem>>)
      %dma_wait3A_57 = arith.constant 0 : i32
      %dma_wait3A_58 = arith.constant 0 : i32
      %dma_wait3A_59 = tpu.memref_slice %arg3[%add3A, %dma_wait3A_57, %dma_wait3A_58] : memref<32x80x128xi32, #tpu.memory_space<hbm>> -> memref<1x40x128xi32, #tpu.memory_space<hbm>>
      %dma_wait3A_60 = tpu.memref_squeeze %dma_wait3A_59 : memref<1x40x128xi32, #tpu.memory_space<hbm>> -> memref<40x128xi32, #tpu.memory_space<hbm>>
      %dma_wait3A_61 = arith.constant 0 : i32
      %dma_wait3A_62 = arith.constant 0 : i32
      %dma_wait3A_63 = tpu.memref_slice %arg3[%add3A, %dma_wait3A_61, %dma_wait3A_62] : memref<32x80x128xi32, #tpu.memory_space<hbm>> -> memref<1x40x128xi32, #tpu.memory_space<hbm>>
      %dma_wait3A_64 = tpu.memref_squeeze %dma_wait3A_63 : memref<1x40x128xi32, #tpu.memory_space<hbm>> -> memref<40x128xi32, #tpu.memory_space<hbm>>
      tpu.wait_dma2 semaphore(%run_scoped3A : memref<!tpu.dma_semaphore, #tpu.memory_space<semaphore_mem>>) src(%dma_wait3A_64 : memref<40x128xi32, #tpu.memory_space<hbm>>) dst(%arg10 : memref<40x128xi32, #tpu.memory_space<vmem>>)
      tpu.yield
    }) : () -> ()
    "tpu.region"() ({
      %run_scoped3A = tpu.sem_alloc : memref<!tpu.dma_semaphore, #tpu.memory_space<semaphore_mem>>
      %dma_start3A_49 = arith.constant 0 : i32
      %dma_start3A_50 = arith.constant 0 : i32
      %dma_start3A_51 = tpu.memref_slice %arg4[%add3A, %dma_start3A_49, %dma_start3A_50] : memref<32x80x128xi32, #tpu.memory_space<hbm>> -> memref<1x40x128xi32, #tpu.memory_space<hbm>>
      %dma_start3A_52 = tpu.memref_squeeze %dma_start3A_51 : memref<1x40x128xi32, #tpu.memory_space<hbm>> -> memref<40x128xi32, #tpu.memory_space<hbm>>
      %dma_start3A_53 = arith.constant 0 : i32
      %dma_start3A_54 = arith.constant 0 : i32
      %dma_start3A_55 = tpu.memref_slice %arg4[%add3A, %dma_start3A_53, %dma_start3A_54] : memref<32x80x128xi32, #tpu.memory_space<hbm>> -> memref<1x40x128xi32, #tpu.memory_space<hbm>>
      %dma_start3A_56 = tpu.memref_squeeze %dma_start3A_55 : memref<1x40x128xi32, #tpu.memory_space<hbm>> -> memref<40x128xi32, #tpu.memory_space<hbm>>
      tpu.enqueue_dma source(%dma_start3A_56 : memref<40x128xi32, #tpu.memory_space<hbm>>) target(%arg11 : memref<40x128xi32, #tpu.memory_space<vmem>>) target_semaphore(%run_scoped3A : memref<!tpu.dma_semaphore, #tpu.memory_space<semaphore_mem>>)
      %dma_wait3A_57 = arith.constant 0 : i32
      %dma_wait3A_58 = arith.constant 0 : i32
      %dma_wait3A_59 = tpu.memref_slice %arg4[%add3A, %dma_wait3A_57, %dma_wait3A_58] : memref<32x80x128xi32, #tpu.memory_space<hbm>> -> memref<1x40x128xi32, #tpu.memory_space<hbm>>
      %dma_wait3A_60 = tpu.memref_squeeze %dma_wait3A_59 : memref<1x40x128xi32, #tpu.memory_space<hbm>> -> memref<40x128xi32, #tpu.memory_space<hbm>>
      %dma_wait3A_61 = arith.constant 0 : i32
      %dma_wait3A_62 = arith.constant 0 : i32
      %dma_wait3A_63 = tpu.memref_slice %arg4[%add3A, %dma_wait3A_61, %dma_wait3A_62] : memref<32x80x128xi32, #tpu.memory_space<hbm>> -> memref<1x40x128xi32, #tpu.memory_space<hbm>>
      %dma_wait3A_64 = tpu.memref_squeeze %dma_wait3A_63 : memref<1x40x128xi32, #tpu.memory_space<hbm>> -> memref<40x128xi32, #tpu.memory_space<hbm>>
      tpu.wait_dma2 semaphore(%run_scoped3A : memref<!tpu.dma_semaphore, #tpu.memory_space<semaphore_mem>>) src(%dma_wait3A_64 : memref<40x128xi32, #tpu.memory_space<hbm>>) dst(%arg11 : memref<40x128xi32, #tpu.memory_space<vmem>>)
      tpu.yield
    }) : () -> ()
    %dma_start3A = arith.constant 0 : i32
    %dma_start3A_5 = arith.constant 0 : i32
    %dma_start3A_6 = tpu.memref_slice %arg10[%dma_start3A, %dma_start3A_5] : memref<40x128xi32, #tpu.memory_space<vmem>> -> memref<1x128xi32, #tpu.memory_space<vmem>>
    %dma_start3A_7 = tpu.memref_squeeze %dma_start3A_6 : memref<1x128xi32, #tpu.memory_space<vmem>> -> memref<128xi32, #tpu.memory_space<vmem>>
    %dma_start3A_8 = arith.constant 0 : i32
    %dma_start3A_9 = arith.constant 0 : i32
    %dma_start3A_10 = tpu.memref_slice %arg2[%dma_start3A_8, %dma_start3A_9] : memref<10000x128xf32, #tpu.memory_space<hbm>> -> memref<10000x128xf32, #tpu.memory_space<hbm>>
    tpu.enqueue_indirect_dma source(%dma_start3A_10 : memref<10000x128xf32, #tpu.memory_space<hbm>>) target(%arg12 : memref<128x128xf32, #tpu.memory_space<vmem>>) offsets(%dma_start3A_7 : memref<128xi32, #tpu.memory_space<vmem>>) semaphore(%arg17 : memref<!tpu.dma_semaphore, #tpu.memory_space<semaphore_mem>>)
    %scan3A = arith.constant 0 : i32
    %scan3A_11 = arith.constant 0 : i32
    %scan3A_12 = arith.constant 20 : i32
    %scan3A_13 = arith.addi %scan3A_11, %scan3A_12 : i32
    %scan3A_14 = arith.constant 1 : i32
    scf.for %scan3A_49 = %scan3A_11 to %scan3A_13 step %scan3A_14  : i32 {
      %mul3A_50 = arith.constant 2 : i32
      %mul3A_51 = arith.muli %scan3A_49, %mul3A_50 : i32
      %add3A_52 = arith.constant 0 : i32
      %add3A_53 = arith.addi %mul3A_51, %add3A_52 : i32
      %add3A_54 = arith.constant 2 : i32
      %add3A_55 = arith.addi %add3A_53, %add3A_54 : i32
      %sub3A = arith.constant 1 : i32
      %sub3A_56 = arith.subi %add3A_55, %sub3A : i32
      %lt3A = arith.constant 40 : i32
      %lt3A_57 = arith.cmpi slt, %sub3A_56, %lt3A : i32
      %convert_element_type3A = arith.extui %lt3A_57 : i1 to i32
      %cond3A = arith.constant 0 : i32
      %cond3A_58 = arith.cmpi ne, %convert_element_type3A, %cond3A : i32
      scf.if %cond3A_58 {
        %dma_start3A_101 = arith.constant 0 : i32
        %dma_start3A_102 = tpu.memref_slice %arg10[%sub3A_56, %dma_start3A_101] : memref<40x128xi32, #tpu.memory_space<vmem>> -> memref<1x128xi32, #tpu.memory_space<vmem>>
        %dma_start3A_103 = tpu.memref_squeeze %dma_start3A_102 : memref<1x128xi32, #tpu.memory_space<vmem>> -> memref<128xi32, #tpu.memory_space<vmem>>
        %dma_start3A_104 = arith.constant 0 : i32
        %dma_start3A_105 = arith.constant 0 : i32
        %dma_start3A_106 = tpu.memref_slice %arg2[%dma_start3A_104, %dma_start3A_105] : memref<10000x128xf32, #tpu.memory_space<hbm>> -> memref<10000x128xf32, #tpu.memory_space<hbm>>
        tpu.enqueue_indirect_dma source(%dma_start3A_106 : memref<10000x128xf32, #tpu.memory_space<hbm>>) target(%arg13 : memref<128x128xf32, #tpu.memory_space<vmem>>) offsets(%dma_start3A_103 : memref<128xi32, #tpu.memory_space<vmem>>) semaphore(%arg18 : memref<!tpu.dma_semaphore, #tpu.memory_space<semaphore_mem>>)
      } else {
      }
      %dma_wait3A_59 = arith.constant 0 : i32
      %dma_wait3A_60 = tpu.memref_slice %arg10[%add3A_53, %dma_wait3A_59] : memref<40x128xi32, #tpu.memory_space<vmem>> -> memref<1x128xi32, #tpu.memory_space<vmem>>
      %dma_wait3A_61 = tpu.memref_squeeze %dma_wait3A_60 : memref<1x128xi32, #tpu.memory_space<vmem>> -> memref<128xi32, #tpu.memory_space<vmem>>
      %dma_wait3A_62 = arith.constant 0 : i32
      %dma_wait3A_63 = arith.constant 0 : i32
      %dma_wait3A_64 = tpu.memref_slice %arg2[%dma_wait3A_62, %dma_wait3A_63] : memref<10000x128xf32, #tpu.memory_space<hbm>> -> memref<10000x128xf32, #tpu.memory_space<hbm>>
      tpu.wait_indirect_dma semaphore(%arg17 : memref<!tpu.dma_semaphore, #tpu.memory_space<semaphore_mem>>) src(%dma_wait3A_64 : memref<10000x128xf32, #tpu.memory_space<hbm>>) dst(%arg12 : memref<128x128xf32, #tpu.memory_space<vmem>>)
      %gt3A = arith.constant 0 : i32
      %gt3A_65 = arith.cmpi sgt, %add3A_53, %gt3A : i32
      %convert_element_type3A_66 = arith.extui %gt3A_65 : i1 to i32
      %cond3A_67 = arith.constant 0 : i32
      %cond3A_68 = arith.cmpi ne, %convert_element_type3A_66, %cond3A_67 : i32
      scf.if %cond3A_68 {
        %sub3A_101 = arith.constant 1 : i32
        %sub3A_102 = arith.subi %add3A_53, %sub3A_101 : i32
        %dma_wait3A_103 = arith.constant 0 : i32
        %dma_wait3A_104 = tpu.memref_slice %arg11[%sub3A_102, %dma_wait3A_103] : memref<40x128xi32, #tpu.memory_space<vmem>> -> memref<1x128xi32, #tpu.memory_space<vmem>>
        %dma_wait3A_105 = tpu.memref_squeeze %dma_wait3A_104 : memref<1x128xi32, #tpu.memory_space<vmem>> -> memref<128xi32, #tpu.memory_space<vmem>>
        %dma_wait3A_106 = arith.constant 0 : i32
        %dma_wait3A_107 = tpu.memref_slice %arg16[%dma_wait3A_106] : memref<10240xf32, #tpu.memory_space<vmem_shared>> -> memref<10240xf32, #tpu.memory_space<vmem_shared>>
        tpu.wait_indirect_dma semaphore(%arg19 : memref<!tpu.dma_semaphore, #tpu.memory_space<semaphore_mem>>) src(%arg14 : memref<128xf32, #tpu.memory_space<vmem>>) dst(%dma_wait3A_107 : memref<10240xf32, #tpu.memory_space<vmem_shared>>)
      } else {
      }
      %dma_start3A_69 = arith.constant 0 : i32
      %dma_start3A_70 = tpu.memref_slice %arg11[%add3A_53, %dma_start3A_69] : memref<40x128xi32, #tpu.memory_space<vmem>> -> memref<1x128xi32, #tpu.memory_space<vmem>>
      %dma_start3A_71 = tpu.memref_squeeze %dma_start3A_70 : memref<1x128xi32, #tpu.memory_space<vmem>> -> memref<128xi32, #tpu.memory_space<vmem>>
      %dma_start3A_72 = arith.constant 0 : i32
      %dma_start3A_73 = tpu.memref_slice %arg16[%dma_start3A_72] : memref<10240xf32, #tpu.memory_space<vmem_shared>> -> memref<10240xf32, #tpu.memory_space<vmem_shared>>
      tpu.enqueue_indirect_dma source(%arg14 : memref<128xf32, #tpu.memory_space<vmem>>) target(%dma_start3A_73 : memref<10240xf32, #tpu.memory_space<vmem_shared>>) offsets(%dma_start3A_71 : memref<128xi32, #tpu.memory_space<vmem>>) semaphore(%arg19 : memref<!tpu.dma_semaphore, #tpu.memory_space<semaphore_mem>>) {add = true}
      "tpu.region"() ({
        %run_scoped3A = tpu.sem_alloc : memref<!tpu.dma_semaphore, #tpu.memory_space<semaphore_mem>>
        %dma_start3A_101 = arith.constant 0 : i32
        %dma_start3A_102 = tpu.memref_slice %arg11[%add3A_53, %dma_start3A_101] : memref<40x128xi32, #tpu.memory_space<vmem>> -> memref<1x128xi32, #tpu.memory_space<vmem>>
        %dma_start3A_103 = tpu.memref_squeeze %dma_start3A_102 : memref<1x128xi32, #tpu.memory_space<vmem>> -> memref<128xi32, #tpu.memory_space<vmem>>
        %dma_start3A_104 = arith.constant 0 : i32
        %dma_start3A_105 = arith.constant 0 : i32
        %dma_start3A_106 = tpu.memref_slice %arg15[%dma_start3A_104, %dma_start3A_105] : memref<10240x128xf32, #tpu.memory_space<vmem_shared>> -> memref<10240x128xf32, #tpu.memory_space<vmem_shared>>
        tpu.enqueue_indirect_dma source(%arg12 : memref<128x128xf32, #tpu.memory_space<vmem>>) target(%dma_start3A_106 : memref<10240x128xf32, #tpu.memory_space<vmem_shared>>) offsets(%dma_start3A_103 : memref<128xi32, #tpu.memory_space<vmem>>) semaphore(%run_scoped3A : memref<!tpu.dma_semaphore, #tpu.memory_space<semaphore_mem>>) {add = true}
        %dma_wait3A_107 = arith.constant 0 : i32
        %dma_wait3A_108 = tpu.memref_slice %arg11[%add3A_53, %dma_wait3A_107] : memref<40x128xi32, #tpu.memory_space<vmem>> -> memref<1x128xi32, #tpu.memory_space<vmem>>
        %dma_wait3A_109 = tpu.memref_squeeze %dma_wait3A_108 : memref<1x128xi32, #tpu.memory_space<vmem>> -> memref<128xi32, #tpu.memory_space<vmem>>
        %dma_wait3A_110 = arith.constant 0 : i32
        %dma_wait3A_111 = arith.constant 0 : i32
        %dma_wait3A_112 = tpu.memref_slice %arg15[%dma_wait3A_110, %dma_wait3A_111] : memref<10240x128xf32, #tpu.memory_space<vmem_shared>> -> memref<10240x128xf32, #tpu.memory_space<vmem_shared>>
        tpu.wait_indirect_dma semaphore(%run_scoped3A : memref<!tpu.dma_semaphore, #tpu.memory_space<semaphore_mem>>) src(%arg12 : memref<128x128xf32, #tpu.memory_space<vmem>>) dst(%dma_wait3A_112 : memref<10240x128xf32, #tpu.memory_space<vmem_shared>>)
        tpu.yield
      }) : () -> ()
      %add3A_74 = arith.constant 1 : i32
      %add3A_75 = arith.addi %mul3A_51, %add3A_74 : i32
      %add3A_76 = arith.constant 2 : i32
      %add3A_77 = arith.addi %add3A_75, %add3A_76 : i32
      %sub3A_78 = arith.constant 1 : i32
      %sub3A_79 = arith.subi %add3A_77, %sub3A_78 : i32
      %lt3A_80 = arith.constant 40 : i32
      %lt3A_81 = arith.cmpi slt, %sub3A_79, %lt3A_80 : i32
      %convert_element_type3A_82 = arith.extui %lt3A_81 : i1 to i32
      %cond3A_83 = arith.constant 0 : i32
      %cond3A_84 = arith.cmpi ne, %convert_element_type3A_82, %cond3A_83 : i32
      scf.if %cond3A_84 {
        %dma_start3A_101 = arith.constant 0 : i32
        %dma_start3A_102 = tpu.memref_slice %arg10[%sub3A_79, %dma_start3A_101] : memref<40x128xi32, #tpu.memory_space<vmem>> -> memref<1x128xi32, #tpu.memory_space<vmem>>
        %dma_start3A_103 = tpu.memref_squeeze %dma_start3A_102 : memref<1x128xi32, #tpu.memory_space<vmem>> -> memref<128xi32, #tpu.memory_space<vmem>>
        %dma_start3A_104 = arith.constant 0 : i32
        %dma_start3A_105 = arith.constant 0 : i32
        %dma_start3A_106 = tpu.memref_slice %arg2[%dma_start3A_104, %dma_start3A_105] : memref<10000x128xf32, #tpu.memory_space<hbm>> -> memref<10000x128xf32, #tpu.memory_space<hbm>>
        tpu.enqueue_indirect_dma source(%dma_start3A_106 : memref<10000x128xf32, #tpu.memory_space<hbm>>) target(%arg12 : memref<128x128xf32, #tpu.memory_space<vmem>>) offsets(%dma_start3A_103 : memref<128xi32, #tpu.memory_space<vmem>>) semaphore(%arg17 : memref<!tpu.dma_semaphore, #tpu.memory_space<semaphore_mem>>)
      } else {
      }
      %dma_wait3A_85 = arith.constant 0 : i32
      %dma_wait3A_86 = tpu.memref_slice %arg10[%add3A_75, %dma_wait3A_85] : memref<40x128xi32, #tpu.memory_space<vmem>> -> memref<1x128xi32, #tpu.memory_space<vmem>>
      %dma_wait3A_87 = tpu.memref_squeeze %dma_wait3A_86 : memref<1x128xi32, #tpu.memory_space<vmem>> -> memref<128xi32, #tpu.memory_space<vmem>>
      %dma_wait3A_88 = arith.constant 0 : i32
      %dma_wait3A_89 = arith.constant 0 : i32
      %dma_wait3A_90 = tpu.memref_slice %arg2[%dma_wait3A_88, %dma_wait3A_89] : memref<10000x128xf32, #tpu.memory_space<hbm>> -> memref<10000x128xf32, #tpu.memory_space<hbm>>
      tpu.wait_indirect_dma semaphore(%arg18 : memref<!tpu.dma_semaphore, #tpu.memory_space<semaphore_mem>>) src(%dma_wait3A_90 : memref<10000x128xf32, #tpu.memory_space<hbm>>) dst(%arg13 : memref<128x128xf32, #tpu.memory_space<vmem>>)
      %gt3A_91 = arith.constant 0 : i32
      %gt3A_92 = arith.cmpi sgt, %add3A_75, %gt3A_91 : i32
      %convert_element_type3A_93 = arith.extui %gt3A_92 : i1 to i32
      %cond3A_94 = arith.constant 0 : i32
      %cond3A_95 = arith.cmpi ne, %convert_element_type3A_93, %cond3A_94 : i32
      scf.if %cond3A_95 {
        %sub3A_101 = arith.constant 1 : i32
        %sub3A_102 = arith.subi %add3A_75, %sub3A_101 : i32
        %dma_wait3A_103 = arith.constant 0 : i32
        %dma_wait3A_104 = tpu.memref_slice %arg11[%sub3A_102, %dma_wait3A_103] : memref<40x128xi32, #tpu.memory_space<vmem>> -> memref<1x128xi32, #tpu.memory_space<vmem>>
        %dma_wait3A_105 = tpu.memref_squeeze %dma_wait3A_104 : memref<1x128xi32, #tpu.memory_space<vmem>> -> memref<128xi32, #tpu.memory_space<vmem>>
        %dma_wait3A_106 = arith.constant 0 : i32
        %dma_wait3A_107 = tpu.memref_slice %arg16[%dma_wait3A_106] : memref<10240xf32, #tpu.memory_space<vmem_shared>> -> memref<10240xf32, #tpu.memory_space<vmem_shared>>
        tpu.wait_indirect_dma semaphore(%arg19 : memref<!tpu.dma_semaphore, #tpu.memory_space<semaphore_mem>>) src(%arg14 : memref<128xf32, #tpu.memory_space<vmem>>) dst(%dma_wait3A_107 : memref<10240xf32, #tpu.memory_space<vmem_shared>>)
      } else {
      }
      %dma_start3A_96 = arith.constant 0 : i32
      %dma_start3A_97 = tpu.memref_slice %arg11[%add3A_75, %dma_start3A_96] : memref<40x128xi32, #tpu.memory_space<vmem>> -> memref<1x128xi32, #tpu.memory_space<vmem>>
      %dma_start3A_98 = tpu.memref_squeeze %dma_start3A_97 : memref<1x128xi32, #tpu.memory_space<vmem>> -> memref<128xi32, #tpu.memory_space<vmem>>
      %dma_start3A_99 = arith.constant 0 : i32
      %dma_start3A_100 = tpu.memref_slice %arg16[%dma_start3A_99] : memref<10240xf32, #tpu.memory_space<vmem_shared>> -> memref<10240xf32, #tpu.memory_space<vmem_shared>>
      tpu.enqueue_indirect_dma source(%arg14 : memref<128xf32, #tpu.memory_space<vmem>>) target(%dma_start3A_100 : memref<10240xf32, #tpu.memory_space<vmem_shared>>) offsets(%dma_start3A_98 : memref<128xi32, #tpu.memory_space<vmem>>) semaphore(%arg19 : memref<!tpu.dma_semaphore, #tpu.memory_space<semaphore_mem>>) {add = true}
      "tpu.region"() ({
        %run_scoped3A = tpu.sem_alloc : memref<!tpu.dma_semaphore, #tpu.memory_space<semaphore_mem>>
        %dma_start3A_101 = arith.constant 0 : i32
        %dma_start3A_102 = tpu.memref_slice %arg11[%add3A_75, %dma_start3A_101] : memref<40x128xi32, #tpu.memory_space<vmem>> -> memref<1x128xi32, #tpu.memory_space<vmem>>
        %dma_start3A_103 = tpu.memref_squeeze %dma_start3A_102 : memref<1x128xi32, #tpu.memory_space<vmem>> -> memref<128xi32, #tpu.memory_space<vmem>>
        %dma_start3A_104 = arith.constant 0 : i32
        %dma_start3A_105 = arith.constant 0 : i32
        %dma_start3A_106 = tpu.memref_slice %arg15[%dma_start3A_104, %dma_start3A_105] : memref<10240x128xf32, #tpu.memory_space<vmem_shared>> -> memref<10240x128xf32, #tpu.memory_space<vmem_shared>>
        tpu.enqueue_indirect_dma source(%arg13 : memref<128x128xf32, #tpu.memory_space<vmem>>) target(%dma_start3A_106 : memref<10240x128xf32, #tpu.memory_space<vmem_shared>>) offsets(%dma_start3A_103 : memref<128xi32, #tpu.memory_space<vmem>>) semaphore(%run_scoped3A : memref<!tpu.dma_semaphore, #tpu.memory_space<semaphore_mem>>) {add = true}
        %dma_wait3A_107 = arith.constant 0 : i32
        %dma_wait3A_108 = tpu.memref_slice %arg11[%add3A_75, %dma_wait3A_107] : memref<40x128xi32, #tpu.memory_space<vmem>> -> memref<1x128xi32, #tpu.memory_space<vmem>>
        %dma_wait3A_109 = tpu.memref_squeeze %dma_wait3A_108 : memref<1x128xi32, #tpu.memory_space<vmem>> -> memref<128xi32, #tpu.memory_space<vmem>>
        %dma_wait3A_110 = arith.constant 0 : i32
        %dma_wait3A_111 = arith.constant 0 : i32
        %dma_wait3A_112 = tpu.memref_slice %arg15[%dma_wait3A_110, %dma_wait3A_111] : memref<10240x128xf32, #tpu.memory_space<vmem_shared>> -> memref<10240x128xf32, #tpu.memory_space<vmem_shared>>
        tpu.wait_indirect_dma semaphore(%run_scoped3A : memref<!tpu.dma_semaphore, #tpu.memory_space<semaphore_mem>>) src(%arg13 : memref<128x128xf32, #tpu.memory_space<vmem>>) dst(%dma_wait3A_112 : memref<10240x128xf32, #tpu.memory_space<vmem_shared>>)
        tpu.yield
      }) : () -> ()
    }
    %scan3A_15 = arith.constant 20 : i32
    %dma_wait3A = arith.constant 39 : i32
    %dma_wait3A_16 = arith.constant 0 : i32
    %dma_wait3A_17 = tpu.memref_slice %arg11[%dma_wait3A, %dma_wait3A_16] : memref<40x128xi32, #tpu.memory_space<vmem>> -> memref<1x128xi32, #tpu.memory_space<vmem>>
    %dma_wait3A_18 = tpu.memref_squeeze %dma_wait3A_17 : memref<1x128xi32, #tpu.memory_space<vmem>> -> memref<128xi32, #tpu.memory_space<vmem>>
    %dma_wait3A_19 = arith.constant 0 : i32
    %dma_wait3A_20 = tpu.memref_slice %arg16[%dma_wait3A_19] : memref<10240xf32, #tpu.memory_space<vmem_shared>> -> memref<10240xf32, #tpu.memory_space<vmem_shared>>
    tpu.wait_indirect_dma semaphore(%arg19 : memref<!tpu.dma_semaphore, #tpu.memory_space<semaphore_mem>>) src(%arg14 : memref<128xf32, #tpu.memory_space<vmem>>) dst(%dma_wait3A_20 : memref<10240xf32, #tpu.memory_space<vmem_shared>>)
    "tpu.region"() ({
      %run_scoped3A = tpu.sem_alloc : memref<!tpu.dma_semaphore, #tpu.memory_space<semaphore_mem>>
      %dma_start3A_49 = arith.constant 40 : i32
      %dma_start3A_50 = arith.constant 0 : i32
      %dma_start3A_51 = tpu.memref_slice %arg3[%add3A, %dma_start3A_49, %dma_start3A_50] : memref<32x80x128xi32, #tpu.memory_space<hbm>> -> memref<1x40x128xi32, #tpu.memory_space<hbm>>
      %dma_start3A_52 = tpu.memref_squeeze %dma_start3A_51 : memref<1x40x128xi32, #tpu.memory_space<hbm>> -> memref<40x128xi32, #tpu.memory_space<hbm>>
      %dma_start3A_53 = arith.constant 40 : i32
      %dma_start3A_54 = arith.constant 0 : i32
      %dma_start3A_55 = tpu.memref_slice %arg3[%add3A, %dma_start3A_53, %dma_start3A_54] : memref<32x80x128xi32, #tpu.memory_space<hbm>> -> memref<1x40x128xi32, #tpu.memory_space<hbm>>
      %dma_start3A_56 = tpu.memref_squeeze %dma_start3A_55 : memref<1x40x128xi32, #tpu.memory_space<hbm>> -> memref<40x128xi32, #tpu.memory_space<hbm>>
      tpu.enqueue_dma source(%dma_start3A_56 : memref<40x128xi32, #tpu.memory_space<hbm>>) target(%arg10 : memref<40x128xi32, #tpu.memory_space<vmem>>) target_semaphore(%run_scoped3A : memref<!tpu.dma_semaphore, #tpu.memory_space<semaphore_mem>>)
      %dma_wait3A_57 = arith.constant 40 : i32
      %dma_wait3A_58 = arith.constant 0 : i32
      %dma_wait3A_59 = tpu.memref_slice %arg3[%add3A, %dma_wait3A_57, %dma_wait3A_58] : memref<32x80x128xi32, #tpu.memory_space<hbm>> -> memref<1x40x128xi32, #tpu.memory_space<hbm>>
      %dma_wait3A_60 = tpu.memref_squeeze %dma_wait3A_59 : memref<1x40x128xi32, #tpu.memory_space<hbm>> -> memref<40x128xi32, #tpu.memory_space<hbm>>
      %dma_wait3A_61 = arith.constant 40 : i32
      %dma_wait3A_62 = arith.constant 0 : i32
      %dma_wait3A_63 = tpu.memref_slice %arg3[%add3A, %dma_wait3A_61, %dma_wait3A_62] : memref<32x80x128xi32, #tpu.memory_space<hbm>> -> memref<1x40x128xi32, #tpu.memory_space<hbm>>
      %dma_wait3A_64 = tpu.memref_squeeze %dma_wait3A_63 : memref<1x40x128xi32, #tpu.memory_space<hbm>> -> memref<40x128xi32, #tpu.memory_space<hbm>>
      tpu.wait_dma2 semaphore(%run_scoped3A : memref<!tpu.dma_semaphore, #tpu.memory_space<semaphore_mem>>) src(%dma_wait3A_64 : memref<40x128xi32, #tpu.memory_space<hbm>>) dst(%arg10 : memref<40x128xi32, #tpu.memory_space<vmem>>)
      tpu.yield
    }) : () -> ()
    "tpu.region"() ({
      %run_scoped3A = tpu.sem_alloc : memref<!tpu.dma_semaphore, #tpu.memory_space<semaphore_mem>>
      %dma_start3A_49 = arith.constant 40 : i32
      %dma_start3A_50 = arith.constant 0 : i32
      %dma_start3A_51 = tpu.memref_slice %arg4[%add3A, %dma_start3A_49, %dma_start3A_50] : memref<32x80x128xi32, #tpu.memory_space<hbm>> -> memref<1x40x128xi32, #tpu.memory_space<hbm>>
      %dma_start3A_52 = tpu.memref_squeeze %dma_start3A_51 : memref<1x40x128xi32, #tpu.memory_space<hbm>> -> memref<40x128xi32, #tpu.memory_space<hbm>>
      %dma_start3A_53 = arith.constant 40 : i32
      %dma_start3A_54 = arith.constant 0 : i32
      %dma_start3A_55 = tpu.memref_slice %arg4[%add3A, %dma_start3A_53, %dma_start3A_54] : memref<32x80x128xi32, #tpu.memory_space<hbm>> -> memref<1x40x128xi32, #tpu.memory_space<hbm>>
      %dma_start3A_56 = tpu.memref_squeeze %dma_start3A_55 : memref<1x40x128xi32, #tpu.memory_space<hbm>> -> memref<40x128xi32, #tpu.memory_space<hbm>>
      tpu.enqueue_dma source(%dma_start3A_56 : memref<40x128xi32, #tpu.memory_space<hbm>>) target(%arg11 : memref<40x128xi32, #tpu.memory_space<vmem>>) target_semaphore(%run_scoped3A : memref<!tpu.dma_semaphore, #tpu.memory_space<semaphore_mem>>)
      %dma_wait3A_57 = arith.constant 40 : i32
      %dma_wait3A_58 = arith.constant 0 : i32
      %dma_wait3A_59 = tpu.memref_slice %arg4[%add3A, %dma_wait3A_57, %dma_wait3A_58] : memref<32x80x128xi32, #tpu.memory_space<hbm>> -> memref<1x40x128xi32, #tpu.memory_space<hbm>>
      %dma_wait3A_60 = tpu.memref_squeeze %dma_wait3A_59 : memref<1x40x128xi32, #tpu.memory_space<hbm>> -> memref<40x128xi32, #tpu.memory_space<hbm>>
      %dma_wait3A_61 = arith.constant 40 : i32
      %dma_wait3A_62 = arith.constant 0 : i32
      %dma_wait3A_63 = tpu.memref_slice %arg4[%add3A, %dma_wait3A_61, %dma_wait3A_62] : memref<32x80x128xi32, #tpu.memory_space<hbm>> -> memref<1x40x128xi32, #tpu.memory_space<hbm>>
      %dma_wait3A_64 = tpu.memref_squeeze %dma_wait3A_63 : memref<1x40x128xi32, #tpu.memory_space<hbm>> -> memref<40x128xi32, #tpu.memory_space<hbm>>
      tpu.wait_dma2 semaphore(%run_scoped3A : memref<!tpu.dma_semaphore, #tpu.memory_space<semaphore_mem>>) src(%dma_wait3A_64 : memref<40x128xi32, #tpu.memory_space<hbm>>) dst(%arg11 : memref<40x128xi32, #tpu.memory_space<vmem>>)
      tpu.yield
    }) : () -> ()
    %dma_start3A_21 = arith.constant 0 : i32
    %dma_start3A_22 = arith.constant 0 : i32
    %dma_start3A_23 = tpu.memref_slice %arg10[%dma_start3A_21, %dma_start3A_22] : memref<40x128xi32, #tpu.memory_space<vmem>> -> memref<1x128xi32, #tpu.memory_space<vmem>>
    %dma_start3A_24 = tpu.memref_squeeze %dma_start3A_23 : memref<1x128xi32, #tpu.memory_space<vmem>> -> memref<128xi32, #tpu.memory_space<vmem>>
    %dma_start3A_25 = arith.constant 0 : i32
    %dma_start3A_26 = arith.constant 0 : i32
    %dma_start3A_27 = tpu.memref_slice %arg2[%dma_start3A_25, %dma_start3A_26] : memref<10000x128xf32, #tpu.memory_space<hbm>> -> memref<10000x128xf32, #tpu.memory_space<hbm>>
    tpu.enqueue_indirect_dma source(%dma_start3A_27 : memref<10000x128xf32, #tpu.memory_space<hbm>>) target(%arg12 : memref<128x128xf32, #tpu.memory_space<vmem>>) offsets(%dma_start3A_24 : memref<128xi32, #tpu.memory_space<vmem>>) semaphore(%arg17 : memref<!tpu.dma_semaphore, #tpu.memory_space<semaphore_mem>>)
    %scan3A_28 = arith.constant 0 : i32
    %scan3A_29 = arith.constant 0 : i32
    %scan3A_30 = arith.constant 20 : i32
    %scan3A_31 = arith.addi %scan3A_29, %scan3A_30 : i32
    %scan3A_32 = arith.constant 1 : i32
    scf.for %scan3A_49 = %scan3A_29 to %scan3A_31 step %scan3A_32  : i32 {
      %mul3A_50 = arith.constant 2 : i32
      %mul3A_51 = arith.muli %scan3A_49, %mul3A_50 : i32
      %add3A_52 = arith.constant 0 : i32
      %add3A_53 = arith.addi %mul3A_51, %add3A_52 : i32
      %add3A_54 = arith.constant 2 : i32
      %add3A_55 = arith.addi %add3A_53, %add3A_54 : i32
      %sub3A = arith.constant 1 : i32
      %sub3A_56 = arith.subi %add3A_55, %sub3A : i32
      %lt3A = arith.constant 40 : i32
      %lt3A_57 = arith.cmpi slt, %sub3A_56, %lt3A : i32
      %convert_element_type3A = arith.extui %lt3A_57 : i1 to i32
      %cond3A = arith.constant 0 : i32
      %cond3A_58 = arith.cmpi ne, %convert_element_type3A, %cond3A : i32
      scf.if %cond3A_58 {
        %dma_start3A_101 = arith.constant 0 : i32
        %dma_start3A_102 = tpu.memref_slice %arg10[%sub3A_56, %dma_start3A_101] : memref<40x128xi32, #tpu.memory_space<vmem>> -> memref<1x128xi32, #tpu.memory_space<vmem>>
        %dma_start3A_103 = tpu.memref_squeeze %dma_start3A_102 : memref<1x128xi32, #tpu.memory_space<vmem>> -> memref<128xi32, #tpu.memory_space<vmem>>
        %dma_start3A_104 = arith.constant 0 : i32
        %dma_start3A_105 = arith.constant 0 : i32
        %dma_start3A_106 = tpu.memref_slice %arg2[%dma_start3A_104, %dma_start3A_105] : memref<10000x128xf32, #tpu.memory_space<hbm>> -> memref<10000x128xf32, #tpu.memory_space<hbm>>
        tpu.enqueue_indirect_dma source(%dma_start3A_106 : memref<10000x128xf32, #tpu.memory_space<hbm>>) target(%arg13 : memref<128x128xf32, #tpu.memory_space<vmem>>) offsets(%dma_start3A_103 : memref<128xi32, #tpu.memory_space<vmem>>) semaphore(%arg18 : memref<!tpu.dma_semaphore, #tpu.memory_space<semaphore_mem>>)
      } else {
      }
      %dma_wait3A_59 = arith.constant 0 : i32
      %dma_wait3A_60 = tpu.memref_slice %arg10[%add3A_53, %dma_wait3A_59] : memref<40x128xi32, #tpu.memory_space<vmem>> -> memref<1x128xi32, #tpu.memory_space<vmem>>
      %dma_wait3A_61 = tpu.memref_squeeze %dma_wait3A_60 : memref<1x128xi32, #tpu.memory_space<vmem>> -> memref<128xi32, #tpu.memory_space<vmem>>
      %dma_wait3A_62 = arith.constant 0 : i32
      %dma_wait3A_63 = arith.constant 0 : i32
      %dma_wait3A_64 = tpu.memref_slice %arg2[%dma_wait3A_62, %dma_wait3A_63] : memref<10000x128xf32, #tpu.memory_space<hbm>> -> memref<10000x128xf32, #tpu.memory_space<hbm>>
      tpu.wait_indirect_dma semaphore(%arg17 : memref<!tpu.dma_semaphore, #tpu.memory_space<semaphore_mem>>) src(%dma_wait3A_64 : memref<10000x128xf32, #tpu.memory_space<hbm>>) dst(%arg12 : memref<128x128xf32, #tpu.memory_space<vmem>>)
      %gt3A = arith.constant 0 : i32
      %gt3A_65 = arith.cmpi sgt, %add3A_53, %gt3A : i32
      %convert_element_type3A_66 = arith.extui %gt3A_65 : i1 to i32
      %cond3A_67 = arith.constant 0 : i32
      %cond3A_68 = arith.cmpi ne, %convert_element_type3A_66, %cond3A_67 : i32
      scf.if %cond3A_68 {
        %sub3A_101 = arith.constant 1 : i32
        %sub3A_102 = arith.subi %add3A_53, %sub3A_101 : i32
        %dma_wait3A_103 = arith.constant 0 : i32
        %dma_wait3A_104 = tpu.memref_slice %arg11[%sub3A_102, %dma_wait3A_103] : memref<40x128xi32, #tpu.memory_space<vmem>> -> memref<1x128xi32, #tpu.memory_space<vmem>>
        %dma_wait3A_105 = tpu.memref_squeeze %dma_wait3A_104 : memref<1x128xi32, #tpu.memory_space<vmem>> -> memref<128xi32, #tpu.memory_space<vmem>>
        %dma_wait3A_106 = arith.constant 0 : i32
        %dma_wait3A_107 = tpu.memref_slice %arg16[%dma_wait3A_106] : memref<10240xf32, #tpu.memory_space<vmem_shared>> -> memref<10240xf32, #tpu.memory_space<vmem_shared>>
        tpu.wait_indirect_dma semaphore(%arg19 : memref<!tpu.dma_semaphore, #tpu.memory_space<semaphore_mem>>) src(%arg14 : memref<128xf32, #tpu.memory_space<vmem>>) dst(%dma_wait3A_107 : memref<10240xf32, #tpu.memory_space<vmem_shared>>)
      } else {
      }
      %dma_start3A_69 = arith.constant 0 : i32
      %dma_start3A_70 = tpu.memref_slice %arg11[%add3A_53, %dma_start3A_69] : memref<40x128xi32, #tpu.memory_space<vmem>> -> memref<1x128xi32, #tpu.memory_space<vmem>>
      %dma_start3A_71 = tpu.memref_squeeze %dma_start3A_70 : memref<1x128xi32, #tpu.memory_space<vmem>> -> memref<128xi32, #tpu.memory_space<vmem>>
      %dma_start3A_72 = arith.constant 0 : i32
      %dma_start3A_73 = tpu.memref_slice %arg16[%dma_start3A_72] : memref<10240xf32, #tpu.memory_space<vmem_shared>> -> memref<10240xf32, #tpu.memory_space<vmem_shared>>
      tpu.enqueue_indirect_dma source(%arg14 : memref<128xf32, #tpu.memory_space<vmem>>) target(%dma_start3A_73 : memref<10240xf32, #tpu.memory_space<vmem_shared>>) offsets(%dma_start3A_71 : memref<128xi32, #tpu.memory_space<vmem>>) semaphore(%arg19 : memref<!tpu.dma_semaphore, #tpu.memory_space<semaphore_mem>>) {add = true}
      "tpu.region"() ({
        %run_scoped3A = tpu.sem_alloc : memref<!tpu.dma_semaphore, #tpu.memory_space<semaphore_mem>>
        %dma_start3A_101 = arith.constant 0 : i32
        %dma_start3A_102 = tpu.memref_slice %arg11[%add3A_53, %dma_start3A_101] : memref<40x128xi32, #tpu.memory_space<vmem>> -> memref<1x128xi32, #tpu.memory_space<vmem>>
        %dma_start3A_103 = tpu.memref_squeeze %dma_start3A_102 : memref<1x128xi32, #tpu.memory_space<vmem>> -> memref<128xi32, #tpu.memory_space<vmem>>
        %dma_start3A_104 = arith.constant 0 : i32
        %dma_start3A_105 = arith.constant 0 : i32
        %dma_start3A_106 = tpu.memref_slice %arg15[%dma_start3A_104, %dma_start3A_105] : memref<10240x128xf32, #tpu.memory_space<vmem_shared>> -> memref<10240x128xf32, #tpu.memory_space<vmem_shared>>
        tpu.enqueue_indirect_dma source(%arg12 : memref<128x128xf32, #tpu.memory_space<vmem>>) target(%dma_start3A_106 : memref<10240x128xf32, #tpu.memory_space<vmem_shared>>) offsets(%dma_start3A_103 : memref<128xi32, #tpu.memory_space<vmem>>) semaphore(%run_scoped3A : memref<!tpu.dma_semaphore, #tpu.memory_space<semaphore_mem>>) {add = true}
        %dma_wait3A_107 = arith.constant 0 : i32
        %dma_wait3A_108 = tpu.memref_slice %arg11[%add3A_53, %dma_wait3A_107] : memref<40x128xi32, #tpu.memory_space<vmem>> -> memref<1x128xi32, #tpu.memory_space<vmem>>
        %dma_wait3A_109 = tpu.memref_squeeze %dma_wait3A_108 : memref<1x128xi32, #tpu.memory_space<vmem>> -> memref<128xi32, #tpu.memory_space<vmem>>
        %dma_wait3A_110 = arith.constant 0 : i32
        %dma_wait3A_111 = arith.constant 0 : i32
        %dma_wait3A_112 = tpu.memref_slice %arg15[%dma_wait3A_110, %dma_wait3A_111] : memref<10240x128xf32, #tpu.memory_space<vmem_shared>> -> memref<10240x128xf32, #tpu.memory_space<vmem_shared>>
        tpu.wait_indirect_dma semaphore(%run_scoped3A : memref<!tpu.dma_semaphore, #tpu.memory_space<semaphore_mem>>) src(%arg12 : memref<128x128xf32, #tpu.memory_space<vmem>>) dst(%dma_wait3A_112 : memref<10240x128xf32, #tpu.memory_space<vmem_shared>>)
        tpu.yield
      }) : () -> ()
      %add3A_74 = arith.constant 1 : i32
      %add3A_75 = arith.addi %mul3A_51, %add3A_74 : i32
      %add3A_76 = arith.constant 2 : i32
      %add3A_77 = arith.addi %add3A_75, %add3A_76 : i32
      %sub3A_78 = arith.constant 1 : i32
      %sub3A_79 = arith.subi %add3A_77, %sub3A_78 : i32
      %lt3A_80 = arith.constant 40 : i32
      %lt3A_81 = arith.cmpi slt, %sub3A_79, %lt3A_80 : i32
      %convert_element_type3A_82 = arith.extui %lt3A_81 : i1 to i32
      %cond3A_83 = arith.constant 0 : i32
      %cond3A_84 = arith.cmpi ne, %convert_element_type3A_82, %cond3A_83 : i32
      scf.if %cond3A_84 {
        %dma_start3A_101 = arith.constant 0 : i32
        %dma_start3A_102 = tpu.memref_slice %arg10[%sub3A_79, %dma_start3A_101] : memref<40x128xi32, #tpu.memory_space<vmem>> -> memref<1x128xi32, #tpu.memory_space<vmem>>
        %dma_start3A_103 = tpu.memref_squeeze %dma_start3A_102 : memref<1x128xi32, #tpu.memory_space<vmem>> -> memref<128xi32, #tpu.memory_space<vmem>>
        %dma_start3A_104 = arith.constant 0 : i32
        %dma_start3A_105 = arith.constant 0 : i32
        %dma_start3A_106 = tpu.memref_slice %arg2[%dma_start3A_104, %dma_start3A_105] : memref<10000x128xf32, #tpu.memory_space<hbm>> -> memref<10000x128xf32, #tpu.memory_space<hbm>>
        tpu.enqueue_indirect_dma source(%dma_start3A_106 : memref<10000x128xf32, #tpu.memory_space<hbm>>) target(%arg12 : memref<128x128xf32, #tpu.memory_space<vmem>>) offsets(%dma_start3A_103 : memref<128xi32, #tpu.memory_space<vmem>>) semaphore(%arg17 : memref<!tpu.dma_semaphore, #tpu.memory_space<semaphore_mem>>)
      } else {
      }
      %dma_wait3A_85 = arith.constant 0 : i32
      %dma_wait3A_86 = tpu.memref_slice %arg10[%add3A_75, %dma_wait3A_85] : memref<40x128xi32, #tpu.memory_space<vmem>> -> memref<1x128xi32, #tpu.memory_space<vmem>>
      %dma_wait3A_87 = tpu.memref_squeeze %dma_wait3A_86 : memref<1x128xi32, #tpu.memory_space<vmem>> -> memref<128xi32, #tpu.memory_space<vmem>>
      %dma_wait3A_88 = arith.constant 0 : i32
      %dma_wait3A_89 = arith.constant 0 : i32
      %dma_wait3A_90 = tpu.memref_slice %arg2[%dma_wait3A_88, %dma_wait3A_89] : memref<10000x128xf32, #tpu.memory_space<hbm>> -> memref<10000x128xf32, #tpu.memory_space<hbm>>
      tpu.wait_indirect_dma semaphore(%arg18 : memref<!tpu.dma_semaphore, #tpu.memory_space<semaphore_mem>>) src(%dma_wait3A_90 : memref<10000x128xf32, #tpu.memory_space<hbm>>) dst(%arg13 : memref<128x128xf32, #tpu.memory_space<vmem>>)
      %gt3A_91 = arith.constant 0 : i32
      %gt3A_92 = arith.cmpi sgt, %add3A_75, %gt3A_91 : i32
      %convert_element_type3A_93 = arith.extui %gt3A_92 : i1 to i32
      %cond3A_94 = arith.constant 0 : i32
      %cond3A_95 = arith.cmpi ne, %convert_element_type3A_93, %cond3A_94 : i32
      scf.if %cond3A_95 {
        %sub3A_101 = arith.constant 1 : i32
        %sub3A_102 = arith.subi %add3A_75, %sub3A_101 : i32
        %dma_wait3A_103 = arith.constant 0 : i32
        %dma_wait3A_104 = tpu.memref_slice %arg11[%sub3A_102, %dma_wait3A_103] : memref<40x128xi32, #tpu.memory_space<vmem>> -> memref<1x128xi32, #tpu.memory_space<vmem>>
        %dma_wait3A_105 = tpu.memref_squeeze %dma_wait3A_104 : memref<1x128xi32, #tpu.memory_space<vmem>> -> memref<128xi32, #tpu.memory_space<vmem>>
        %dma_wait3A_106 = arith.constant 0 : i32
        %dma_wait3A_107 = tpu.memref_slice %arg16[%dma_wait3A_106] : memref<10240xf32, #tpu.memory_space<vmem_shared>> -> memref<10240xf32, #tpu.memory_space<vmem_shared>>
        tpu.wait_indirect_dma semaphore(%arg19 : memref<!tpu.dma_semaphore, #tpu.memory_space<semaphore_mem>>) src(%arg14 : memref<128xf32, #tpu.memory_space<vmem>>) dst(%dma_wait3A_107 : memref<10240xf32, #tpu.memory_space<vmem_shared>>)
      } else {
      }
      %dma_start3A_96 = arith.constant 0 : i32
      %dma_start3A_97 = tpu.memref_slice %arg11[%add3A_75, %dma_start3A_96] : memref<40x128xi32, #tpu.memory_space<vmem>> -> memref<1x128xi32, #tpu.memory_space<vmem>>
      %dma_start3A_98 = tpu.memref_squeeze %dma_start3A_97 : memref<1x128xi32, #tpu.memory_space<vmem>> -> memref<128xi32, #tpu.memory_space<vmem>>
      %dma_start3A_99 = arith.constant 0 : i32
      %dma_start3A_100 = tpu.memref_slice %arg16[%dma_start3A_99] : memref<10240xf32, #tpu.memory_space<vmem_shared>> -> memref<10240xf32, #tpu.memory_space<vmem_shared>>
      tpu.enqueue_indirect_dma source(%arg14 : memref<128xf32, #tpu.memory_space<vmem>>) target(%dma_start3A_100 : memref<10240xf32, #tpu.memory_space<vmem_shared>>) offsets(%dma_start3A_98 : memref<128xi32, #tpu.memory_space<vmem>>) semaphore(%arg19 : memref<!tpu.dma_semaphore, #tpu.memory_space<semaphore_mem>>) {add = true}
      "tpu.region"() ({
        %run_scoped3A = tpu.sem_alloc : memref<!tpu.dma_semaphore, #tpu.memory_space<semaphore_mem>>
        %dma_start3A_101 = arith.constant 0 : i32
        %dma_start3A_102 = tpu.memref_slice %arg11[%add3A_75, %dma_start3A_101] : memref<40x128xi32, #tpu.memory_space<vmem>> -> memref<1x128xi32, #tpu.memory_space<vmem>>
        %dma_start3A_103 = tpu.memref_squeeze %dma_start3A_102 : memref<1x128xi32, #tpu.memory_space<vmem>> -> memref<128xi32, #tpu.memory_space<vmem>>
        %dma_start3A_104 = arith.constant 0 : i32
        %dma_start3A_105 = arith.constant 0 : i32
        %dma_start3A_106 = tpu.memref_slice %arg15[%dma_start3A_104, %dma_start3A_105] : memref<10240x128xf32, #tpu.memory_space<vmem_shared>> -> memref<10240x128xf32, #tpu.memory_space<vmem_shared>>
        tpu.enqueue_indirect_dma source(%arg13 : memref<128x128xf32, #tpu.memory_space<vmem>>) target(%dma_start3A_106 : memref<10240x128xf32, #tpu.memory_space<vmem_shared>>) offsets(%dma_start3A_103 : memref<128xi32, #tpu.memory_space<vmem>>) semaphore(%run_scoped3A : memref<!tpu.dma_semaphore, #tpu.memory_space<semaphore_mem>>) {add = true}
        %dma_wait3A_107 = arith.constant 0 : i32
        %dma_wait3A_108 = tpu.memref_slice %arg11[%add3A_75, %dma_wait3A_107] : memref<40x128xi32, #tpu.memory_space<vmem>> -> memref<1x128xi32, #tpu.memory_space<vmem>>
        %dma_wait3A_109 = tpu.memref_squeeze %dma_wait3A_108 : memref<1x128xi32, #tpu.memory_space<vmem>> -> memref<128xi32, #tpu.memory_space<vmem>>
        %dma_wait3A_110 = arith.constant 0 : i32
        %dma_wait3A_111 = arith.constant 0 : i32
        %dma_wait3A_112 = tpu.memref_slice %arg15[%dma_wait3A_110, %dma_wait3A_111] : memref<10240x128xf32, #tpu.memory_space<vmem_shared>> -> memref<10240x128xf32, #tpu.memory_space<vmem_shared>>
        tpu.wait_indirect_dma semaphore(%run_scoped3A : memref<!tpu.dma_semaphore, #tpu.memory_space<semaphore_mem>>) src(%arg13 : memref<128x128xf32, #tpu.memory_space<vmem>>) dst(%dma_wait3A_112 : memref<10240x128xf32, #tpu.memory_space<vmem_shared>>)
        tpu.yield
      }) : () -> ()
    }
    %scan3A_33 = arith.constant 20 : i32
    %dma_wait3A_34 = arith.constant 39 : i32
    %dma_wait3A_35 = arith.constant 0 : i32
    %dma_wait3A_36 = tpu.memref_slice %arg11[%dma_wait3A_34, %dma_wait3A_35] : memref<40x128xi32, #tpu.memory_space<vmem>> -> memref<1x128xi32, #tpu.memory_space<vmem>>
    %dma_wait3A_37 = tpu.memref_squeeze %dma_wait3A_36 : memref<1x128xi32, #tpu.memory_space<vmem>> -> memref<128xi32, #tpu.memory_space<vmem>>
    %dma_wait3A_38 = arith.constant 0 : i32
    %dma_wait3A_39 = tpu.memref_slice %arg16[%dma_wait3A_38] : memref<10240xf32, #tpu.memory_space<vmem_shared>> -> memref<10240xf32, #tpu.memory_space<vmem_shared>>
    tpu.wait_indirect_dma semaphore(%arg19 : memref<!tpu.dma_semaphore, #tpu.memory_space<semaphore_mem>>) src(%arg14 : memref<128xf32, #tpu.memory_space<vmem>>) dst(%dma_wait3A_39 : memref<10240xf32, #tpu.memory_space<vmem_shared>>)
    %barrier3A_40 = arith.constant 0 : index
    tpu.barrier barrier_id(%barrier3A_40)
    %mul3A_41 = arith.constant 640 : i32
    %mul3A_42 = arith.muli %arg1, %mul3A_41 : i32
    %mul3A_43 = arith.constant 640 : i32
    %mul3A_44 = arith.muli %arg1, %mul3A_43 : i32
    "tpu.region"() ({
      %run_scoped3A = tpu.sem_alloc : memref<!tpu.dma_semaphore, #tpu.memory_space<semaphore_mem>>
      %dma_start3A_49 = arith.constant 0 : i32
      %dma_start3A_50 = tpu.memref_slice %arg8[%arg0, %mul3A_44, %dma_start3A_49] : memref<2x10240x128xf32, #tpu.memory_space<hbm>> -> memref<1x640x128xf32, #tpu.memory_space<hbm>>
      %dma_start3A_51 = tpu.memref_squeeze %dma_start3A_50 : memref<1x640x128xf32, #tpu.memory_space<hbm>> -> memref<640x128xf32, #tpu.memory_space<hbm>>
      %dma_start3A_52 = arith.constant 0 : i32
      %dma_start3A_53 = tpu.memref_slice %arg15[%mul3A_42, %dma_start3A_52] : memref<10240x128xf32, #tpu.memory_space<vmem_shared>> -> memref<640x128xf32, #tpu.memory_space<vmem_shared>>
      tpu.enqueue_dma source(%dma_start3A_53 : memref<640x128xf32, #tpu.memory_space<vmem_shared>>) target(%dma_start3A_51 : memref<640x128xf32, #tpu.memory_space<hbm>>) target_semaphore(%run_scoped3A : memref<!tpu.dma_semaphore, #tpu.memory_space<semaphore_mem>>)
      %dma_wait3A_54 = arith.constant 0 : i32
      %dma_wait3A_55 = tpu.memref_slice %arg8[%arg0, %mul3A_44, %dma_wait3A_54] : memref<2x10240x128xf32, #tpu.memory_space<hbm>> -> memref<1x640x128xf32, #tpu.memory_space<hbm>>
      %dma_wait3A_56 = tpu.memref_squeeze %dma_wait3A_55 : memref<1x640x128xf32, #tpu.memory_space<hbm>> -> memref<640x128xf32, #tpu.memory_space<hbm>>
      %dma_wait3A_57 = arith.constant 0 : i32
      %dma_wait3A_58 = tpu.memref_slice %arg15[%mul3A_42, %dma_wait3A_57] : memref<10240x128xf32, #tpu.memory_space<vmem_shared>> -> memref<640x128xf32, #tpu.memory_space<vmem_shared>>
      tpu.wait_dma2 semaphore(%run_scoped3A : memref<!tpu.dma_semaphore, #tpu.memory_space<semaphore_mem>>) src(%dma_wait3A_58 : memref<640x128xf32, #tpu.memory_space<vmem_shared>>) dst(%dma_wait3A_56 : memref<640x128xf32, #tpu.memory_space<hbm>>)
      tpu.yield
    }) : () -> ()
    %mul3A_45 = arith.constant 640 : i32
    %mul3A_46 = arith.muli %arg1, %mul3A_45 : i32
    %mul3A_47 = arith.constant 640 : i32
    %mul3A_48 = arith.muli %arg1, %mul3A_47 : i32
    "tpu.region"() ({
      %run_scoped3A = tpu.sem_alloc : memref<!tpu.dma_semaphore, #tpu.memory_space<semaphore_mem>>
      %dma_start3A_49 = tpu.memref_slice %arg9[%arg0, %mul3A_48] : memref<2x10240xf32, #tpu.memory_space<hbm>> -> memref<1x640xf32, #tpu.memory_space<hbm>>
      %dma_start3A_50 = tpu.memref_squeeze %dma_start3A_49 : memref<1x640xf32, #tpu.memory_space<hbm>> -> memref<640xf32, #tpu.memory_space<hbm>>
      %dma_start3A_51 = tpu.memref_slice %arg16[%mul3A_46] : memref<10240xf32, #tpu.memory_space<vmem_shared>> -> memref<640xf32, #tpu.memory_space<vmem_shared>>
      tpu.enqueue_dma source(%dma_start3A_51 : memref<640xf32, #tpu.memory_space<vmem_shared>>) target(%dma_start3A_50 : memref<640xf32, #tpu.memory_space<hbm>>) target_semaphore(%run_scoped3A : memref<!tpu.dma_semaphore, #tpu.memory_space<semaphore_mem>>)
      %dma_wait3A_52 = tpu.memref_slice %arg9[%arg0, %mul3A_48] : memref<2x10240xf32, #tpu.memory_space<hbm>> -> memref<1x640xf32, #tpu.memory_space<hbm>>
      %dma_wait3A_53 = tpu.memref_squeeze %dma_wait3A_52 : memref<1x640xf32, #tpu.memory_space<hbm>> -> memref<640xf32, #tpu.memory_space<hbm>>
      %dma_wait3A_54 = tpu.memref_slice %arg16[%mul3A_46] : memref<10240xf32, #tpu.memory_space<vmem_shared>> -> memref<640xf32, #tpu.memory_space<vmem_shared>>
      tpu.wait_dma2 semaphore(%run_scoped3A : memref<!tpu.dma_semaphore, #tpu.memory_space<semaphore_mem>>) src(%dma_wait3A_54 : memref<640xf32, #tpu.memory_space<vmem_shared>>) dst(%dma_wait3A_53 : memref<640xf32, #tpu.memory_space<hbm>>)
      tpu.yield
    }) : () -> ()
    return
  }
}

#map = affine_map<(d0, d1) -> (0, 0)>
#map1 = affine_map<(d0, d1) -> (0, 0, 0)>
#map2 = affine_map<(d0, d1) -> (0)>
module attributes {stable_mosaic.version = 14 : i64} {
  func.func @agg_kernel(%arg0: i32, %arg1: i32, %arg2: memref<10000x128xf32, #tpu.memory_space<hbm>>, %arg3: memref<32x80x128xi32, #tpu.memory_space<hbm>>, %arg4: memref<32x80x128xi32, #tpu.memory_space<hbm>>, %arg5: memref<640x128xf32, #tpu.memory_space<hbm>>, %arg6: memref<640xf32, #tpu.memory_space<hbm>>, %arg7: memref<128xf32, #tpu.memory_space<hbm>>, %arg8: memref<2x10240x128xf32, #tpu.memory_space<hbm>>, %arg9: memref<2x10240xf32, #tpu.memory_space<hbm>>, %arg10: memref<40x128xi32, #tpu.memory_space<vmem>>, %arg11: memref<40x128xi32, #tpu.memory_space<vmem>>, %arg12: memref<128x128xf32, #tpu.memory_space<vmem>>, %arg13: memref<128x128xf32, #tpu.memory_space<vmem>>, %arg14: memref<128xf32, #tpu.memory_space<vmem>>, %arg15: memref<10240x128xf32, #tpu.memory_space<vmem_shared>>, %arg16: memref<10240xf32, #tpu.memory_space<vmem_shared>>, %arg17: memref<!tpu.dma_semaphore, #tpu.memory_space<semaphore_mem>>, %arg18: memref<!tpu.dma_semaphore, #tpu.memory_space<semaphore_mem>>, %arg19: memref<!tpu.dma_semaphore, #tpu.memory_space<semaphore_mem>>) attributes {dimension_semantics = [#tpu.dimension_semantics<core_parallel>, #tpu.dimension_semantics<subcore_parallel>], iteration_bounds = array<i64: 2, 16>, scalar_prefetch = 0 : i64, scratch_operands = 10 : i64, tpu.core_type = #tpu.core_type<sc_vector_subcore>, window_params = [{transform_indices = #map}, {transform_indices = #map1}, {transform_indices = #map1}, {transform_indices = #map}, {transform_indices = #map2}, {transform_indices = #map2}, {transform_indices = #map1}, {transform_indices = #map}]} {
    %mul3A = arith.constant 16 : i32
    %mul3A_0 = arith.muli %arg0, %mul3A : i32
    %add3A = arith.addi %mul3A_0, %arg1 : i32
    %mul3A_1 = arith.constant 640 : i32
    %mul3A_2 = arith.muli %arg1, %mul3A_1 : i32
    "tpu.region"() ({
      %run_scoped3A = tpu.sem_alloc : memref<!tpu.dma_semaphore, #tpu.memory_space<semaphore_mem>>
      %dma_start3A_49 = arith.constant 0 : i32
      %dma_start3A_50 = tpu.memref_slice %arg15[%mul3A_2, %dma_start3A_49] : memref<10240x128xf32, #tpu.memory_space<vmem_shared>> -> memref<640x128xf32, #tpu.memory_space<vmem_shared>>
      tpu.enqueue_dma source(%arg5 : memref<640x128xf32, #tpu.memory_space<hbm>>) target(%dma_start3A_50 : memref<640x128xf32, #tpu.memory_space<vmem_shared>>) target_semaphore(%run_scoped3A : memref<!tpu.dma_semaphore, #tpu.memory_space<semaphore_mem>>)
      %dma_wait3A_51 = arith.constant 0 : i32
      %dma_wait3A_52 = tpu.memref_slice %arg15[%mul3A_2, %dma_wait3A_51] : memref<10240x128xf32, #tpu.memory_space<vmem_shared>> -> memref<640x128xf32, #tpu.memory_space<vmem_shared>>
      tpu.wait_dma2 semaphore(%run_scoped3A : memref<!tpu.dma_semaphore, #tpu.memory_space<semaphore_mem>>) src(%arg5 : memref<640x128xf32, #tpu.memory_space<hbm>>) dst(%dma_wait3A_52 : memref<640x128xf32, #tpu.memory_space<vmem_shared>>)
      tpu.yield
    }) : () -> ()
    %mul3A_3 = arith.constant 640 : i32
    %mul3A_4 = arith.muli %arg1, %mul3A_3 : i32
    "tpu.region"() ({
      %run_scoped3A = tpu.sem_alloc : memref<!tpu.dma_semaphore, #tpu.memory_space<semaphore_mem>>
      %dma_start3A_49 = tpu.memref_slice %arg16[%mul3A_4] : memref<10240xf32, #tpu.memory_space<vmem_shared>> -> memref<640xf32, #tpu.memory_space<vmem_shared>>
      tpu.enqueue_dma source(%arg6 : memref<640xf32, #tpu.memory_space<hbm>>) target(%dma_start3A_49 : memref<640xf32, #tpu.memory_space<vmem_shared>>) target_semaphore(%run_scoped3A : memref<!tpu.dma_semaphore, #tpu.memory_space<semaphore_mem>>)
      %dma_wait3A_50 = tpu.memref_slice %arg16[%mul3A_4] : memref<10240xf32, #tpu.memory_space<vmem_shared>> -> memref<640xf32, #tpu.memory_space<vmem_shared>>
      tpu.wait_dma2 semaphore(%run_scoped3A : memref<!tpu.dma_semaphore, #tpu.memory_space<semaphore_mem>>) src(%arg6 : memref<640xf32, #tpu.memory_space<hbm>>) dst(%dma_wait3A_50 : memref<640xf32, #tpu.memory_space<vmem_shared>>)
      tpu.yield
    }) : () -> ()
    "tpu.region"() ({
      %run_scoped3A = tpu.sem_alloc : memref<!tpu.dma_semaphore, #tpu.memory_space<semaphore_mem>>
      tpu.enqueue_dma source(%arg7 : memref<128xf32, #tpu.memory_space<hbm>>) target(%arg14 : memref<128xf32, #tpu.memory_space<vmem>>) target_semaphore(%run_scoped3A : memref<!tpu.dma_semaphore, #tpu.memory_space<semaphore_mem>>)
      tpu.wait_dma2 semaphore(%run_scoped3A : memref<!tpu.dma_semaphore, #tpu.memory_space<semaphore_mem>>) src(%arg7 : memref<128xf32, #tpu.memory_space<hbm>>) dst(%arg14 : memref<128xf32, #tpu.memory_space<vmem>>)
      tpu.yield
    }) : () -> ()
    %barrier3A = arith.constant 0 : index
    tpu.barrier barrier_id(%barrier3A)
    "tpu.region"() ({
      %run_scoped3A = tpu.sem_alloc : memref<!tpu.dma_semaphore, #tpu.memory_space<semaphore_mem>>
      %dma_start3A_49 = arith.constant 0 : i32
      %dma_start3A_50 = arith.constant 0 : i32
      %dma_start3A_51 = tpu.memref_slice %arg3[%add3A, %dma_start3A_49, %dma_start3A_50] : memref<32x80x128xi32, #tpu.memory_space<hbm>> -> memref<1x40x128xi32, #tpu.memory_space<hbm>>
      %dma_start3A_52 = tpu.memref_squeeze %dma_start3A_51 : memref<1x40x128xi32, #tpu.memory_space<hbm>> -> memref<40x128xi32, #tpu.memory_space<hbm>>
      %dma_start3A_53 = arith.constant 0 : i32
      %dma_start3A_54 = arith.constant 0 : i32
      %dma_start3A_55 = tpu.memref_slice %arg3[%add3A, %dma_start3A_53, %dma_start3A_54] : memref<32x80x128xi32, #tpu.memory_space<hbm>> -> memref<1x40x128xi32, #tpu.memory_space<hbm>>
      %dma_start3A_56 = tpu.memref_squeeze %dma_start3A_55 : memref<1x40x128xi32, #tpu.memory_space<hbm>> -> memref<40x128xi32, #tpu.memory_space<hbm>>
      tpu.enqueue_dma source(%dma_start3A_56 : memref<40x128xi32, #tpu.memory_space<hbm>>) target(%arg10 : memref<40x128xi32, #tpu.memory_space<vmem>>) target_semaphore(%run_scoped3A : memref<!tpu.dma_semaphore, #tpu.memory_space<semaphore_mem>>)
      %dma_wait3A_57 = arith.constant 0 : i32
      %dma_wait3A_58 = arith.constant 0 : i32
      %dma_wait3A_59 = tpu.memref_slice %arg3[%add3A, %dma_wait3A_57, %dma_wait3A_58] : memref<32x80x128xi32, #tpu.memory_space<hbm>> -> memref<1x40x128xi32, #tpu.memory_space<hbm>>
      %dma_wait3A_60 = tpu.memref_squeeze %dma_wait3A_59 : memref<1x40x128xi32, #tpu.memory_space<hbm>> -> memref<40x128xi32, #tpu.memory_space<hbm>>
      %dma_wait3A_61 = arith.constant 0 : i32
      %dma_wait3A_62 = arith.constant 0 : i32
      %dma_wait3A_63 = tpu.memref_slice %arg3[%add3A, %dma_wait3A_61, %dma_wait3A_62] : memref<32x80x128xi32, #tpu.memory_space<hbm>> -> memref<1x40x128xi32, #tpu.memory_space<hbm>>
      %dma_wait3A_64 = tpu.memref_squeeze %dma_wait3A_63 : memref<1x40x128xi32, #tpu.memory_space<hbm>> -> memref<40x128xi32, #tpu.memory_space<hbm>>
      tpu.wait_dma2 semaphore(%run_scoped3A : memref<!tpu.dma_semaphore, #tpu.memory_space<semaphore_mem>>) src(%dma_wait3A_64 : memref<40x128xi32, #tpu.memory_space<hbm>>) dst(%arg10 : memref<40x128xi32, #tpu.memory_space<vmem>>)
      tpu.yield
    }) : () -> ()
    "tpu.region"() ({
      %run_scoped3A = tpu.sem_alloc : memref<!tpu.dma_semaphore, #tpu.memory_space<semaphore_mem>>
      %dma_start3A_49 = arith.constant 0 : i32
      %dma_start3A_50 = arith.constant 0 : i32
      %dma_start3A_51 = tpu.memref_slice %arg4[%add3A, %dma_start3A_49, %dma_start3A_50] : memref<32x80x128xi32, #tpu.memory_space<hbm>> -> memref<1x40x128xi32, #tpu.memory_space<hbm>>
      %dma_start3A_52 = tpu.memref_squeeze %dma_start3A_51 : memref<1x40x128xi32, #tpu.memory_space<hbm>> -> memref<40x128xi32, #tpu.memory_space<hbm>>
      %dma_start3A_53 = arith.constant 0 : i32
      %dma_start3A_54 = arith.constant 0 : i32
      %dma_start3A_55 = tpu.memref_slice %arg4[%add3A, %dma_start3A_53, %dma_start3A_54] : memref<32x80x128xi32, #tpu.memory_space<hbm>> -> memref<1x40x128xi32, #tpu.memory_space<hbm>>
      %dma_start3A_56 = tpu.memref_squeeze %dma_start3A_55 : memref<1x40x128xi32, #tpu.memory_space<hbm>> -> memref<40x128xi32, #tpu.memory_space<hbm>>
      tpu.enqueue_dma source(%dma_start3A_56 : memref<40x128xi32, #tpu.memory_space<hbm>>) target(%arg11 : memref<40x128xi32, #tpu.memory_space<vmem>>) target_semaphore(%run_scoped3A : memref<!tpu.dma_semaphore, #tpu.memory_space<semaphore_mem>>)
      %dma_wait3A_57 = arith.constant 0 : i32
      %dma_wait3A_58 = arith.constant 0 : i32
      %dma_wait3A_59 = tpu.memref_slice %arg4[%add3A, %dma_wait3A_57, %dma_wait3A_58] : memref<32x80x128xi32, #tpu.memory_space<hbm>> -> memref<1x40x128xi32, #tpu.memory_space<hbm>>
      %dma_wait3A_60 = tpu.memref_squeeze %dma_wait3A_59 : memref<1x40x128xi32, #tpu.memory_space<hbm>> -> memref<40x128xi32, #tpu.memory_space<hbm>>
      %dma_wait3A_61 = arith.constant 0 : i32
      %dma_wait3A_62 = arith.constant 0 : i32
      %dma_wait3A_63 = tpu.memref_slice %arg4[%add3A, %dma_wait3A_61, %dma_wait3A_62] : memref<32x80x128xi32, #tpu.memory_space<hbm>> -> memref<1x40x128xi32, #tpu.memory_space<hbm>>
      %dma_wait3A_64 = tpu.memref_squeeze %dma_wait3A_63 : memref<1x40x128xi32, #tpu.memory_space<hbm>> -> memref<40x128xi32, #tpu.memory_space<hbm>>
      tpu.wait_dma2 semaphore(%run_scoped3A : memref<!tpu.dma_semaphore, #tpu.memory_space<semaphore_mem>>) src(%dma_wait3A_64 : memref<40x128xi32, #tpu.memory_space<hbm>>) dst(%arg11 : memref<40x128xi32, #tpu.memory_space<vmem>>)
      tpu.yield
    }) : () -> ()
    %dma_start3A = arith.constant 0 : i32
    %dma_start3A_5 = arith.constant 0 : i32
    %dma_start3A_6 = tpu.memref_slice %arg10[%dma_start3A, %dma_start3A_5] : memref<40x128xi32, #tpu.memory_space<vmem>> -> memref<1x128xi32, #tpu.memory_space<vmem>>
    %dma_start3A_7 = tpu.memref_squeeze %dma_start3A_6 : memref<1x128xi32, #tpu.memory_space<vmem>> -> memref<128xi32, #tpu.memory_space<vmem>>
    %dma_start3A_8 = arith.constant 0 : i32
    %dma_start3A_9 = arith.constant 0 : i32
    %dma_start3A_10 = tpu.memref_slice %arg2[%dma_start3A_8, %dma_start3A_9] : memref<10000x128xf32, #tpu.memory_space<hbm>> -> memref<10000x128xf32, #tpu.memory_space<hbm>>
    tpu.enqueue_indirect_dma source(%dma_start3A_10 : memref<10000x128xf32, #tpu.memory_space<hbm>>) target(%arg12 : memref<128x128xf32, #tpu.memory_space<vmem>>) offsets(%dma_start3A_7 : memref<128xi32, #tpu.memory_space<vmem>>) semaphore(%arg17 : memref<!tpu.dma_semaphore, #tpu.memory_space<semaphore_mem>>)
    %scan3A = arith.constant 0 : i32
    %scan3A_11 = arith.constant 0 : i32
    %scan3A_12 = arith.constant 20 : i32
    %scan3A_13 = arith.addi %scan3A_11, %scan3A_12 : i32
    %scan3A_14 = arith.constant 1 : i32
    scf.for %scan3A_49 = %scan3A_11 to %scan3A_13 step %scan3A_14  : i32 {
      %mul3A_50 = arith.constant 2 : i32
      %mul3A_51 = arith.muli %scan3A_49, %mul3A_50 : i32
      %add3A_52 = arith.constant 0 : i32
      %add3A_53 = arith.addi %mul3A_51, %add3A_52 : i32
      %add3A_54 = arith.constant 2 : i32
      %add3A_55 = arith.addi %add3A_53, %add3A_54 : i32
      %sub3A = arith.constant 1 : i32
      %sub3A_56 = arith.subi %add3A_55, %sub3A : i32
      %lt3A = arith.constant 40 : i32
      %lt3A_57 = arith.cmpi slt, %sub3A_56, %lt3A : i32
      %convert_element_type3A = arith.extui %lt3A_57 : i1 to i32
      %cond3A = arith.constant 0 : i32
      %cond3A_58 = arith.cmpi ne, %convert_element_type3A, %cond3A : i32
      scf.if %cond3A_58 {
        %dma_start3A_101 = arith.constant 0 : i32
        %dma_start3A_102 = tpu.memref_slice %arg10[%sub3A_56, %dma_start3A_101] : memref<40x128xi32, #tpu.memory_space<vmem>> -> memref<1x128xi32, #tpu.memory_space<vmem>>
        %dma_start3A_103 = tpu.memref_squeeze %dma_start3A_102 : memref<1x128xi32, #tpu.memory_space<vmem>> -> memref<128xi32, #tpu.memory_space<vmem>>
        %dma_start3A_104 = arith.constant 0 : i32
        %dma_start3A_105 = arith.constant 0 : i32
        %dma_start3A_106 = tpu.memref_slice %arg2[%dma_start3A_104, %dma_start3A_105] : memref<10000x128xf32, #tpu.memory_space<hbm>> -> memref<10000x128xf32, #tpu.memory_space<hbm>>
        tpu.enqueue_indirect_dma source(%dma_start3A_106 : memref<10000x128xf32, #tpu.memory_space<hbm>>) target(%arg13 : memref<128x128xf32, #tpu.memory_space<vmem>>) offsets(%dma_start3A_103 : memref<128xi32, #tpu.memory_space<vmem>>) semaphore(%arg18 : memref<!tpu.dma_semaphore, #tpu.memory_space<semaphore_mem>>)
      } else {
      }
      %dma_wait3A_59 = arith.constant 0 : i32
      %dma_wait3A_60 = tpu.memref_slice %arg10[%add3A_53, %dma_wait3A_59] : memref<40x128xi32, #tpu.memory_space<vmem>> -> memref<1x128xi32, #tpu.memory_space<vmem>>
      %dma_wait3A_61 = tpu.memref_squeeze %dma_wait3A_60 : memref<1x128xi32, #tpu.memory_space<vmem>> -> memref<128xi32, #tpu.memory_space<vmem>>
      %dma_wait3A_62 = arith.constant 0 : i32
      %dma_wait3A_63 = arith.constant 0 : i32
      %dma_wait3A_64 = tpu.memref_slice %arg2[%dma_wait3A_62, %dma_wait3A_63] : memref<10000x128xf32, #tpu.memory_space<hbm>> -> memref<10000x128xf32, #tpu.memory_space<hbm>>
      tpu.wait_indirect_dma semaphore(%arg17 : memref<!tpu.dma_semaphore, #tpu.memory_space<semaphore_mem>>) src(%dma_wait3A_64 : memref<10000x128xf32, #tpu.memory_space<hbm>>) dst(%arg12 : memref<128x128xf32, #tpu.memory_space<vmem>>)
      %gt3A = arith.constant 0 : i32
      %gt3A_65 = arith.cmpi sgt, %add3A_53, %gt3A : i32
      %convert_element_type3A_66 = arith.extui %gt3A_65 : i1 to i32
      %cond3A_67 = arith.constant 0 : i32
      %cond3A_68 = arith.cmpi ne, %convert_element_type3A_66, %cond3A_67 : i32
      scf.if %cond3A_68 {
        %sub3A_101 = arith.constant 1 : i32
        %sub3A_102 = arith.subi %add3A_53, %sub3A_101 : i32
        %dma_wait3A_103 = arith.constant 0 : i32
        %dma_wait3A_104 = tpu.memref_slice %arg11[%sub3A_102, %dma_wait3A_103] : memref<40x128xi32, #tpu.memory_space<vmem>> -> memref<1x128xi32, #tpu.memory_space<vmem>>
        %dma_wait3A_105 = tpu.memref_squeeze %dma_wait3A_104 : memref<1x128xi32, #tpu.memory_space<vmem>> -> memref<128xi32, #tpu.memory_space<vmem>>
        %dma_wait3A_106 = arith.constant 0 : i32
        %dma_wait3A_107 = tpu.memref_slice %arg16[%dma_wait3A_106] : memref<10240xf32, #tpu.memory_space<vmem_shared>> -> memref<10240xf32, #tpu.memory_space<vmem_shared>>
        tpu.wait_indirect_dma semaphore(%arg19 : memref<!tpu.dma_semaphore, #tpu.memory_space<semaphore_mem>>) src(%arg14 : memref<128xf32, #tpu.memory_space<vmem>>) dst(%dma_wait3A_107 : memref<10240xf32, #tpu.memory_space<vmem_shared>>)
      } else {
      }
      %dma_start3A_69 = arith.constant 0 : i32
      %dma_start3A_70 = tpu.memref_slice %arg11[%add3A_53, %dma_start3A_69] : memref<40x128xi32, #tpu.memory_space<vmem>> -> memref<1x128xi32, #tpu.memory_space<vmem>>
      %dma_start3A_71 = tpu.memref_squeeze %dma_start3A_70 : memref<1x128xi32, #tpu.memory_space<vmem>> -> memref<128xi32, #tpu.memory_space<vmem>>
      %dma_start3A_72 = arith.constant 0 : i32
      %dma_start3A_73 = tpu.memref_slice %arg16[%dma_start3A_72] : memref<10240xf32, #tpu.memory_space<vmem_shared>> -> memref<10240xf32, #tpu.memory_space<vmem_shared>>
      tpu.enqueue_indirect_dma source(%arg14 : memref<128xf32, #tpu.memory_space<vmem>>) target(%dma_start3A_73 : memref<10240xf32, #tpu.memory_space<vmem_shared>>) offsets(%dma_start3A_71 : memref<128xi32, #tpu.memory_space<vmem>>) semaphore(%arg19 : memref<!tpu.dma_semaphore, #tpu.memory_space<semaphore_mem>>) {add = true}
      "tpu.region"() ({
        %run_scoped3A = tpu.sem_alloc : memref<!tpu.dma_semaphore, #tpu.memory_space<semaphore_mem>>
        %dma_start3A_101 = arith.constant 0 : i32
        %dma_start3A_102 = tpu.memref_slice %arg11[%add3A_53, %dma_start3A_101] : memref<40x128xi32, #tpu.memory_space<vmem>> -> memref<1x128xi32, #tpu.memory_space<vmem>>
        %dma_start3A_103 = tpu.memref_squeeze %dma_start3A_102 : memref<1x128xi32, #tpu.memory_space<vmem>> -> memref<128xi32, #tpu.memory_space<vmem>>
        %dma_start3A_104 = arith.constant 0 : i32
        %dma_start3A_105 = arith.constant 0 : i32
        %dma_start3A_106 = tpu.memref_slice %arg15[%dma_start3A_104, %dma_start3A_105] : memref<10240x128xf32, #tpu.memory_space<vmem_shared>> -> memref<10240x128xf32, #tpu.memory_space<vmem_shared>>
        tpu.enqueue_indirect_dma source(%arg12 : memref<128x128xf32, #tpu.memory_space<vmem>>) target(%dma_start3A_106 : memref<10240x128xf32, #tpu.memory_space<vmem_shared>>) offsets(%dma_start3A_103 : memref<128xi32, #tpu.memory_space<vmem>>) semaphore(%run_scoped3A : memref<!tpu.dma_semaphore, #tpu.memory_space<semaphore_mem>>) {add = true}
        %dma_wait3A_107 = arith.constant 0 : i32
        %dma_wait3A_108 = tpu.memref_slice %arg11[%add3A_53, %dma_wait3A_107] : memref<40x128xi32, #tpu.memory_space<vmem>> -> memref<1x128xi32, #tpu.memory_space<vmem>>
        %dma_wait3A_109 = tpu.memref_squeeze %dma_wait3A_108 : memref<1x128xi32, #tpu.memory_space<vmem>> -> memref<128xi32, #tpu.memory_space<vmem>>
        %dma_wait3A_110 = arith.constant 0 : i32
        %dma_wait3A_111 = arith.constant 0 : i32
        %dma_wait3A_112 = tpu.memref_slice %arg15[%dma_wait3A_110, %dma_wait3A_111] : memref<10240x128xf32, #tpu.memory_space<vmem_shared>> -> memref<10240x128xf32, #tpu.memory_space<vmem_shared>>
        tpu.wait_indirect_dma semaphore(%run_scoped3A : memref<!tpu.dma_semaphore, #tpu.memory_space<semaphore_mem>>) src(%arg12 : memref<128x128xf32, #tpu.memory_space<vmem>>) dst(%dma_wait3A_112 : memref<10240x128xf32, #tpu.memory_space<vmem_shared>>)
        tpu.yield
      }) : () -> ()
      %add3A_74 = arith.constant 1 : i32
      %add3A_75 = arith.addi %mul3A_51, %add3A_74 : i32
      %add3A_76 = arith.constant 2 : i32
      %add3A_77 = arith.addi %add3A_75, %add3A_76 : i32
      %sub3A_78 = arith.constant 1 : i32
      %sub3A_79 = arith.subi %add3A_77, %sub3A_78 : i32
      %lt3A_80 = arith.constant 40 : i32
      %lt3A_81 = arith.cmpi slt, %sub3A_79, %lt3A_80 : i32
      %convert_element_type3A_82 = arith.extui %lt3A_81 : i1 to i32
      %cond3A_83 = arith.constant 0 : i32
      %cond3A_84 = arith.cmpi ne, %convert_element_type3A_82, %cond3A_83 : i32
      scf.if %cond3A_84 {
        %dma_start3A_101 = arith.constant 0 : i32
        %dma_start3A_102 = tpu.memref_slice %arg10[%sub3A_79, %dma_start3A_101] : memref<40x128xi32, #tpu.memory_space<vmem>> -> memref<1x128xi32, #tpu.memory_space<vmem>>
        %dma_start3A_103 = tpu.memref_squeeze %dma_start3A_102 : memref<1x128xi32, #tpu.memory_space<vmem>> -> memref<128xi32, #tpu.memory_space<vmem>>
        %dma_start3A_104 = arith.constant 0 : i32
        %dma_start3A_105 = arith.constant 0 : i32
        %dma_start3A_106 = tpu.memref_slice %arg2[%dma_start3A_104, %dma_start3A_105] : memref<10000x128xf32, #tpu.memory_space<hbm>> -> memref<10000x128xf32, #tpu.memory_space<hbm>>
        tpu.enqueue_indirect_dma source(%dma_start3A_106 : memref<10000x128xf32, #tpu.memory_space<hbm>>) target(%arg12 : memref<128x128xf32, #tpu.memory_space<vmem>>) offsets(%dma_start3A_103 : memref<128xi32, #tpu.memory_space<vmem>>) semaphore(%arg17 : memref<!tpu.dma_semaphore, #tpu.memory_space<semaphore_mem>>)
      } else {
      }
      %dma_wait3A_85 = arith.constant 0 : i32
      %dma_wait3A_86 = tpu.memref_slice %arg10[%add3A_75, %dma_wait3A_85] : memref<40x128xi32, #tpu.memory_space<vmem>> -> memref<1x128xi32, #tpu.memory_space<vmem>>
      %dma_wait3A_87 = tpu.memref_squeeze %dma_wait3A_86 : memref<1x128xi32, #tpu.memory_space<vmem>> -> memref<128xi32, #tpu.memory_space<vmem>>
      %dma_wait3A_88 = arith.constant 0 : i32
      %dma_wait3A_89 = arith.constant 0 : i32
      %dma_wait3A_90 = tpu.memref_slice %arg2[%dma_wait3A_88, %dma_wait3A_89] : memref<10000x128xf32, #tpu.memory_space<hbm>> -> memref<10000x128xf32, #tpu.memory_space<hbm>>
      tpu.wait_indirect_dma semaphore(%arg18 : memref<!tpu.dma_semaphore, #tpu.memory_space<semaphore_mem>>) src(%dma_wait3A_90 : memref<10000x128xf32, #tpu.memory_space<hbm>>) dst(%arg13 : memref<128x128xf32, #tpu.memory_space<vmem>>)
      %gt3A_91 = arith.constant 0 : i32
      %gt3A_92 = arith.cmpi sgt, %add3A_75, %gt3A_91 : i32
      %convert_element_type3A_93 = arith.extui %gt3A_92 : i1 to i32
      %cond3A_94 = arith.constant 0 : i32
      %cond3A_95 = arith.cmpi ne, %convert_element_type3A_93, %cond3A_94 : i32
      scf.if %cond3A_95 {
        %sub3A_101 = arith.constant 1 : i32
        %sub3A_102 = arith.subi %add3A_75, %sub3A_101 : i32
        %dma_wait3A_103 = arith.constant 0 : i32
        %dma_wait3A_104 = tpu.memref_slice %arg11[%sub3A_102, %dma_wait3A_103] : memref<40x128xi32, #tpu.memory_space<vmem>> -> memref<1x128xi32, #tpu.memory_space<vmem>>
        %dma_wait3A_105 = tpu.memref_squeeze %dma_wait3A_104 : memref<1x128xi32, #tpu.memory_space<vmem>> -> memref<128xi32, #tpu.memory_space<vmem>>
        %dma_wait3A_106 = arith.constant 0 : i32
        %dma_wait3A_107 = tpu.memref_slice %arg16[%dma_wait3A_106] : memref<10240xf32, #tpu.memory_space<vmem_shared>> -> memref<10240xf32, #tpu.memory_space<vmem_shared>>
        tpu.wait_indirect_dma semaphore(%arg19 : memref<!tpu.dma_semaphore, #tpu.memory_space<semaphore_mem>>) src(%arg14 : memref<128xf32, #tpu.memory_space<vmem>>) dst(%dma_wait3A_107 : memref<10240xf32, #tpu.memory_space<vmem_shared>>)
      } else {
      }
      %dma_start3A_96 = arith.constant 0 : i32
      %dma_start3A_97 = tpu.memref_slice %arg11[%add3A_75, %dma_start3A_96] : memref<40x128xi32, #tpu.memory_space<vmem>> -> memref<1x128xi32, #tpu.memory_space<vmem>>
      %dma_start3A_98 = tpu.memref_squeeze %dma_start3A_97 : memref<1x128xi32, #tpu.memory_space<vmem>> -> memref<128xi32, #tpu.memory_space<vmem>>
      %dma_start3A_99 = arith.constant 0 : i32
      %dma_start3A_100 = tpu.memref_slice %arg16[%dma_start3A_99] : memref<10240xf32, #tpu.memory_space<vmem_shared>> -> memref<10240xf32, #tpu.memory_space<vmem_shared>>
      tpu.enqueue_indirect_dma source(%arg14 : memref<128xf32, #tpu.memory_space<vmem>>) target(%dma_start3A_100 : memref<10240xf32, #tpu.memory_space<vmem_shared>>) offsets(%dma_start3A_98 : memref<128xi32, #tpu.memory_space<vmem>>) semaphore(%arg19 : memref<!tpu.dma_semaphore, #tpu.memory_space<semaphore_mem>>) {add = true}
      "tpu.region"() ({
        %run_scoped3A = tpu.sem_alloc : memref<!tpu.dma_semaphore, #tpu.memory_space<semaphore_mem>>
        %dma_start3A_101 = arith.constant 0 : i32
        %dma_start3A_102 = tpu.memref_slice %arg11[%add3A_75, %dma_start3A_101] : memref<40x128xi32, #tpu.memory_space<vmem>> -> memref<1x128xi32, #tpu.memory_space<vmem>>
        %dma_start3A_103 = tpu.memref_squeeze %dma_start3A_102 : memref<1x128xi32, #tpu.memory_space<vmem>> -> memref<128xi32, #tpu.memory_space<vmem>>
        %dma_start3A_104 = arith.constant 0 : i32
        %dma_start3A_105 = arith.constant 0 : i32
        %dma_start3A_106 = tpu.memref_slice %arg15[%dma_start3A_104, %dma_start3A_105] : memref<10240x128xf32, #tpu.memory_space<vmem_shared>> -> memref<10240x128xf32, #tpu.memory_space<vmem_shared>>
        tpu.enqueue_indirect_dma source(%arg13 : memref<128x128xf32, #tpu.memory_space<vmem>>) target(%dma_start3A_106 : memref<10240x128xf32, #tpu.memory_space<vmem_shared>>) offsets(%dma_start3A_103 : memref<128xi32, #tpu.memory_space<vmem>>) semaphore(%run_scoped3A : memref<!tpu.dma_semaphore, #tpu.memory_space<semaphore_mem>>) {add = true}
        %dma_wait3A_107 = arith.constant 0 : i32
        %dma_wait3A_108 = tpu.memref_slice %arg11[%add3A_75, %dma_wait3A_107] : memref<40x128xi32, #tpu.memory_space<vmem>> -> memref<1x128xi32, #tpu.memory_space<vmem>>
        %dma_wait3A_109 = tpu.memref_squeeze %dma_wait3A_108 : memref<1x128xi32, #tpu.memory_space<vmem>> -> memref<128xi32, #tpu.memory_space<vmem>>
        %dma_wait3A_110 = arith.constant 0 : i32
        %dma_wait3A_111 = arith.constant 0 : i32
        %dma_wait3A_112 = tpu.memref_slice %arg15[%dma_wait3A_110, %dma_wait3A_111] : memref<10240x128xf32, #tpu.memory_space<vmem_shared>> -> memref<10240x128xf32, #tpu.memory_space<vmem_shared>>
        tpu.wait_indirect_dma semaphore(%run_scoped3A : memref<!tpu.dma_semaphore, #tpu.memory_space<semaphore_mem>>) src(%arg13 : memref<128x128xf32, #tpu.memory_space<vmem>>) dst(%dma_wait3A_112 : memref<10240x128xf32, #tpu.memory_space<vmem_shared>>)
        tpu.yield
      }) : () -> ()
    }
    %scan3A_15 = arith.constant 20 : i32
    %dma_wait3A = arith.constant 39 : i32
    %dma_wait3A_16 = arith.constant 0 : i32
    %dma_wait3A_17 = tpu.memref_slice %arg11[%dma_wait3A, %dma_wait3A_16] : memref<40x128xi32, #tpu.memory_space<vmem>> -> memref<1x128xi32, #tpu.memory_space<vmem>>
    %dma_wait3A_18 = tpu.memref_squeeze %dma_wait3A_17 : memref<1x128xi32, #tpu.memory_space<vmem>> -> memref<128xi32, #tpu.memory_space<vmem>>
    %dma_wait3A_19 = arith.constant 0 : i32
    %dma_wait3A_20 = tpu.memref_slice %arg16[%dma_wait3A_19] : memref<10240xf32, #tpu.memory_space<vmem_shared>> -> memref<10240xf32, #tpu.memory_space<vmem_shared>>
    tpu.wait_indirect_dma semaphore(%arg19 : memref<!tpu.dma_semaphore, #tpu.memory_space<semaphore_mem>>) src(%arg14 : memref<128xf32, #tpu.memory_space<vmem>>) dst(%dma_wait3A_20 : memref<10240xf32, #tpu.memory_space<vmem_shared>>)
    "tpu.region"() ({
      %run_scoped3A = tpu.sem_alloc : memref<!tpu.dma_semaphore, #tpu.memory_space<semaphore_mem>>
      %dma_start3A_49 = arith.constant 40 : i32
      %dma_start3A_50 = arith.constant 0 : i32
      %dma_start3A_51 = tpu.memref_slice %arg3[%add3A, %dma_start3A_49, %dma_start3A_50] : memref<32x80x128xi32, #tpu.memory_space<hbm>> -> memref<1x40x128xi32, #tpu.memory_space<hbm>>
      %dma_start3A_52 = tpu.memref_squeeze %dma_start3A_51 : memref<1x40x128xi32, #tpu.memory_space<hbm>> -> memref<40x128xi32, #tpu.memory_space<hbm>>
      %dma_start3A_53 = arith.constant 40 : i32
      %dma_start3A_54 = arith.constant 0 : i32
      %dma_start3A_55 = tpu.memref_slice %arg3[%add3A, %dma_start3A_53, %dma_start3A_54] : memref<32x80x128xi32, #tpu.memory_space<hbm>> -> memref<1x40x128xi32, #tpu.memory_space<hbm>>
      %dma_start3A_56 = tpu.memref_squeeze %dma_start3A_55 : memref<1x40x128xi32, #tpu.memory_space<hbm>> -> memref<40x128xi32, #tpu.memory_space<hbm>>
      tpu.enqueue_dma source(%dma_start3A_56 : memref<40x128xi32, #tpu.memory_space<hbm>>) target(%arg10 : memref<40x128xi32, #tpu.memory_space<vmem>>) target_semaphore(%run_scoped3A : memref<!tpu.dma_semaphore, #tpu.memory_space<semaphore_mem>>)
      %dma_wait3A_57 = arith.constant 40 : i32
      %dma_wait3A_58 = arith.constant 0 : i32
      %dma_wait3A_59 = tpu.memref_slice %arg3[%add3A, %dma_wait3A_57, %dma_wait3A_58] : memref<32x80x128xi32, #tpu.memory_space<hbm>> -> memref<1x40x128xi32, #tpu.memory_space<hbm>>
      %dma_wait3A_60 = tpu.memref_squeeze %dma_wait3A_59 : memref<1x40x128xi32, #tpu.memory_space<hbm>> -> memref<40x128xi32, #tpu.memory_space<hbm>>
      %dma_wait3A_61 = arith.constant 40 : i32
      %dma_wait3A_62 = arith.constant 0 : i32
      %dma_wait3A_63 = tpu.memref_slice %arg3[%add3A, %dma_wait3A_61, %dma_wait3A_62] : memref<32x80x128xi32, #tpu.memory_space<hbm>> -> memref<1x40x128xi32, #tpu.memory_space<hbm>>
      %dma_wait3A_64 = tpu.memref_squeeze %dma_wait3A_63 : memref<1x40x128xi32, #tpu.memory_space<hbm>> -> memref<40x128xi32, #tpu.memory_space<hbm>>
      tpu.wait_dma2 semaphore(%run_scoped3A : memref<!tpu.dma_semaphore, #tpu.memory_space<semaphore_mem>>) src(%dma_wait3A_64 : memref<40x128xi32, #tpu.memory_space<hbm>>) dst(%arg10 : memref<40x128xi32, #tpu.memory_space<vmem>>)
      tpu.yield
    }) : () -> ()
    "tpu.region"() ({
      %run_scoped3A = tpu.sem_alloc : memref<!tpu.dma_semaphore, #tpu.memory_space<semaphore_mem>>
      %dma_start3A_49 = arith.constant 40 : i32
      %dma_start3A_50 = arith.constant 0 : i32
      %dma_start3A_51 = tpu.memref_slice %arg4[%add3A, %dma_start3A_49, %dma_start3A_50] : memref<32x80x128xi32, #tpu.memory_space<hbm>> -> memref<1x40x128xi32, #tpu.memory_space<hbm>>
      %dma_start3A_52 = tpu.memref_squeeze %dma_start3A_51 : memref<1x40x128xi32, #tpu.memory_space<hbm>> -> memref<40x128xi32, #tpu.memory_space<hbm>>
      %dma_start3A_53 = arith.constant 40 : i32
      %dma_start3A_54 = arith.constant 0 : i32
      %dma_start3A_55 = tpu.memref_slice %arg4[%add3A, %dma_start3A_53, %dma_start3A_54] : memref<32x80x128xi32, #tpu.memory_space<hbm>> -> memref<1x40x128xi32, #tpu.memory_space<hbm>>
      %dma_start3A_56 = tpu.memref_squeeze %dma_start3A_55 : memref<1x40x128xi32, #tpu.memory_space<hbm>> -> memref<40x128xi32, #tpu.memory_space<hbm>>
      tpu.enqueue_dma source(%dma_start3A_56 : memref<40x128xi32, #tpu.memory_space<hbm>>) target(%arg11 : memref<40x128xi32, #tpu.memory_space<vmem>>) target_semaphore(%run_scoped3A : memref<!tpu.dma_semaphore, #tpu.memory_space<semaphore_mem>>)
      %dma_wait3A_57 = arith.constant 40 : i32
      %dma_wait3A_58 = arith.constant 0 : i32
      %dma_wait3A_59 = tpu.memref_slice %arg4[%add3A, %dma_wait3A_57, %dma_wait3A_58] : memref<32x80x128xi32, #tpu.memory_space<hbm>> -> memref<1x40x128xi32, #tpu.memory_space<hbm>>
      %dma_wait3A_60 = tpu.memref_squeeze %dma_wait3A_59 : memref<1x40x128xi32, #tpu.memory_space<hbm>> -> memref<40x128xi32, #tpu.memory_space<hbm>>
      %dma_wait3A_61 = arith.constant 40 : i32
      %dma_wait3A_62 = arith.constant 0 : i32
      %dma_wait3A_63 = tpu.memref_slice %arg4[%add3A, %dma_wait3A_61, %dma_wait3A_62] : memref<32x80x128xi32, #tpu.memory_space<hbm>> -> memref<1x40x128xi32, #tpu.memory_space<hbm>>
      %dma_wait3A_64 = tpu.memref_squeeze %dma_wait3A_63 : memref<1x40x128xi32, #tpu.memory_space<hbm>> -> memref<40x128xi32, #tpu.memory_space<hbm>>
      tpu.wait_dma2 semaphore(%run_scoped3A : memref<!tpu.dma_semaphore, #tpu.memory_space<semaphore_mem>>) src(%dma_wait3A_64 : memref<40x128xi32, #tpu.memory_space<hbm>>) dst(%arg11 : memref<40x128xi32, #tpu.memory_space<vmem>>)
      tpu.yield
    }) : () -> ()
    %dma_start3A_21 = arith.constant 0 : i32
    %dma_start3A_22 = arith.constant 0 : i32
    %dma_start3A_23 = tpu.memref_slice %arg10[%dma_start3A_21, %dma_start3A_22] : memref<40x128xi32, #tpu.memory_space<vmem>> -> memref<1x128xi32, #tpu.memory_space<vmem>>
    %dma_start3A_24 = tpu.memref_squeeze %dma_start3A_23 : memref<1x128xi32, #tpu.memory_space<vmem>> -> memref<128xi32, #tpu.memory_space<vmem>>
    %dma_start3A_25 = arith.constant 0 : i32
    %dma_start3A_26 = arith.constant 0 : i32
    %dma_start3A_27 = tpu.memref_slice %arg2[%dma_start3A_25, %dma_start3A_26] : memref<10000x128xf32, #tpu.memory_space<hbm>> -> memref<10000x128xf32, #tpu.memory_space<hbm>>
    tpu.enqueue_indirect_dma source(%dma_start3A_27 : memref<10000x128xf32, #tpu.memory_space<hbm>>) target(%arg12 : memref<128x128xf32, #tpu.memory_space<vmem>>) offsets(%dma_start3A_24 : memref<128xi32, #tpu.memory_space<vmem>>) semaphore(%arg17 : memref<!tpu.dma_semaphore, #tpu.memory_space<semaphore_mem>>)
    %scan3A_28 = arith.constant 0 : i32
    %scan3A_29 = arith.constant 0 : i32
    %scan3A_30 = arith.constant 20 : i32
    %scan3A_31 = arith.addi %scan3A_29, %scan3A_30 : i32
    %scan3A_32 = arith.constant 1 : i32
    scf.for %scan3A_49 = %scan3A_29 to %scan3A_31 step %scan3A_32  : i32 {
      %mul3A_50 = arith.constant 2 : i32
      %mul3A_51 = arith.muli %scan3A_49, %mul3A_50 : i32
      %add3A_52 = arith.constant 0 : i32
      %add3A_53 = arith.addi %mul3A_51, %add3A_52 : i32
      %add3A_54 = arith.constant 2 : i32
      %add3A_55 = arith.addi %add3A_53, %add3A_54 : i32
      %sub3A = arith.constant 1 : i32
      %sub3A_56 = arith.subi %add3A_55, %sub3A : i32
      %lt3A = arith.constant 40 : i32
      %lt3A_57 = arith.cmpi slt, %sub3A_56, %lt3A : i32
      %convert_element_type3A = arith.extui %lt3A_57 : i1 to i32
      %cond3A = arith.constant 0 : i32
      %cond3A_58 = arith.cmpi ne, %convert_element_type3A, %cond3A : i32
      scf.if %cond3A_58 {
        %dma_start3A_101 = arith.constant 0 : i32
        %dma_start3A_102 = tpu.memref_slice %arg10[%sub3A_56, %dma_start3A_101] : memref<40x128xi32, #tpu.memory_space<vmem>> -> memref<1x128xi32, #tpu.memory_space<vmem>>
        %dma_start3A_103 = tpu.memref_squeeze %dma_start3A_102 : memref<1x128xi32, #tpu.memory_space<vmem>> -> memref<128xi32, #tpu.memory_space<vmem>>
        %dma_start3A_104 = arith.constant 0 : i32
        %dma_start3A_105 = arith.constant 0 : i32
        %dma_start3A_106 = tpu.memref_slice %arg2[%dma_start3A_104, %dma_start3A_105] : memref<10000x128xf32, #tpu.memory_space<hbm>> -> memref<10000x128xf32, #tpu.memory_space<hbm>>
        tpu.enqueue_indirect_dma source(%dma_start3A_106 : memref<10000x128xf32, #tpu.memory_space<hbm>>) target(%arg13 : memref<128x128xf32, #tpu.memory_space<vmem>>) offsets(%dma_start3A_103 : memref<128xi32, #tpu.memory_space<vmem>>) semaphore(%arg18 : memref<!tpu.dma_semaphore, #tpu.memory_space<semaphore_mem>>)
      } else {
      }
      %dma_wait3A_59 = arith.constant 0 : i32
      %dma_wait3A_60 = tpu.memref_slice %arg10[%add3A_53, %dma_wait3A_59] : memref<40x128xi32, #tpu.memory_space<vmem>> -> memref<1x128xi32, #tpu.memory_space<vmem>>
      %dma_wait3A_61 = tpu.memref_squeeze %dma_wait3A_60 : memref<1x128xi32, #tpu.memory_space<vmem>> -> memref<128xi32, #tpu.memory_space<vmem>>
      %dma_wait3A_62 = arith.constant 0 : i32
      %dma_wait3A_63 = arith.constant 0 : i32
      %dma_wait3A_64 = tpu.memref_slice %arg2[%dma_wait3A_62, %dma_wait3A_63] : memref<10000x128xf32, #tpu.memory_space<hbm>> -> memref<10000x128xf32, #tpu.memory_space<hbm>>
      tpu.wait_indirect_dma semaphore(%arg17 : memref<!tpu.dma_semaphore, #tpu.memory_space<semaphore_mem>>) src(%dma_wait3A_64 : memref<10000x128xf32, #tpu.memory_space<hbm>>) dst(%arg12 : memref<128x128xf32, #tpu.memory_space<vmem>>)
      %gt3A = arith.constant 0 : i32
      %gt3A_65 = arith.cmpi sgt, %add3A_53, %gt3A : i32
      %convert_element_type3A_66 = arith.extui %gt3A_65 : i1 to i32
      %cond3A_67 = arith.constant 0 : i32
      %cond3A_68 = arith.cmpi ne, %convert_element_type3A_66, %cond3A_67 : i32
      scf.if %cond3A_68 {
        %sub3A_101 = arith.constant 1 : i32
        %sub3A_102 = arith.subi %add3A_53, %sub3A_101 : i32
        %dma_wait3A_103 = arith.constant 0 : i32
        %dma_wait3A_104 = tpu.memref_slice %arg11[%sub3A_102, %dma_wait3A_103] : memref<40x128xi32, #tpu.memory_space<vmem>> -> memref<1x128xi32, #tpu.memory_space<vmem>>
        %dma_wait3A_105 = tpu.memref_squeeze %dma_wait3A_104 : memref<1x128xi32, #tpu.memory_space<vmem>> -> memref<128xi32, #tpu.memory_space<vmem>>
        %dma_wait3A_106 = arith.constant 0 : i32
        %dma_wait3A_107 = tpu.memref_slice %arg16[%dma_wait3A_106] : memref<10240xf32, #tpu.memory_space<vmem_shared>> -> memref<10240xf32, #tpu.memory_space<vmem_shared>>
        tpu.wait_indirect_dma semaphore(%arg19 : memref<!tpu.dma_semaphore, #tpu.memory_space<semaphore_mem>>) src(%arg14 : memref<128xf32, #tpu.memory_space<vmem>>) dst(%dma_wait3A_107 : memref<10240xf32, #tpu.memory_space<vmem_shared>>)
      } else {
      }
      %dma_start3A_69 = arith.constant 0 : i32
      %dma_start3A_70 = tpu.memref_slice %arg11[%add3A_53, %dma_start3A_69] : memref<40x128xi32, #tpu.memory_space<vmem>> -> memref<1x128xi32, #tpu.memory_space<vmem>>
      %dma_start3A_71 = tpu.memref_squeeze %dma_start3A_70 : memref<1x128xi32, #tpu.memory_space<vmem>> -> memref<128xi32, #tpu.memory_space<vmem>>
      %dma_start3A_72 = arith.constant 0 : i32
      %dma_start3A_73 = tpu.memref_slice %arg16[%dma_start3A_72] : memref<10240xf32, #tpu.memory_space<vmem_shared>> -> memref<10240xf32, #tpu.memory_space<vmem_shared>>
      tpu.enqueue_indirect_dma source(%arg14 : memref<128xf32, #tpu.memory_space<vmem>>) target(%dma_start3A_73 : memref<10240xf32, #tpu.memory_space<vmem_shared>>) offsets(%dma_start3A_71 : memref<128xi32, #tpu.memory_space<vmem>>) semaphore(%arg19 : memref<!tpu.dma_semaphore, #tpu.memory_space<semaphore_mem>>) {add = true}
      "tpu.region"() ({
        %run_scoped3A = tpu.sem_alloc : memref<!tpu.dma_semaphore, #tpu.memory_space<semaphore_mem>>
        %dma_start3A_101 = arith.constant 0 : i32
        %dma_start3A_102 = tpu.memref_slice %arg11[%add3A_53, %dma_start3A_101] : memref<40x128xi32, #tpu.memory_space<vmem>> -> memref<1x128xi32, #tpu.memory_space<vmem>>
        %dma_start3A_103 = tpu.memref_squeeze %dma_start3A_102 : memref<1x128xi32, #tpu.memory_space<vmem>> -> memref<128xi32, #tpu.memory_space<vmem>>
        %dma_start3A_104 = arith.constant 0 : i32
        %dma_start3A_105 = arith.constant 0 : i32
        %dma_start3A_106 = tpu.memref_slice %arg15[%dma_start3A_104, %dma_start3A_105] : memref<10240x128xf32, #tpu.memory_space<vmem_shared>> -> memref<10240x128xf32, #tpu.memory_space<vmem_shared>>
        tpu.enqueue_indirect_dma source(%arg12 : memref<128x128xf32, #tpu.memory_space<vmem>>) target(%dma_start3A_106 : memref<10240x128xf32, #tpu.memory_space<vmem_shared>>) offsets(%dma_start3A_103 : memref<128xi32, #tpu.memory_space<vmem>>) semaphore(%run_scoped3A : memref<!tpu.dma_semaphore, #tpu.memory_space<semaphore_mem>>) {add = true}
        %dma_wait3A_107 = arith.constant 0 : i32
        %dma_wait3A_108 = tpu.memref_slice %arg11[%add3A_53, %dma_wait3A_107] : memref<40x128xi32, #tpu.memory_space<vmem>> -> memref<1x128xi32, #tpu.memory_space<vmem>>
        %dma_wait3A_109 = tpu.memref_squeeze %dma_wait3A_108 : memref<1x128xi32, #tpu.memory_space<vmem>> -> memref<128xi32, #tpu.memory_space<vmem>>
        %dma_wait3A_110 = arith.constant 0 : i32
        %dma_wait3A_111 = arith.constant 0 : i32
        %dma_wait3A_112 = tpu.memref_slice %arg15[%dma_wait3A_110, %dma_wait3A_111] : memref<10240x128xf32, #tpu.memory_space<vmem_shared>> -> memref<10240x128xf32, #tpu.memory_space<vmem_shared>>
        tpu.wait_indirect_dma semaphore(%run_scoped3A : memref<!tpu.dma_semaphore, #tpu.memory_space<semaphore_mem>>) src(%arg12 : memref<128x128xf32, #tpu.memory_space<vmem>>) dst(%dma_wait3A_112 : memref<10240x128xf32, #tpu.memory_space<vmem_shared>>)
        tpu.yield
      }) : () -> ()
      %add3A_74 = arith.constant 1 : i32
      %add3A_75 = arith.addi %mul3A_51, %add3A_74 : i32
      %add3A_76 = arith.constant 2 : i32
      %add3A_77 = arith.addi %add3A_75, %add3A_76 : i32
      %sub3A_78 = arith.constant 1 : i32
      %sub3A_79 = arith.subi %add3A_77, %sub3A_78 : i32
      %lt3A_80 = arith.constant 40 : i32
      %lt3A_81 = arith.cmpi slt, %sub3A_79, %lt3A_80 : i32
      %convert_element_type3A_82 = arith.extui %lt3A_81 : i1 to i32
      %cond3A_83 = arith.constant 0 : i32
      %cond3A_84 = arith.cmpi ne, %convert_element_type3A_82, %cond3A_83 : i32
      scf.if %cond3A_84 {
        %dma_start3A_101 = arith.constant 0 : i32
        %dma_start3A_102 = tpu.memref_slice %arg10[%sub3A_79, %dma_start3A_101] : memref<40x128xi32, #tpu.memory_space<vmem>> -> memref<1x128xi32, #tpu.memory_space<vmem>>
        %dma_start3A_103 = tpu.memref_squeeze %dma_start3A_102 : memref<1x128xi32, #tpu.memory_space<vmem>> -> memref<128xi32, #tpu.memory_space<vmem>>
        %dma_start3A_104 = arith.constant 0 : i32
        %dma_start3A_105 = arith.constant 0 : i32
        %dma_start3A_106 = tpu.memref_slice %arg2[%dma_start3A_104, %dma_start3A_105] : memref<10000x128xf32, #tpu.memory_space<hbm>> -> memref<10000x128xf32, #tpu.memory_space<hbm>>
        tpu.enqueue_indirect_dma source(%dma_start3A_106 : memref<10000x128xf32, #tpu.memory_space<hbm>>) target(%arg12 : memref<128x128xf32, #tpu.memory_space<vmem>>) offsets(%dma_start3A_103 : memref<128xi32, #tpu.memory_space<vmem>>) semaphore(%arg17 : memref<!tpu.dma_semaphore, #tpu.memory_space<semaphore_mem>>)
      } else {
      }
      %dma_wait3A_85 = arith.constant 0 : i32
      %dma_wait3A_86 = tpu.memref_slice %arg10[%add3A_75, %dma_wait3A_85] : memref<40x128xi32, #tpu.memory_space<vmem>> -> memref<1x128xi32, #tpu.memory_space<vmem>>
      %dma_wait3A_87 = tpu.memref_squeeze %dma_wait3A_86 : memref<1x128xi32, #tpu.memory_space<vmem>> -> memref<128xi32, #tpu.memory_space<vmem>>
      %dma_wait3A_88 = arith.constant 0 : i32
      %dma_wait3A_89 = arith.constant 0 : i32
      %dma_wait3A_90 = tpu.memref_slice %arg2[%dma_wait3A_88, %dma_wait3A_89] : memref<10000x128xf32, #tpu.memory_space<hbm>> -> memref<10000x128xf32, #tpu.memory_space<hbm>>
      tpu.wait_indirect_dma semaphore(%arg18 : memref<!tpu.dma_semaphore, #tpu.memory_space<semaphore_mem>>) src(%dma_wait3A_90 : memref<10000x128xf32, #tpu.memory_space<hbm>>) dst(%arg13 : memref<128x128xf32, #tpu.memory_space<vmem>>)
      %gt3A_91 = arith.constant 0 : i32
      %gt3A_92 = arith.cmpi sgt, %add3A_75, %gt3A_91 : i32
      %convert_element_type3A_93 = arith.extui %gt3A_92 : i1 to i32
      %cond3A_94 = arith.constant 0 : i32
      %cond3A_95 = arith.cmpi ne, %convert_element_type3A_93, %cond3A_94 : i32
      scf.if %cond3A_95 {
        %sub3A_101 = arith.constant 1 : i32
        %sub3A_102 = arith.subi %add3A_75, %sub3A_101 : i32
        %dma_wait3A_103 = arith.constant 0 : i32
        %dma_wait3A_104 = tpu.memref_slice %arg11[%sub3A_102, %dma_wait3A_103] : memref<40x128xi32, #tpu.memory_space<vmem>> -> memref<1x128xi32, #tpu.memory_space<vmem>>
        %dma_wait3A_105 = tpu.memref_squeeze %dma_wait3A_104 : memref<1x128xi32, #tpu.memory_space<vmem>> -> memref<128xi32, #tpu.memory_space<vmem>>
        %dma_wait3A_106 = arith.constant 0 : i32
        %dma_wait3A_107 = tpu.memref_slice %arg16[%dma_wait3A_106] : memref<10240xf32, #tpu.memory_space<vmem_shared>> -> memref<10240xf32, #tpu.memory_space<vmem_shared>>
        tpu.wait_indirect_dma semaphore(%arg19 : memref<!tpu.dma_semaphore, #tpu.memory_space<semaphore_mem>>) src(%arg14 : memref<128xf32, #tpu.memory_space<vmem>>) dst(%dma_wait3A_107 : memref<10240xf32, #tpu.memory_space<vmem_shared>>)
      } else {
      }
      %dma_start3A_96 = arith.constant 0 : i32
      %dma_start3A_97 = tpu.memref_slice %arg11[%add3A_75, %dma_start3A_96] : memref<40x128xi32, #tpu.memory_space<vmem>> -> memref<1x128xi32, #tpu.memory_space<vmem>>
      %dma_start3A_98 = tpu.memref_squeeze %dma_start3A_97 : memref<1x128xi32, #tpu.memory_space<vmem>> -> memref<128xi32, #tpu.memory_space<vmem>>
      %dma_start3A_99 = arith.constant 0 : i32
      %dma_start3A_100 = tpu.memref_slice %arg16[%dma_start3A_99] : memref<10240xf32, #tpu.memory_space<vmem_shared>> -> memref<10240xf32, #tpu.memory_space<vmem_shared>>
      tpu.enqueue_indirect_dma source(%arg14 : memref<128xf32, #tpu.memory_space<vmem>>) target(%dma_start3A_100 : memref<10240xf32, #tpu.memory_space<vmem_shared>>) offsets(%dma_start3A_98 : memref<128xi32, #tpu.memory_space<vmem>>) semaphore(%arg19 : memref<!tpu.dma_semaphore, #tpu.memory_space<semaphore_mem>>) {add = true}
      "tpu.region"() ({
        %run_scoped3A = tpu.sem_alloc : memref<!tpu.dma_semaphore, #tpu.memory_space<semaphore_mem>>
        %dma_start3A_101 = arith.constant 0 : i32
        %dma_start3A_102 = tpu.memref_slice %arg11[%add3A_75, %dma_start3A_101] : memref<40x128xi32, #tpu.memory_space<vmem>> -> memref<1x128xi32, #tpu.memory_space<vmem>>
        %dma_start3A_103 = tpu.memref_squeeze %dma_start3A_102 : memref<1x128xi32, #tpu.memory_space<vmem>> -> memref<128xi32, #tpu.memory_space<vmem>>
        %dma_start3A_104 = arith.constant 0 : i32
        %dma_start3A_105 = arith.constant 0 : i32
        %dma_start3A_106 = tpu.memref_slice %arg15[%dma_start3A_104, %dma_start3A_105] : memref<10240x128xf32, #tpu.memory_space<vmem_shared>> -> memref<10240x128xf32, #tpu.memory_space<vmem_shared>>
        tpu.enqueue_indirect_dma source(%arg13 : memref<128x128xf32, #tpu.memory_space<vmem>>) target(%dma_start3A_106 : memref<10240x128xf32, #tpu.memory_space<vmem_shared>>) offsets(%dma_start3A_103 : memref<128xi32, #tpu.memory_space<vmem>>) semaphore(%run_scoped3A : memref<!tpu.dma_semaphore, #tpu.memory_space<semaphore_mem>>) {add = true}
        %dma_wait3A_107 = arith.constant 0 : i32
        %dma_wait3A_108 = tpu.memref_slice %arg11[%add3A_75, %dma_wait3A_107] : memref<40x128xi32, #tpu.memory_space<vmem>> -> memref<1x128xi32, #tpu.memory_space<vmem>>
        %dma_wait3A_109 = tpu.memref_squeeze %dma_wait3A_108 : memref<1x128xi32, #tpu.memory_space<vmem>> -> memref<128xi32, #tpu.memory_space<vmem>>
        %dma_wait3A_110 = arith.constant 0 : i32
        %dma_wait3A_111 = arith.constant 0 : i32
        %dma_wait3A_112 = tpu.memref_slice %arg15[%dma_wait3A_110, %dma_wait3A_111] : memref<10240x128xf32, #tpu.memory_space<vmem_shared>> -> memref<10240x128xf32, #tpu.memory_space<vmem_shared>>
        tpu.wait_indirect_dma semaphore(%run_scoped3A : memref<!tpu.dma_semaphore, #tpu.memory_space<semaphore_mem>>) src(%arg13 : memref<128x128xf32, #tpu.memory_space<vmem>>) dst(%dma_wait3A_112 : memref<10240x128xf32, #tpu.memory_space<vmem_shared>>)
        tpu.yield
      }) : () -> ()
    }
    %scan3A_33 = arith.constant 20 : i32
    %dma_wait3A_34 = arith.constant 39 : i32
    %dma_wait3A_35 = arith.constant 0 : i32
    %dma_wait3A_36 = tpu.memref_slice %arg11[%dma_wait3A_34, %dma_wait3A_35] : memref<40x128xi32, #tpu.memory_space<vmem>> -> memref<1x128xi32, #tpu.memory_space<vmem>>
    %dma_wait3A_37 = tpu.memref_squeeze %dma_wait3A_36 : memref<1x128xi32, #tpu.memory_space<vmem>> -> memref<128xi32, #tpu.memory_space<vmem>>
    %dma_wait3A_38 = arith.constant 0 : i32
    %dma_wait3A_39 = tpu.memref_slice %arg16[%dma_wait3A_38] : memref<10240xf32, #tpu.memory_space<vmem_shared>> -> memref<10240xf32, #tpu.memory_space<vmem_shared>>
    tpu.wait_indirect_dma semaphore(%arg19 : memref<!tpu.dma_semaphore, #tpu.memory_space<semaphore_mem>>) src(%arg14 : memref<128xf32, #tpu.memory_space<vmem>>) dst(%dma_wait3A_39 : memref<10240xf32, #tpu.memory_space<vmem_shared>>)
    %barrier3A_40 = arith.constant 0 : index
    tpu.barrier barrier_id(%barrier3A_40)
    %mul3A_41 = arith.constant 640 : i32
    %mul3A_42 = arith.muli %arg1, %mul3A_41 : i32
    %mul3A_43 = arith.constant 640 : i32
    %mul3A_44 = arith.muli %arg1, %mul3A_43 : i32
    "tpu.region"() ({
      %run_scoped3A = tpu.sem_alloc : memref<!tpu.dma_semaphore, #tpu.memory_space<semaphore_mem>>
      %dma_start3A_49 = arith.constant 0 : i32
      %dma_start3A_50 = tpu.memref_slice %arg8[%arg0, %mul3A_44, %dma_start3A_49] : memref<2x10240x128xf32, #tpu.memory_space<hbm>> -> memref<1x640x128xf32, #tpu.memory_space<hbm>>
      %dma_start3A_51 = tpu.memref_squeeze %dma_start3A_50 : memref<1x640x128xf32, #tpu.memory_space<hbm>> -> memref<640x128xf32, #tpu.memory_space<hbm>>
      %dma_start3A_52 = arith.constant 0 : i32
      %dma_start3A_53 = tpu.memref_slice %arg15[%mul3A_42, %dma_start3A_52] : memref<10240x128xf32, #tpu.memory_space<vmem_shared>> -> memref<640x128xf32, #tpu.memory_space<vmem_shared>>
      tpu.enqueue_dma source(%dma_start3A_53 : memref<640x128xf32, #tpu.memory_space<vmem_shared>>) target(%dma_start3A_51 : memref<640x128xf32, #tpu.memory_space<hbm>>) target_semaphore(%run_scoped3A : memref<!tpu.dma_semaphore, #tpu.memory_space<semaphore_mem>>)
      %dma_wait3A_54 = arith.constant 0 : i32
      %dma_wait3A_55 = tpu.memref_slice %arg8[%arg0, %mul3A_44, %dma_wait3A_54] : memref<2x10240x128xf32, #tpu.memory_space<hbm>> -> memref<1x640x128xf32, #tpu.memory_space<hbm>>
      %dma_wait3A_56 = tpu.memref_squeeze %dma_wait3A_55 : memref<1x640x128xf32, #tpu.memory_space<hbm>> -> memref<640x128xf32, #tpu.memory_space<hbm>>
      %dma_wait3A_57 = arith.constant 0 : i32
      %dma_wait3A_58 = tpu.memref_slice %arg15[%mul3A_42, %dma_wait3A_57] : memref<10240x128xf32, #tpu.memory_space<vmem_shared>> -> memref<640x128xf32, #tpu.memory_space<vmem_shared>>
      tpu.wait_dma2 semaphore(%run_scoped3A : memref<!tpu.dma_semaphore, #tpu.memory_space<semaphore_mem>>) src(%dma_wait3A_58 : memref<640x128xf32, #tpu.memory_space<vmem_shared>>) dst(%dma_wait3A_56 : memref<640x128xf32, #tpu.memory_space<hbm>>)
      tpu.yield
    }) : () -> ()
    %mul3A_45 = arith.constant 640 : i32
    %mul3A_46 = arith.muli %arg1, %mul3A_45 : i32
    %mul3A_47 = arith.constant 640 : i32
    %mul3A_48 = arith.muli %arg1, %mul3A_47 : i32
    "tpu.region"() ({
      %run_scoped3A = tpu.sem_alloc : memref<!tpu.dma_semaphore, #tpu.memory_space<semaphore_mem>>
      %dma_start3A_49 = tpu.memref_slice %arg9[%arg0, %mul3A_48] : memref<2x10240xf32, #tpu.memory_space<hbm>> -> memref<1x640xf32, #tpu.memory_space<hbm>>
      %dma_start3A_50 = tpu.memref_squeeze %dma_start3A_49 : memref<1x640xf32, #tpu.memory_space<hbm>> -> memref<640xf32, #tpu.memory_space<hbm>>
      %dma_start3A_51 = tpu.memref_slice %arg16[%mul3A_46] : memref<10240xf32, #tpu.memory_space<vmem_shared>> -> memref<640xf32, #tpu.memory_space<vmem_shared>>
      tpu.enqueue_dma source(%dma_start3A_51 : memref<640xf32, #tpu.memory_space<vmem_shared>>) target(%dma_start3A_50 : memref<640xf32, #tpu.memory_space<hbm>>) target_semaphore(%run_scoped3A : memref<!tpu.dma_semaphore, #tpu.memory_space<semaphore_mem>>)
      %dma_wait3A_52 = tpu.memref_slice %arg9[%arg0, %mul3A_48] : memref<2x10240xf32, #tpu.memory_space<hbm>> -> memref<1x640xf32, #tpu.memory_space<hbm>>
      %dma_wait3A_53 = tpu.memref_squeeze %dma_wait3A_52 : memref<1x640xf32, #tpu.memory_space<hbm>> -> memref<640xf32, #tpu.memory_space<hbm>>
      %dma_wait3A_54 = tpu.memref_slice %arg16[%mul3A_46] : memref<10240xf32, #tpu.memory_space<vmem_shared>> -> memref<640xf32, #tpu.memory_space<vmem_shared>>
      tpu.wait_dma2 semaphore(%run_scoped3A : memref<!tpu.dma_semaphore, #tpu.memory_space<semaphore_mem>>) src(%dma_wait3A_54 : memref<640xf32, #tpu.memory_space<vmem_shared>>) dst(%dma_wait3A_53 : memref<640xf32, #tpu.memory_space<hbm>>)
      tpu.yield
    }) : () -> ()
    return
  }
}

#map = affine_map<(d0, d1) -> (0, 0)>
#map1 = affine_map<(d0, d1) -> (0, 0, 0)>
module attributes {stable_mosaic.version = 14 : i64} {
  func.func @_pair_gather(%arg0: i32, %arg1: i32, %arg2: memref<10000x128xf32, #tpu.memory_space<hbm>>, %arg3: memref<32x4x128xi32, #tpu.memory_space<hbm>>, %arg4: memref<16384x128xf32, #tpu.memory_space<hbm>>, %arg5: memref<4x128xi32, #tpu.memory_space<vmem>>, %arg6: memref<128x128xf32, #tpu.memory_space<vmem>>, %arg7: memref<!tpu.dma_semaphore, #tpu.memory_space<semaphore_mem>>) attributes {dimension_semantics = [#tpu.dimension_semantics<core_parallel>, #tpu.dimension_semantics<subcore_parallel>], iteration_bounds = array<i64: 2, 16>, scalar_prefetch = 0 : i64, scratch_operands = 3 : i64, tpu.core_type = #tpu.core_type<sc_vector_subcore>, window_params = [{transform_indices = #map}, {transform_indices = #map1}, {transform_indices = #map}]} {
    %mul3A = arith.constant 16 : i32
    %mul3A_0 = arith.muli %arg0, %mul3A : i32
    %add3A = arith.addi %mul3A_0, %arg1 : i32
    "tpu.region"() ({
      %run_scoped3A = tpu.sem_alloc : memref<!tpu.dma_semaphore, #tpu.memory_space<semaphore_mem>>
      %dma_start3A = arith.constant 0 : i32
      %dma_start3A_6 = arith.constant 0 : i32
      %dma_start3A_7 = tpu.memref_slice %arg3[%add3A, %dma_start3A, %dma_start3A_6] : memref<32x4x128xi32, #tpu.memory_space<hbm>> -> memref<1x4x128xi32, #tpu.memory_space<hbm>>
      %dma_start3A_8 = tpu.memref_squeeze %dma_start3A_7 : memref<1x4x128xi32, #tpu.memory_space<hbm>> -> memref<4x128xi32, #tpu.memory_space<hbm>>
      %dma_start3A_9 = arith.constant 0 : i32
      %dma_start3A_10 = arith.constant 0 : i32
      %dma_start3A_11 = tpu.memref_slice %arg3[%add3A, %dma_start3A_9, %dma_start3A_10] : memref<32x4x128xi32, #tpu.memory_space<hbm>> -> memref<1x4x128xi32, #tpu.memory_space<hbm>>
      %dma_start3A_12 = tpu.memref_squeeze %dma_start3A_11 : memref<1x4x128xi32, #tpu.memory_space<hbm>> -> memref<4x128xi32, #tpu.memory_space<hbm>>
      tpu.enqueue_dma source(%dma_start3A_12 : memref<4x128xi32, #tpu.memory_space<hbm>>) target(%arg5 : memref<4x128xi32, #tpu.memory_space<vmem>>) target_semaphore(%run_scoped3A : memref<!tpu.dma_semaphore, #tpu.memory_space<semaphore_mem>>)
      %dma_wait3A = arith.constant 0 : i32
      %dma_wait3A_13 = arith.constant 0 : i32
      %dma_wait3A_14 = tpu.memref_slice %arg3[%add3A, %dma_wait3A, %dma_wait3A_13] : memref<32x4x128xi32, #tpu.memory_space<hbm>> -> memref<1x4x128xi32, #tpu.memory_space<hbm>>
      %dma_wait3A_15 = tpu.memref_squeeze %dma_wait3A_14 : memref<1x4x128xi32, #tpu.memory_space<hbm>> -> memref<4x128xi32, #tpu.memory_space<hbm>>
      %dma_wait3A_16 = arith.constant 0 : i32
      %dma_wait3A_17 = arith.constant 0 : i32
      %dma_wait3A_18 = tpu.memref_slice %arg3[%add3A, %dma_wait3A_16, %dma_wait3A_17] : memref<32x4x128xi32, #tpu.memory_space<hbm>> -> memref<1x4x128xi32, #tpu.memory_space<hbm>>
      %dma_wait3A_19 = tpu.memref_squeeze %dma_wait3A_18 : memref<1x4x128xi32, #tpu.memory_space<hbm>> -> memref<4x128xi32, #tpu.memory_space<hbm>>
      tpu.wait_dma2 semaphore(%run_scoped3A : memref<!tpu.dma_semaphore, #tpu.memory_space<semaphore_mem>>) src(%dma_wait3A_19 : memref<4x128xi32, #tpu.memory_space<hbm>>) dst(%arg5 : memref<4x128xi32, #tpu.memory_space<vmem>>)
      tpu.yield
    }) : () -> ()
    %scan3A = arith.constant 0 : i32
    %scan3A_1 = arith.constant 0 : i32
    %scan3A_2 = arith.constant 4 : i32
    %scan3A_3 = arith.addi %scan3A_1, %scan3A_2 : i32
    %scan3A_4 = arith.constant 1 : i32
    scf.for %scan3A_6 = %scan3A_1 to %scan3A_3 step %scan3A_4  : i32 {
      %dma_start3A = arith.constant 0 : i32
      %dma_start3A_7 = tpu.memref_slice %arg5[%scan3A_6, %dma_start3A] : memref<4x128xi32, #tpu.memory_space<vmem>> -> memref<1x128xi32, #tpu.memory_space<vmem>>
      %dma_start3A_8 = tpu.memref_squeeze %dma_start3A_7 : memref<1x128xi32, #tpu.memory_space<vmem>> -> memref<128xi32, #tpu.memory_space<vmem>>
      %dma_start3A_9 = arith.constant 0 : i32
      %dma_start3A_10 = arith.constant 0 : i32
      %dma_start3A_11 = tpu.memref_slice %arg2[%dma_start3A_9, %dma_start3A_10] : memref<10000x128xf32, #tpu.memory_space<hbm>> -> memref<10000x128xf32, #tpu.memory_space<hbm>>
      tpu.enqueue_indirect_dma source(%dma_start3A_11 : memref<10000x128xf32, #tpu.memory_space<hbm>>) target(%arg6 : memref<128x128xf32, #tpu.memory_space<vmem>>) offsets(%dma_start3A_8 : memref<128xi32, #tpu.memory_space<vmem>>) semaphore(%arg7 : memref<!tpu.dma_semaphore, #tpu.memory_space<semaphore_mem>>)
      %dma_wait3A = arith.constant 0 : i32
      %dma_wait3A_12 = tpu.memref_slice %arg5[%scan3A_6, %dma_wait3A] : memref<4x128xi32, #tpu.memory_space<vmem>> -> memref<1x128xi32, #tpu.memory_space<vmem>>
      %dma_wait3A_13 = tpu.memref_squeeze %dma_wait3A_12 : memref<1x128xi32, #tpu.memory_space<vmem>> -> memref<128xi32, #tpu.memory_space<vmem>>
      %dma_wait3A_14 = arith.constant 0 : i32
      %dma_wait3A_15 = arith.constant 0 : i32
      %dma_wait3A_16 = tpu.memref_slice %arg2[%dma_wait3A_14, %dma_wait3A_15] : memref<10000x128xf32, #tpu.memory_space<hbm>> -> memref<10000x128xf32, #tpu.memory_space<hbm>>
      tpu.wait_indirect_dma semaphore(%arg7 : memref<!tpu.dma_semaphore, #tpu.memory_space<semaphore_mem>>) src(%dma_wait3A_16 : memref<10000x128xf32, #tpu.memory_space<hbm>>) dst(%arg6 : memref<128x128xf32, #tpu.memory_space<vmem>>)
      %mul3A_17 = arith.constant 512 : i32
      %mul3A_18 = arith.muli %add3A, %mul3A_17 : i32
      %mul3A_19 = arith.constant 128 : i32
      %mul3A_20 = arith.muli %scan3A_6, %mul3A_19 : i32
      %add3A_21 = arith.addi %mul3A_18, %mul3A_20 : i32
      "tpu.region"() ({
        %run_scoped3A = tpu.sem_alloc : memref<!tpu.dma_semaphore, #tpu.memory_space<semaphore_mem>>
        %dma_start3A_22 = arith.constant 0 : i32
        %dma_start3A_23 = tpu.memref_slice %arg4[%add3A_21, %dma_start3A_22] : memref<16384x128xf32, #tpu.memory_space<hbm>> -> memref<128x128xf32, #tpu.memory_space<hbm>>
        %dma_start3A_24 = arith.constant 0 : i32
        %dma_start3A_25 = tpu.memref_slice %arg4[%add3A_21, %dma_start3A_24] : memref<16384x128xf32, #tpu.memory_space<hbm>> -> memref<128x128xf32, #tpu.memory_space<hbm>>
        tpu.enqueue_dma source(%arg6 : memref<128x128xf32, #tpu.memory_space<vmem>>) target(%dma_start3A_25 : memref<128x128xf32, #tpu.memory_space<hbm>>) target_semaphore(%run_scoped3A : memref<!tpu.dma_semaphore, #tpu.memory_space<semaphore_mem>>)
        %dma_wait3A_26 = arith.constant 0 : i32
        %dma_wait3A_27 = tpu.memref_slice %arg4[%add3A_21, %dma_wait3A_26] : memref<16384x128xf32, #tpu.memory_space<hbm>> -> memref<128x128xf32, #tpu.memory_space<hbm>>
        %dma_wait3A_28 = arith.constant 0 : i32
        %dma_wait3A_29 = tpu.memref_slice %arg4[%add3A_21, %dma_wait3A_28] : memref<16384x128xf32, #tpu.memory_space<hbm>> -> memref<128x128xf32, #tpu.memory_space<hbm>>
        tpu.wait_dma2 semaphore(%run_scoped3A : memref<!tpu.dma_semaphore, #tpu.memory_space<semaphore_mem>>) src(%arg6 : memref<128x128xf32, #tpu.memory_space<vmem>>) dst(%dma_wait3A_29 : memref<128x128xf32, #tpu.memory_space<hbm>>)
        tpu.yield
      }) : () -> ()
    }
    %scan3A_5 = arith.constant 4 : i32
    return
  }
}

module attributes {stable_mosaic.version = 14 : i64} {
  func.func @_emb_body(%arg0: memref<10000x128xf32, #tpu.memory_space<vmem>>, %arg1: memref<128x128xf32, #tpu.memory_space<vmem>>, %arg2: memref<1x128xf32, #tpu.memory_space<vmem>>, %arg3: memref<10000x128xf32, #tpu.memory_space<vmem>>) attributes {dimension_semantics = [], scalar_prefetch = 0 : i64, scratch_operands = 0 : i64, tpu.core_type = #tpu.core_type<tc>} {
    %get3A = arith.constant 0 : index
    %get3A_0 = arith.constant 0 : index
    %get3A_1 = vector.load %arg0[%get3A, %get3A_0] : memref<10000x128xf32, #tpu.memory_space<vmem>>, vector<10000x128xf32>
    %get3A_2 = arith.constant 0 : index
    %get3A_3 = arith.constant 0 : index
    %get3A_4 = vector.load %arg1[%get3A_2, %get3A_3] : memref<128x128xf32, #tpu.memory_space<vmem>>, vector<128x128xf32>
    %dot_general3A = arith.constant dense<0.000000e+00> : vector<10000x128xf32>
    %dot_general3A_5 = tpu.matmul %get3A_1, %get3A_4, %dot_general3A {dimension_numbers = #tpu.dot_dimension_numbers<[1], [1], [0], [0], [0, 0, 1, 0], [], []>, transpose_lhs_hint = false} : vector<10000x128xf32>, vector<128x128xf32>, vector<10000x128xf32> -> vector<10000x128xf32>
    %get3A_6 = arith.constant 0 : index
    %get3A_7 = arith.constant 0 : index
    %get3A_8 = vector.load %arg2[%get3A_6, %get3A_7] : memref<1x128xf32, #tpu.memory_space<vmem>>, vector<1x128xf32>
    %add3A = vector.broadcast %get3A_8 : vector<1x128xf32> to vector<10000x128xf32>
    %add3A_9 = arith.addf %dot_general3A_5, %add3A : vector<10000x128xf32>
    %swap3A = arith.constant 0 : index
    %swap3A_10 = arith.constant 0 : index
    %swap3A_11 = vector.load %arg3[%swap3A, %swap3A_10] : memref<10000x128xf32, #tpu.memory_space<vmem>>, vector<10000x128xf32>
    tpu.vector_store %arg3[%swap3A, %swap3A_10], %add3A_9 {strides = array<i32>} : memref<10000x128xf32, #tpu.memory_space<vmem>>, vector<10000x128xf32>,
    return
  }
}

module attributes {stable_mosaic.version = 14 : i64} {
  func.func @_conv_body(%arg0: memref<2x10240x128xf32, #tpu.memory_space<vmem>>, %arg1: memref<2x10240x1xf32, #tpu.memory_space<vmem>>, %arg2: memref<10000x128xf32, #tpu.memory_space<vmem>>, %arg3: memref<128x128xf32, #tpu.memory_space<vmem>>, %arg4: memref<1x128xf32, #tpu.memory_space<vmem>>, %arg5: memref<128x128xf32, #tpu.memory_space<vmem>>, %arg6: memref<10000x128xf32, #tpu.memory_space<vmem>>) attributes {dimension_semantics = [], scalar_prefetch = 0 : i64, scratch_operands = 0 : i64, tpu.core_type = #tpu.core_type<tc>} {
    %get3A = arith.constant 0 : index
    %get3A_0 = arith.constant 0 : index
    %get3A_1 = arith.constant 0 : index
    %get3A_2 = vector.load %arg0[%get3A, %get3A_0, %get3A_1] : memref<2x10240x128xf32, #tpu.memory_space<vmem>>, vector<1x10000x128xf32>
    %get3A_3 = vector.shape_cast %get3A_2 : vector<1x10000x128xf32> to vector<10000x128xf32>
    %get3A_4 = arith.constant 1 : index
    %get3A_5 = arith.constant 0 : index
    %get3A_6 = arith.constant 0 : index
    %get3A_7 = vector.load %arg0[%get3A_4, %get3A_5, %get3A_6] : memref<2x10240x128xf32, #tpu.memory_space<vmem>>, vector<1x10000x128xf32>
    %get3A_8 = vector.shape_cast %get3A_7 : vector<1x10000x128xf32> to vector<10000x128xf32>
    %add3A = arith.addf %get3A_3, %get3A_8 : vector<10000x128xf32>
    %get3A_9 = arith.constant 0 : index
    %get3A_10 = arith.constant 0 : index
    %get3A_11 = arith.constant 0 : index
    %get3A_12 = vector.load %arg1[%get3A_9, %get3A_10, %get3A_11] : memref<2x10240x1xf32, #tpu.memory_space<vmem>>, vector<1x10000x1xf32>
    %get3A_13 = vector.shape_cast %get3A_12 : vector<1x10000x1xf32> to vector<10000x1xf32>
    %get3A_14 = arith.constant 1 : index
    %get3A_15 = arith.constant 0 : index
    %get3A_16 = arith.constant 0 : index
    %get3A_17 = vector.load %arg1[%get3A_14, %get3A_15, %get3A_16] : memref<2x10240x1xf32, #tpu.memory_space<vmem>>, vector<1x10000x1xf32>
    %get3A_18 = vector.shape_cast %get3A_17 : vector<1x10000x1xf32> to vector<10000x1xf32>
    %add3A_19 = arith.addf %get3A_13, %get3A_18 : vector<10000x1xf32>
    %max3A = arith.constant 1.000000e+00 : f32
    %max3A_20 = vector.broadcast %max3A : f32 to vector<10000x1xf32>
    %max3A_21 = arith.maximumf %add3A_19, %max3A_20 : vector<10000x1xf32>
    %div3A = vector.broadcast %max3A_21 : vector<10000x1xf32> to vector<10000x128xf32>
    %div3A_22 = arith.divf %add3A, %div3A : vector<10000x128xf32>
    %get3A_23 = arith.constant 0 : index
    %get3A_24 = arith.constant 0 : index
    %get3A_25 = vector.load %arg3[%get3A_23, %get3A_24] : memref<128x128xf32, #tpu.memory_space<vmem>>, vector<128x128xf32>
    %dot_general3A = arith.constant dense<0.000000e+00> : vector<10000x128xf32>
    %dot_general3A_26 = tpu.matmul %div3A_22, %get3A_25, %dot_general3A {dimension_numbers = #tpu.dot_dimension_numbers<[1], [1], [0], [0], [0, 0, 1, 0], [], []>, transpose_lhs_hint = false} : vector<10000x128xf32>, vector<128x128xf32>, vector<10000x128xf32> -> vector<10000x128xf32>
    %get3A_27 = arith.constant 0 : index
    %get3A_28 = arith.constant 0 : index
    %get3A_29 = vector.load %arg4[%get3A_27, %get3A_28] : memref<1x128xf32, #tpu.memory_space<vmem>>, vector<1x128xf32>
    %add3A_30 = vector.broadcast %get3A_29 : vector<1x128xf32> to vector<10000x128xf32>
    %add3A_31 = arith.addf %dot_general3A_26, %add3A_30 : vector<10000x128xf32>
    %get3A_32 = arith.constant 0 : index
    %get3A_33 = arith.constant 0 : index
    %get3A_34 = vector.load %arg2[%get3A_32, %get3A_33] : memref<10000x128xf32, #tpu.memory_space<vmem>>, vector<10000x128xf32>
    %get3A_35 = arith.constant 0 : index
    %get3A_36 = arith.constant 0 : index
    %get3A_37 = vector.load %arg5[%get3A_35, %get3A_36] : memref<128x128xf32, #tpu.memory_space<vmem>>, vector<128x128xf32>
    %dot_general3A_38 = arith.constant dense<0.000000e+00> : vector<10000x128xf32>
    %dot_general3A_39 = tpu.matmul %get3A_34, %get3A_37, %dot_general3A_38 {dimension_numbers = #tpu.dot_dimension_numbers<[1], [1], [0], [0], [0, 0, 1, 0], [], []>, transpose_lhs_hint = false} : vector<10000x128xf32>, vector<128x128xf32>, vector<10000x128xf32> -> vector<10000x128xf32>
    %add3A_40 = arith.addf %add3A_31, %dot_general3A_39 : vector<10000x128xf32>
    %gt3A = arith.constant 0.000000e+00 : f32
    %gt3A_41 = vector.broadcast %gt3A : f32 to vector<10000x128xf32>
    %gt3A_42 = arith.cmpf ogt, %add3A_40, %gt3A_41 : vector<10000x128xf32>
    %mul3A = arith.constant 1.000000e-01 : f32
    %mul3A_43 = vector.broadcast %mul3A : f32 to vector<10000x128xf32>
    %mul3A_44 = arith.mulf %mul3A_43, %add3A_40 : vector<10000x128xf32>
    %select_n3A = arith.select %gt3A_42, %add3A_40, %mul3A_44 : vector<10000x128xi1>, vector<10000x128xf32>
    %swap3A = arith.constant 0 : index
    %swap3A_45 = arith.constant 0 : index
    %swap3A_46 = vector.load %arg6[%swap3A, %swap3A_45] : memref<10000x128xf32, #tpu.memory_space<vmem>>, vector<10000x128xf32>
    tpu.vector_store %arg6[%swap3A, %swap3A_45], %select_n3A {strides = array<i32>} : memref<10000x128xf32, #tpu.memory_space<vmem>>, vector<10000x128xf32>,
    return
  }
}

module attributes {stable_mosaic.version = 14 : i64} {
  func.func @_conv_body(%arg0: memref<2x10240x128xf32, #tpu.memory_space<vmem>>, %arg1: memref<2x10240x1xf32, #tpu.memory_space<vmem>>, %arg2: memref<10000x128xf32, #tpu.memory_space<vmem>>, %arg3: memref<128x128xf32, #tpu.memory_space<vmem>>, %arg4: memref<1x128xf32, #tpu.memory_space<vmem>>, %arg5: memref<128x128xf32, #tpu.memory_space<vmem>>, %arg6: memref<10000x128xf32, #tpu.memory_space<vmem>>) attributes {dimension_semantics = [], scalar_prefetch = 0 : i64, scratch_operands = 0 : i64, tpu.core_type = #tpu.core_type<tc>} {
    %get3A = arith.constant 0 : index
    %get3A_0 = arith.constant 0 : index
    %get3A_1 = arith.constant 0 : index
    %get3A_2 = vector.load %arg0[%get3A, %get3A_0, %get3A_1] : memref<2x10240x128xf32, #tpu.memory_space<vmem>>, vector<1x10000x128xf32>
    %get3A_3 = vector.shape_cast %get3A_2 : vector<1x10000x128xf32> to vector<10000x128xf32>
    %get3A_4 = arith.constant 1 : index
    %get3A_5 = arith.constant 0 : index
    %get3A_6 = arith.constant 0 : index
    %get3A_7 = vector.load %arg0[%get3A_4, %get3A_5, %get3A_6] : memref<2x10240x128xf32, #tpu.memory_space<vmem>>, vector<1x10000x128xf32>
    %get3A_8 = vector.shape_cast %get3A_7 : vector<1x10000x128xf32> to vector<10000x128xf32>
    %add3A = arith.addf %get3A_3, %get3A_8 : vector<10000x128xf32>
    %get3A_9 = arith.constant 0 : index
    %get3A_10 = arith.constant 0 : index
    %get3A_11 = arith.constant 0 : index
    %get3A_12 = vector.load %arg1[%get3A_9, %get3A_10, %get3A_11] : memref<2x10240x1xf32, #tpu.memory_space<vmem>>, vector<1x10000x1xf32>
    %get3A_13 = vector.shape_cast %get3A_12 : vector<1x10000x1xf32> to vector<10000x1xf32>
    %get3A_14 = arith.constant 1 : index
    %get3A_15 = arith.constant 0 : index
    %get3A_16 = arith.constant 0 : index
    %get3A_17 = vector.load %arg1[%get3A_14, %get3A_15, %get3A_16] : memref<2x10240x1xf32, #tpu.memory_space<vmem>>, vector<1x10000x1xf32>
    %get3A_18 = vector.shape_cast %get3A_17 : vector<1x10000x1xf32> to vector<10000x1xf32>
    %add3A_19 = arith.addf %get3A_13, %get3A_18 : vector<10000x1xf32>
    %max3A = arith.constant 1.000000e+00 : f32
    %max3A_20 = vector.broadcast %max3A : f32 to vector<10000x1xf32>
    %max3A_21 = arith.maximumf %add3A_19, %max3A_20 : vector<10000x1xf32>
    %div3A = vector.broadcast %max3A_21 : vector<10000x1xf32> to vector<10000x128xf32>
    %div3A_22 = arith.divf %add3A, %div3A : vector<10000x128xf32>
    %get3A_23 = arith.constant 0 : index
    %get3A_24 = arith.constant 0 : index
    %get3A_25 = vector.load %arg3[%get3A_23, %get3A_24] : memref<128x128xf32, #tpu.memory_space<vmem>>, vector<128x128xf32>
    %dot_general3A = arith.constant dense<0.000000e+00> : vector<10000x128xf32>
    %dot_general3A_26 = tpu.matmul %div3A_22, %get3A_25, %dot_general3A {dimension_numbers = #tpu.dot_dimension_numbers<[1], [1], [0], [0], [0, 0, 1, 0], [], []>, transpose_lhs_hint = false} : vector<10000x128xf32>, vector<128x128xf32>, vector<10000x128xf32> -> vector<10000x128xf32>
    %get3A_27 = arith.constant 0 : index
    %get3A_28 = arith.constant 0 : index
    %get3A_29 = vector.load %arg4[%get3A_27, %get3A_28] : memref<1x128xf32, #tpu.memory_space<vmem>>, vector<1x128xf32>
    %add3A_30 = vector.broadcast %get3A_29 : vector<1x128xf32> to vector<10000x128xf32>
    %add3A_31 = arith.addf %dot_general3A_26, %add3A_30 : vector<10000x128xf32>
    %get3A_32 = arith.constant 0 : index
    %get3A_33 = arith.constant 0 : index
    %get3A_34 = vector.load %arg2[%get3A_32, %get3A_33] : memref<10000x128xf32, #tpu.memory_space<vmem>>, vector<10000x128xf32>
    %get3A_35 = arith.constant 0 : index
    %get3A_36 = arith.constant 0 : index
    %get3A_37 = vector.load %arg5[%get3A_35, %get3A_36] : memref<128x128xf32, #tpu.memory_space<vmem>>, vector<128x128xf32>
    %dot_general3A_38 = arith.constant dense<0.000000e+00> : vector<10000x128xf32>
    %dot_general3A_39 = tpu.matmul %get3A_34, %get3A_37, %dot_general3A_38 {dimension_numbers = #tpu.dot_dimension_numbers<[1], [1], [0], [0], [0, 0, 1, 0], [], []>, transpose_lhs_hint = false} : vector<10000x128xf32>, vector<128x128xf32>, vector<10000x128xf32> -> vector<10000x128xf32>
    %add3A_40 = arith.addf %add3A_31, %dot_general3A_39 : vector<10000x128xf32>
    %swap3A = arith.constant 0 : index
    %swap3A_41 = arith.constant 0 : index
    %swap3A_42 = vector.load %arg6[%swap3A, %swap3A_41] : memref<10000x128xf32, #tpu.memory_space<vmem>>, vector<10000x128xf32>
    tpu.vector_store %arg6[%swap3A, %swap3A_41], %add3A_40 {strides = array<i32>} : memref<10000x128xf32, #tpu.memory_space<vmem>>, vector<10000x128xf32>,
    return
  }
}

module attributes {stable_mosaic.version = 14 : i64} {
  func.func @_head_body(%arg0: memref<8192x256xf32, #tpu.memory_space<vmem>>, %arg1: memref<128x256xf32, #tpu.memory_space<vmem>>, %arg2: memref<1x128xf32, #tpu.memory_space<vmem>>, %arg3: memref<128x128xf32, #tpu.memory_space<vmem>>, %arg4: memref<1x128xf32, #tpu.memory_space<vmem>>, %arg5: memref<8192x128xf32, #tpu.memory_space<vmem>>) attributes {dimension_semantics = [], scalar_prefetch = 0 : i64, scratch_operands = 0 : i64, tpu.core_type = #tpu.core_type<tc>} {
    %get3A = arith.constant 0 : index
    %get3A_0 = arith.constant 0 : index
    %get3A_1 = vector.load %arg0[%get3A, %get3A_0] : memref<8192x256xf32, #tpu.memory_space<vmem>>, vector<8192x256xf32>
    %get3A_2 = arith.constant 0 : index
    %get3A_3 = arith.constant 0 : index
    %get3A_4 = vector.load %arg1[%get3A_2, %get3A_3] : memref<128x256xf32, #tpu.memory_space<vmem>>, vector<128x256xf32>
    %dot_general3A = arith.constant dense<0.000000e+00> : vector<8192x128xf32>
    %dot_general3A_5 = tpu.matmul %get3A_1, %get3A_4, %dot_general3A {dimension_numbers = #tpu.dot_dimension_numbers<[1], [1], [0], [0], [0, 0, 1, 0], [], []>, transpose_lhs_hint = false} : vector<8192x256xf32>, vector<128x256xf32>, vector<8192x128xf32> -> vector<8192x128xf32>
    %get3A_6 = arith.constant 0 : index
    %get3A_7 = arith.constant 0 : index
    %get3A_8 = vector.load %arg2[%get3A_6, %get3A_7] : memref<1x128xf32, #tpu.memory_space<vmem>>, vector<1x128xf32>
    %add3A = vector.broadcast %get3A_8 : vector<1x128xf32> to vector<8192x128xf32>
    %add3A_9 = arith.addf %dot_general3A_5, %add3A : vector<8192x128xf32>
    %gt3A = arith.constant 0.000000e+00 : f32
    %gt3A_10 = vector.broadcast %gt3A : f32 to vector<8192x128xf32>
    %gt3A_11 = arith.cmpf ogt, %add3A_9, %gt3A_10 : vector<8192x128xf32>
    %mul3A = arith.constant 1.000000e-01 : f32
    %mul3A_12 = vector.broadcast %mul3A : f32 to vector<8192x128xf32>
    %mul3A_13 = arith.mulf %mul3A_12, %add3A_9 : vector<8192x128xf32>
    %select_n3A = arith.select %gt3A_11, %add3A_9, %mul3A_13 : vector<8192x128xi1>, vector<8192x128xf32>
    %get3A_14 = arith.constant 0 : index
    %get3A_15 = arith.constant 0 : index
    %get3A_16 = vector.load %arg3[%get3A_14, %get3A_15] : memref<128x128xf32, #tpu.memory_space<vmem>>, vector<128x128xf32>
    %dot_general3A_17 = arith.constant dense<0.000000e+00> : vector<8192x128xf32>
    %dot_general3A_18 = tpu.matmul %select_n3A, %get3A_16, %dot_general3A_17 {dimension_numbers = #tpu.dot_dimension_numbers<[1], [1], [0], [0], [0, 0, 1, 0], [], []>, transpose_lhs_hint = false} : vector<8192x128xf32>, vector<128x128xf32>, vector<8192x128xf32> -> vector<8192x128xf32>
    %get3A_19 = arith.constant 0 : index
    %get3A_20 = arith.constant 0 : index
    %get3A_21 = vector.load %arg4[%get3A_19, %get3A_20] : memref<1x128xf32, #tpu.memory_space<vmem>>, vector<1x128xf32>
    %add3A_22 = vector.broadcast %get3A_21 : vector<1x128xf32> to vector<8192x128xf32>
    %add3A_23 = arith.addf %dot_general3A_18, %add3A_22 : vector<8192x128xf32>
    %swap3A = arith.constant 0 : index
    %swap3A_24 = arith.constant 0 : index
    %swap3A_25 = vector.load %arg5[%swap3A, %swap3A_24] : memref<8192x128xf32, #tpu.memory_space<vmem>>, vector<8192x128xf32>
    tpu.vector_store %arg5[%swap3A, %swap3A_24], %add3A_23 {strides = array<i32>} : memref<8192x128xf32, #tpu.memory_space<vmem>>, vector<8192x128xf32>,
    return
  }
}

</mosaic_0001>

<sc_bundles>
// kernel: kernel.12.cloned.1.call-start
scs
__scs_entry_jumppad:
0x0: {  	(pc) =	sbr.rel $0x88, $3  }
0x1: {  	(tag) =	ssettag $0x0;
	lr =	simm.s32 $0x1  }
0x2: {  	[smem:$0x3F92] =	sst lr;
	_ =	strace $0xD0000000  }
0x3: {  	_ = 	snop  }
0x4: {  	_ = 	snop  }
0x5: {  	_ = 	snop  }
0x6: {  	_ = 	snop  }
0x7: {  	_ = 	snop  }
__scs_overlays_trampoline_lowered:
0x8: {  	[smem:$0x3FA1] =	sst s0  }
0x9: {  	[smem:$0x3FA2] =	sst s1  }
0xa: {  	[smem:$0x3FA3] =	sst s2  }
0xb: {  	[smem:$0x3FA4] =	sst s3  }
0xc: {  	[smem:$0x3FA5] =	sst s4  }
0xd: {  	[smem:$0x3FA6] =	sst s5  }
0xe: {  	[smem:$0x3FA7] =	sst s6  }
0xf: {  	[smem:$0x3FA8] =	sst s7  }
0x10: {  	[smem:$0x3FA9] =	sst s8  }
0x11: {  	[smem:$0x3FAA] =	sst s9;
	s0 =	simm.s32 @!p0 $0x0  }
0x12: {  	s1 =	sld [smem:$0x3F90];
	s0 =	simm.s32 @p0 $0x1  }
0x13: {  	[smem:$0x3FAB] =	sst s0;
	s0 =	simm.s32 @!p1 $0x0  }
0x14: {  	s2 =	sld [smem:$0x3F8F];
	s0 =	simm.s32 @p1 $0x1  }
0x15: {  	[smem:$0x3FAC] =	sst s0;
	s0 =	simm.s32 @!p2 $0x0  }
0x16: {  	s3 =	sld [smem:$0x3FDB];
	s0 =	simm.s32 @p2 $0x1  }
0x17: {  	s4 =	simm.s32 $0x1BF5;
	[smem:$0x3FAE] =	sst s0  }
0x18: {  	s0 =	sld [smem:$0x3F91];
	_ =	swait.ge [sflag:s4], $0x0  }
0x19: {  	s7 =	sld [smem:$0x3F92]  }
0x1a: {  	s8 =	sadd.s32 $0xFFFFE003, lr  }
0x1b: {  	s9 =	sadd.s32 $0xFFFFFEF7, lr;
	s5 =	simm.s32 $0xFFFFFFFF;
	p2 =	slt.u32 s8, $0xFFFFF086  }
0x1c: {  	p1 =	slt.u32 s9, $0xF7A;
	s5 =	simm.s32 @!p2 $0x0  }
0x1d: {  	s5 =	simm.s32 @p1 $0x1;
	p0 =	seq.s32 s7, s2  }
0x1e: {  	s7 =	smul.u32 @!p0 $0xF7A, s2;
	p2 =	seq.s32 @!p0 s5, $0x0  }
0x1f: {  	s9 =	smul.u32 $0xF7A, s1;
	s8 =	simm.s32 @!p0 $0x1BF5;
	p2 =	por !p2, p0  }
0x20: {  	[sflag:s8] =	ssyncset.s32 @!p0 $0xFFFFF086;
	s6 =	sadd.s32 @!p0 s3, s7;
	s7 =	simm.s32 @!p0 $0x108  }
0x21: {  	s3 =	sadd.s32 s3, s9;
	s6 =	sadd.s32 @!p0 $0x88, s6;
	s7 =	simm.s32 @p2 $0x1082  }
0x22: {  	[simem:s7], [sflag:s8] =	dma.local @!p0 [hbm:s6], $0xF7A  }
0x23: {  	s9 =	sor.u32 $0xD0000000, s2;
	s6 =	simm.s32 $0x108;
	_ =	swait.ge @!p0 [sflag:s8], $0x0  }
0x24: {  	s3 =	sadd.s32 $0x88, s3;
	s6 =	simm.s32 @!p1 $0x1082;
	[sflag:s4] =	ssyncset.s32 $0xFFFFF086  }
0x25: {  	[simem:s6], [sflag:s4] =	dma.local [hbm:s3], $0xF7A  }
0x26: {  	[smem:$0x3F92] =	sst s1;
	(tag) =	ssettag s2;
	_ =	strace s9  }
0x27: {  	s1 =	sld [smem:$0x3FA2]  }
0x28: {  	s2 =	sld [smem:$0x3FA3]  }
0x29: {  	s4 =	sld [smem:$0x3FA5]  }
0x2a: {  	p0 =	seq.s32 s5, $0x0;
	s5 =	sld [smem:$0x3FA6]  }
0x2b: {  	s6 =	sld [smem:$0x3FA7]  }
0x2c: {  	s7 =	sld [smem:$0x3FA8]  }
0x2d: {  	s3 =	simm.s32 $0x108;
	s8 =	sld [smem:$0x3FA9]  }
0x2e: {  	s3 =	simm.s32 @!p0 $0x1082;
	s9 =	sld [smem:$0x3FAA]  }
0x2f: {  	lr =	sadd.s32 s0, s3;
	s0 =	sld [smem:$0x3FA1]  }
0x30: {  	s3 =	sld [smem:$0x3FA4]  }
0x31: {  	[smem:$0x3FAD] =	sst s10  }
0x32: {  	s10 =	sld [smem:$0x3FAB];
	_ =	sdelay $0x3  }
0x33: {  	p0 =	seq.s32 s10, $0x1;
	s10 =	sld [smem:$0x3FAD];
	_ =	sdelay $0x3  }
0x34: {  	[smem:$0x3FAD] =	sst s10  }
0x35: {  	s10 =	sld [smem:$0x3FAC];
	_ =	sdelay $0x3  }
0x36: {  	p1 =	seq.s32 s10, $0x1;
	s10 =	sld [smem:$0x3FAD];
	_ =	sdelay $0x3  }
0x37: {  	[smem:$0x3FAD] =	sst s10  }
0x38: {  	s10 =	sld [smem:$0x3FAE]  }
0x39: {  	_ = 	snop;
	(pc) =	sbr.ind lr, $3  }
0x3a: {  	_ = 	snop  }
0x3b: {  	_ = 	snop  }
0x3c: {  	p2 =	seq.s32 s10, $0x1;
	s10 =	sld [smem:$0x3FAD]  }
0x3d: {  	_ =	shalt  }
0x3e: {  	_ =	shalt  }
0x3f: {  	_ =	shalt  }
0x40: {  	_ =	shalt  }
0x41: {  	_ =	shalt  }
0x42: {  	_ =	shalt  }
0x43: {  	_ =	shalt  }
0x44: {  	_ =	shalt  }
0x45: {  	_ =	shalt  }
0x46: {  	_ =	shalt  }
0x47: {  	_ =	shalt  }
0x48: {  	_ =	shalt  }
0x49: {  	_ =	shalt  }
0x4a: {  	_ =	shalt  }
0x4b: {  	_ =	shalt  }
0x4c: {  	_ =	shalt  }
0x4d: {  	_ =	shalt  }
0x4e: {  	_ =	shalt  }
0x4f: {  	_ =	shalt  }
0x50: {  	_ =	shalt  }
0x51: {  	_ =	shalt  }
0x52: {  	_ =	shalt  }
0x53: {  	_ =	shalt  }
0x54: {  	_ =	shalt  }
0x55: {  	_ =	shalt  }
0x56: {  	_ =	shalt  }
0x57: {  	_ =	shalt  }
0x58: {  	_ =	shalt  }
0x59: {  	_ =	shalt  }
0x5a: {  	_ =	shalt  }
0x5b: {  	_ =	shalt  }
0x5c: {  	_ =	shalt  }
0x5d: {  	_ =	shalt  }
0x5e: {  	_ =	shalt  }
0x5f: {  	_ =	shalt  }
0x60: {  	_ =	shalt  }
0x61: {  	_ =	shalt  }
0x62: {  	_ =	shalt  }
0x63: {  	_ =	shalt  }
0x64: {  	_ =	shalt  }
0x65: {  	_ =	shalt  }
0x66: {  	_ =	shalt  }
0x67: {  	_ =	shalt  }
0x68: {  	_ =	shalt  }
0x69: {  	_ =	shalt  }
0x6a: {  	_ =	shalt  }
0x6b: {  	_ =	shalt  }
0x6c: {  	_ =	shalt  }
0x6d: {  	_ =	shalt  }
0x6e: {  	_ =	shalt  }
0x6f: {  	_ =	shalt  }
0x70: {  	_ =	shalt  }
0x71: {  	_ =	shalt  }
0x72: {  	_ =	shalt  }
0x73: {  	_ =	shalt  }
0x74: {  	_ =	shalt  }
0x75: {  	_ =	shalt  }
0x76: {  	_ =	shalt  }
0x77: {  	_ =	shalt  }
0x78: {  	_ =	shalt  }
0x79: {  	_ =	shalt  }
0x7a: {  	_ =	shalt  }
0x7b: {  	_ =	shalt  }
0x7c: {  	_ =	shalt  }
0x7d: {  	_ =	shalt  }
0x7e: {  	_ =	shalt  }
0x7f: {  	_ =	shalt  }
0x80: {  	_ =	shalt  }
0x81: {  	_ =	shalt  }
0x82: {  	_ =	shalt  }
0x83: {  	_ =	shalt  }
0x84: {  	_ =	shalt  }
0x85: {  	_ =	shalt  }
0x86: {  	_ =	shalt  }
0x87: {  	_ =	shalt  }
.Lfunc_end0:
.L_simem_size_0:
called_computation.1_lowered:
.L_overlay_start_0:
0x88: {  	s2 =	sld [smem:$0x3FD9]  }
0x89: {  	s3 =	sld [smem:$0x3FFE];
	_ =	sdelay $0x1  }
0x8a: {  	s1 =	srdreg.scid  }
0x8b: {  	s0 =	sand.u32 $0x1, s1  }
0x8c: {  	s17 =	sshll.u32 s0, $0xA;
	s2 =	sadd.s32 s3, s2  }
0x8d: {  	s2 =	sadd.s32 s2, s17  }
0x8e: {  	[smem:$0x3FB9] =	sst s2  }
0x8f: {  	_ = 	snop  }
0x90: {  	s2 =	sld [smem:$0x3FD0];
	(tm) =	ssettm $0x1  }
0x91: {  	s18 =	sld [smem:$0x3FFB];
	_ =	sdelay $0x3  }
0x92: {  	_ =	strace s18  }
0x93: {  	s3 =	sld [smem:$0x3FFC];
	_ =	sdelay $0x3  }
0x94: {  	_ =	strace s3  }
0x95: {  	s3 =	sld [smem:$0x3FFD];
	_ =	sdelay $0x3  }
0x96: {  	_ =	strace s3  }
0x97: {  	_ =	strace $0x8FFFFFFF  }
0x98: {  	s19 =	sld [smem:$0x3FDB];
	_ =	sdelay $0x1  }
0x99: {  	s4 =	simm.s32 $_scs_section_size  }
0x9a: {  	s5 =	simm.s32 $_size__tile_overlayer_lowered;
	s6 =	simm.s32 $_tile_overlayer_lowered  }
0x9b: {  	s22 =	simm.s32 $0x1BFF;
	s21 =	sshll.u32 s6, $0x1;
	s3 =	sadd.s32 s4, s19  }
0x9c: {  	s7 =	simm.s32 $0x0;
	s20 =	sshll.u32 s5, $0x1;
	s5 =	sadd.s32 s21, s3  }
0x9d: {  	[timem:s7], [sflag:s22] =	dma.local [hbm:s5], s20  }
0x9e: {  	_ =	swait.ge [sflag:s22], s20  }
0x9f: {  	s4 =	ssub.s32 $0x0, s20;
	[sflag:s22] =	ssyncset.done $0x0  }
0xa0: {  	[sflag:s22] =	ssyncadd.s32 s4;
	_ =	sdelay $0x1  }
0xa1: {  	s23 =	simm.s32 $0x1B8B  }
0xa2: {  	_ =	swait.ge [sflag:s23], $0x1  }
0xa3: {  	[sflag:s23] =	ssyncset.done $0x0  }
0xa4: {  	s25 =	simm.s32 $0x1B8E;
	s24 =	sld [smem:$0x3FFE];
	[sflag:s23] =	ssyncadd.s32 $0xFFFFFFFF  }
0xa5: {  	s26 =	simm.s32 $execute0_lowered;
	[smem:$0x3FD2] =	sst s25  }
0xa6: {  	s5 =	sshll.u32 s26, $0x1;
	_ =	strace $0x80000049;
	[dreg:$0x1] =	wrdreg $0xFFFFFFFF  }
0xa7: {  	s28 =	simm.s32 $_size_execute0_lowered;
	s3 =	sadd.s32 s3, s5;
	[dreg:$0x0] =	wrdreg $0x0  }
0xa8: {  	s5 =	sshll.u32 s28, $0x1;
	[dreg:$0x2] =	wrdreg s3  }
0xa9: {  	[dreg:$0x3] =	wrdreg s5  }
0xaa: {  	[dreg:$0x4] =	wrdreg $0xC0  }
0xab: {  	_ =	task [dreg:s7], $0x5FFFF  }
0xac: {  	[dreg:$0x1] =	wrdreg $0xFFFFFFFF  }
0xad: {  	[dreg:$0x0] =	wrdreg $0x60  }
0xae: {  	[dreg:$0x2] =	wrdreg s24  }
0xaf: {  	[dreg:$0x3] =	wrdreg s2  }
0xb0: {  	[dreg:$0x4] =	wrdreg $0xA8800  }
0xb1: {  	[dreg:$0x5] =	wrdreg $0x1E8800  }
0xb2: {  	[dreg:$0x6] =	wrdreg $0x9  }
0xb3: {  	_ =	task.clear_ibuf [dreg:s7], $0x7FFFF;
	_ =	strace $0x90000049  }
0xb4: {  	s29 =	simm.s32 $0x9;
	_ =	strace $0x8000004B  }
0xb5: {  	_ =	swait.ge [sflag:s29], $0x1  }
0xb6: {  	[sflag:s29] =	ssyncadd.s32 $0xFFFFFFFF  }
0xb7: {  	_ =	strace $0x9000004B  }
0xb8: {  	_ =	sfence  }
0xb9: {  	s30 =	sld [smem:$0x0];
	_ =	sdelay $0x2  }
0xba: {  	s31 =	sshll.u32 s1, $0xD;
	s1 =	sshrl.u32 s1, $0x2  }
0xbb: {  	s3 =	sand.u32 $0x4000, s31;
	s1 =	sadd.s32 s1, s30  }
0xbc: {  	s0 =	sor.u32 s3, s0;
	s1 =	sshll.u32 s1, $0x11  }
0xbd: {  	s0 =	sor.u32 s1, s0  }
0xbe: {  	s0 =	sadd.s32 $0x8F2B, s0  }
0xbf: {  	[sflag:s0] =	ssyncadd.remote.s32 $0x1  }
0xc0: {  	_ =	sfence.sel $0xFFFF  }
0xc1: {  	[dreg:$0x0] =	wrdreg $0xFFFFFFFF;
	(pc) =	sbr.abs _section_cstart, $3  }
0xc2: {  	[dreg:$0x1] =	wrdreg $0xFFFFFFFF  }
0xc3: {  	_ =	task.clear_ibuf [dreg:s7], $0x2FFFF;
	_ =	strace $0x9FFFFFFF  }
0xc4: {  	(tm) =	ssettm $0x7FFFFFFF  }
0xc5: {  	_ =	shalt  }
tec
execute0_lowered:
.L_overlay_start_1:
0x0: {  	(tag) =	ssettag $0x1  }
0x1: {  	s0 =	rddreg [dreg:$0x0]  }
0x2: {  	s2 =	rddreg [dreg:$0x2]  }
0x3: {  	s3 =	rddreg [dreg:$0x3];
	s1 =	srdreg.scid;
	s5 =	simm.s32 $0x0  }
0x4: {  	s11 =	stileid.u32;
	s28 =	simm.s32 $0x2;
	s29 =	simm.s32 $0x3  }
0x5: {  	s30 =	simm.s32 $0x1480;
	s31 =	simm.s32 $0x1380;
	s7 =	smul.u32 $0x14000, s11  }
0x6: {  	s1 =	sand.u32 $0x1, s1;
	[smem:$0x7FF] =	sst s5;
	s8 =	smul.u32 $0x500, s11  }
0x7: {  	s6 =	sadd.s32 $0x17400, s0;
	s12 =	sadd.s32 $0x3400, s0;
	s22 =	smul.u32 $0x50000, s11  }
0x8: {  	s13 =	sadd.s32 $0xD400, s0;
	s19 =	sadd.s32 $0x3E600, s0;
	s10 =	smul.u32 $0xA00, s11  }
0x9: {  	s20 =	sadd.s32 $0x40E00, s0;
	s24 =	sshll.u32 s11, $0x6;
	s4 =	smul.u32 $0x140000, s1  }
0xa: {  	_ =	strace $0x8000004A;
	s9 =	sshll.u32 s1, $0x7;
	[dreg:$0x5] =	wrdreg s19  }
0xb: {  	[dreg:$0x6] =	wrdreg s20;
	s21 =	ssub.s32 $0x2, s1;
	s1 =	sshll.u32 s1, $0x4  }
0xc: {  	s20 =	simm.s32 $0xA800;
	s18 =	sor.u32 s9, s8;
	s23 =	sshrl.u32 s21, $0x1  }
0xd: {  	s1 =	sor.u32 s11, s1;
	s8 =	sshrl.u32 s22, $0x2;
	s10 =	sshrl.u32 s10, $0x2  }
0xe: {  	s9 =	sor.u32 $0x1C04, s24;
	s22 =	simm.s32 $0x80;
	s24 =	simm.s32 $0x6800  }
0xf: {  	s4 =	sadd.s32 s7, s4;
	s7 =	sshrl.u32 s18, $0x3;
	s1 =	smul.u32 $0x2800, s1  }
0x10: {  	s8 =	sadd.s32 s8, s2;
	s19 =	sadd.s32 s10, s3;
	s18 =	simm.s32 $0x4  }
0x11: {  	s4 =	sshrl.u32 s4, $0x3;
	s17 =	sshrl.u32 s8, $0x3;
	s19 =	sshrl.u32 s19, $0x3  }
0x12: {  	s4 =	sadd.s32 s4, s0;
	s0 =	sadd.s32 s7, s0;
	s7 =	ssub.s32 s21, s23  }
0x13: {  	s1 =	sshrl.u32 s1, $0x3;
	s21 =	simm.s32 $0x1400;
	s23 =	simm.s32 $0x2800  }
0x14: {  	s25 =	sadd.s32 s12, s1;
	s26 =	sadd.s32 s13, s1;
	s1 =	sadd.s32 $0x280, s1  }
0x15: {  	s14 =	sadd.s32 $0x41A00, s4;
	s15 =	sadd.s32 $0x41000, s0;
	s16 =	smax.u32 s7, $0x1  }
0x16: {  	s0 =	simm.s32 $0x2700;
	s4 =	simm.s32 $0x2780;
	[dreg:$0x7] =	wrdreg s25  }
0x17: {  	[dreg:$0x8] =	wrdreg s26;
	s12 =	sadd.s32 s12, s1;
	s13 =	sadd.s32 s13, s1  }
0x18: {  	s25 =	simm.s32 $0x1;
	s26 =	simm.s32 $0x100;
	s1 =	simm.s32 $0x0  }
.LBB2_1:
0x19: {  	s7 =	rddreg [dreg:$0x5]  }
0x1a: {  	[spmem:s17], [sflag:s9] =	dma.local [hbm:s7], $0x2800  }
0x1b: {  	_ =	swait.ge [sflag:s18], $0x2800  }
0x1c: {  	[sflag:s18] =	ssyncset.done $0x0  }
0x1d: {  	[sflag:s18] =	ssyncadd.s32 $0xFFFFD800  }
0x1e: {  	s10 =	rddreg [dreg:$0x1]  }
0x1f: {  	[spmem:s19], [sflag:s9] =	dma.local [hbm:s10], $0x50  }
0x20: {  	_ =	swait.ge [sflag:s18], $0x50  }
0x21: {  	[sflag:s18] =	ssyncset.done $0x0  }
0x22: {  	s11 =	rddreg [dreg:$0x6];
	[sflag:s18] =	ssyncadd.s32 $0xFFFFFFB0  }
0x23: {  	[tilespmem:s20], [sflag:$0x4] =	stream.linear.gather [hbm4b:s11+s5], $0x80, $0x38;
	[tilespmem:$0x1EB00] =	vst v63  }
0x24: {  	_ =	swait.ge [sflag:s18], $0x80  }
0x25: {  	[sflag:s18] =	ssyncset.done $0x0  }
0x26: {  	[sflag:s18] =	ssyncadd.s32 $0xFFFFFF80  }
0x27: {  	[bflag:$0x0] =	sbarrier.arrive $0xFFFF  }
0x28: {  	s8 =	rddreg [dreg:$0x7]  }
0x29: {  	[tilespmem:s5], [sflag:$0x4] =	stream.linear.gather [hbm4b:s8+s5], $0x1400, $0x38;
	[tilespmem:$0x1EB00] =	vst v63  }
0x2a: {  	_ =	swait.ge [sflag:s18], $0x1400  }
0x2b: {  	[sflag:s18] =	ssyncset.done $0x0  }
0x2c: {  	s10 =	rddreg [dreg:$0x8];
	[sflag:s18] =	ssyncadd.s32 $0xFFFFEC00  }
0x2d: {  	[tilespmem:s21], [sflag:$0x4] =	stream.linear.gather [hbm4b:s10+s5], $0x1400, $0x38;
	[tilespmem:$0x1EB00] =	vst v63  }
0x2e: {  	_ =	swait.ge [sflag:s18], $0x1400  }
0x2f: {  	[sflag:s18] =	ssyncset.done $0x0  }
0x30: {  	[sflag:s18] =	ssyncadd.s32 $0xFFFFEC00  }
0x31: {  	[tilespmem:s23], [sflag:$0x1] =	stream.indirect.gather [hbm4b:s6+s22], $0x80, s5, s22, $0xb8;
	[tilespmem:$0x1EB00] =	vst v63  }
0x32: {  	_ = 	snop  }
0x33: {  	[tilespmem:s24], [sflag:$0x2] =	stream.indirect.gather [hbm4b:s6+s22], $0x80, s22, s22, $0xb8;
	[tilespmem:$0x1EB00] =	vst v63  }
0x34: {  	_ =	swait.ge [sflag:s25], $0x4000  }
0x35: {  	[sflag:s25] =	ssyncset.done $0x0  }
0x36: {  	[sflag:s25] =	ssyncadd.s32 $0xFFFFC000  }
0x37: {  	[spmem:s3] =	stream.indirect.scatter.add.f32 [tilespmem:s20], [sflag:$0x3], $0x1, s21, s22, $0xb8;
	[tilespmem:$0x1EB00] =	vst v63  }
0x38: {  	_ = 	snop  }
0x39: {  	[spmem:s2] =	stream.indirect.scatter.add.f32 [tilespmem:s23], [sflag:$0x4], $0x80, s21, s22, $0xb8;
	[tilespmem:$0x1EB00] =	vst v63  }
0x3a: {  	_ =	swait.ge [sflag:s18], $0x4000  }
0x3b: {  	[sflag:s18] =	ssyncset.done $0x0  }
0x3c: {  	[sflag:s18] =	ssyncadd.s32 $0xFFFFC000  }
0x3d: {  	[tilespmem:s23], [sflag:$0x1] =	stream.indirect.gather [hbm4b:s6+s22], $0x80, s26, s22, $0xb8;
	[tilespmem:$0x1EB00] =	vst v63  }
0x3e: {  	_ =	swait.ge [sflag:s28], $0x4000  }
0x3f: {  	[sflag:s28] =	ssyncset.done $0x0  }
0x40: {  	[sflag:s28] =	ssyncadd.s32 $0xFFFFC000  }
0x41: {  	_ =	swait.ge [sflag:s29], $0x80  }
0x42: {  	[sflag:s29] =	ssyncset.done $0x0  }
0x43: {  	[sflag:s29] =	ssyncadd.s32 $0xFFFFFF80  }
0x44: {  	[spmem:s3] =	stream.indirect.scatter.add.f32 [tilespmem:s20], [sflag:$0x3], $0x1, s30, s22, $0xb8;
	[tilespmem:$0x1EB00] =	vst v63  }
0x45: {  	_ = 	snop  }
0x46: {  	[spmem:s2] =	stream.indirect.scatter.add.f32 [tilespmem:s24], [sflag:$0x4], $0x80, s30, s22, $0xb8;
	[tilespmem:$0x1EB00] =	vst v63  }
0x47: {  	_ =	swait.ge [sflag:s18], $0x4000  }
0x48: {  	[sflag:s18] =	ssyncset.done $0x0  }
0x49: {  	s11 =	simm.s32 $0x180;
	[sflag:s18] =	ssyncadd.s32 $0xFFFFC000  }
0x4a: {  	[tilespmem:s24], [sflag:$0x2] =	stream.indirect.gather [hbm4b:s6+s22], $0x80, s11, s22, $0xb8;
	[tilespmem:$0x1EB00] =	vst v63  }
0x4b: {  	_ =	swait.ge [sflag:s25], $0x4000  }
0x4c: {  	[sflag:s25] =	ssyncset.done $0x0  }
0x4d: {  	[sflag:s25] =	ssyncadd.s32 $0xFFFFC000  }
0x4e: {  	_ =	swait.ge [sflag:s29], $0x80  }
0x4f: {  	[sflag:s29] =	ssyncset.done $0x0  }
0x50: {  	s8 =	simm.s32 $0x1500;
	[sflag:s29] =	ssyncadd.s32 $0xFFFFFF80  }
0x51: {  	[spmem:s3] =	stream.indirect.scatter.add.f32 [tilespmem:s20], [sflag:$0x3], $0x1, s8, s22, $0xb8;
	[tilespmem:$0x1EB00] =	vst v63  }
0x52: {  	_ = 	snop  }
0x53: {  	[spmem:s2] =	stream.indirect.scatter.add.f32 [tilespmem:s23], [sflag:$0x4], $0x80, s8, s22, $0xb8;
	[tilespmem:$0x1EB00] =	vst v63  }
0x54: {  	_ =	swait.ge [sflag:s18], $0x4000  }
0x55: {  	[sflag:s18] =	ssyncset.done $0x0  }
0x56: {  	s10 =	simm.s32 $0x200;
	[sflag:s18] =	ssyncadd.s32 $0xFFFFC000  }
0x57: {  	[tilespmem:s23], [sflag:$0x1] =	stream.indirect.gather [hbm4b:s6+s22], $0x80, s10, s22, $0xb8;
	[tilespmem:$0x1EB00] =	vst v63  }
0x58: {  	_ =	swait.ge [sflag:s28], $0x4000  }
0x59: {  	[sflag:s28] =	ssyncset.done $0x0  }
0x5a: {  	[sflag:s28] =	ssyncadd.s32 $0xFFFFC000  }
0x5b: {  	_ =	swait.ge [sflag:s29], $0x80  }
0x5c: {  	[sflag:s29] =	ssyncset.done $0x0  }
0x5d: {  	s11 =	simm.s32 $0x1580;
	[sflag:s29] =	ssyncadd.s32 $0xFFFFFF80  }
0x5e: {  	[spmem:s3] =	stream.indirect.scatter.add.f32 [tilespmem:s20], [sflag:$0x3], $0x1, s11, s22, $0xb8;
	[tilespmem:$0x1EB00] =	vst v63  }
0x5f: {  	_ = 	snop  }
0x60: {  	[spmem:s2] =	stream.indirect.scatter.add.f32 [tilespmem:s24], [sflag:$0x4], $0x80, s11, s22, $0xb8;
	[tilespmem:$0x1EB00] =	vst v63  }
0x61: {  	_ =	swait.ge [sflag:s18], $0x4000  }
0x62: {  	s7 =	simm.s32 $0xFFFFBC00;
	s8 =	simm.s32 $0xFFFFC000;
	[sflag:s18] =	ssyncset.done $0x0  }
.LBB2_2:
0x63: {  	s10 =	sshra.s32 s7, $0x2  }
0x64: {  	[sflag:s18] =	ssyncadd.s32 $0xFFFFC000;
	s7 =	smov.u32 s8;
	s11 =	sadd.s32 $0x400, s8  }
0x65: {  	p0 =	sne.s32 s8, $0xFFFFFC00;
	s8 =	sadd.s32 $0x1380, s10  }
0x66: {  	[tilespmem:s24], [sflag:$0x2] =	stream.indirect.gather [hbm4b:s6+s22], $0x80, s8, s22, $0xb8;
	[tilespmem:$0x1EB00] =	vst v63  }
0x67: {  	_ =	swait.ge [sflag:s25], $0x4000  }
0x68: {  	[sflag:s25] =	ssyncset.done $0x0  }
0x69: {  	[sflag:s25] =	ssyncadd.s32 $0xFFFFC000  }
0x6a: {  	_ =	swait.ge [sflag:s29], $0x80  }
0x6b: {  	[sflag:s29] =	ssyncset.done $0x0  }
0x6c: {  	s8 =	sadd.s32 $0x2700, s10;
	[sflag:s29] =	ssyncadd.s32 $0xFFFFFF80  }
0x6d: {  	[spmem:s3] =	stream.indirect.scatter.add.f32 [tilespmem:s20], [sflag:$0x3], $0x1, s8, s22, $0xb8;
	[tilespmem:$0x1EB00] =	vst v63  }
0x6e: {  	_ = 	snop  }
0x6f: {  	[spmem:s2] =	stream.indirect.scatter.add.f32 [tilespmem:s23], [sflag:$0x4], $0x80, s8, s22, $0xb8;
	[tilespmem:$0x1EB00] =	vst v63  }
0x70: {  	_ =	swait.ge [sflag:s18], $0x4000  }
0x71: {  	[sflag:s18] =	ssyncset.done $0x0  }
0x72: {  	s8 =	sadd.s32 $0x1400, s10;
	[sflag:s18] =	ssyncadd.s32 $0xFFFFC000  }
0x73: {  	[tilespmem:s23], [sflag:$0x1] =	stream.indirect.gather [hbm4b:s6+s22], $0x80, s8, s22, $0xb8;
	[tilespmem:$0x1EB00] =	vst v63  }
0x74: {  	_ =	swait.ge [sflag:s28], $0x4000  }
0x75: {  	[sflag:s28] =	ssyncset.done $0x0  }
0x76: {  	[sflag:s28] =	ssyncadd.s32 $0xFFFFC000  }
0x77: {  	_ =	swait.ge [sflag:s29], $0x80  }
0x78: {  	[sflag:s29] =	ssyncset.done $0x0  }
0x79: {  	s8 =	sadd.s32 $0x2780, s10;
	[sflag:s29] =	ssyncadd.s32 $0xFFFFFF80  }
0x7a: {  	[spmem:s3] =	stream.indirect.scatter.add.f32 [tilespmem:s20], [sflag:$0x3], $0x1, s8, s22, $0xb8;
	[tilespmem:$0x1EB00] =	vst v63  }
.Ltmp0:
0x7b: {  	_ = 	snop;
	(pc) =	sbr.rel @p0 .LBB2_2-.Ltmp0, $4  }
0x7c: {  	_ = 	snop  }
0x7d: {  	[spmem:s2] =	stream.indirect.scatter.add.f32 [tilespmem:s24], [sflag:$0x4], $0x80, s8, s22, $0xb8;
	[tilespmem:$0x1EB00] =	vst v63  }
0x7e: {  	_ =	swait.ge [sflag:s18], $0x4000  }
0x7f: {  	s8 =	smov.u32 s11;
	[sflag:s18] =	ssyncset.done $0x0  }
0x80: {  	s7 =	sshra.s32 s7, $0x2  }
0x81: {  	[sflag:s18] =	ssyncadd.s32 $0xFFFFC000;
	s8 =	sadd.s32 $0x1380, s7  }
0x82: {  	[tilespmem:s24], [sflag:$0x2] =	stream.indirect.gather [hbm4b:s6+s22], $0x80, s8, s22, $0xb8;
	[tilespmem:$0x1EB00] =	vst v63  }
0x83: {  	_ =	swait.ge [sflag:s25], $0x4000  }
0x84: {  	[sflag:s25] =	ssyncset.done $0x0  }
0x85: {  	[sflag:s25] =	ssyncadd.s32 $0xFFFFC000  }
0x86: {  	_ =	swait.ge [sflag:s29], $0x80  }
0x87: {  	[sflag:s29] =	ssyncset.done $0x0  }
0x88: {  	s11 =	sadd.s32 $0x2700, s7;
	[sflag:s29] =	ssyncadd.s32 $0xFFFFFF80  }
0x89: {  	[spmem:s3] =	stream.indirect.scatter.add.f32 [tilespmem:s20], [sflag:$0x3], $0x1, s11, s22, $0xb8;
	[tilespmem:$0x1EB00] =	vst v63  }
0x8a: {  	_ = 	snop  }
0x8b: {  	[spmem:s2] =	stream.indirect.scatter.add.f32 [tilespmem:s23], [sflag:$0x4], $0x80, s11, s22, $0xb8;
	[tilespmem:$0x1EB00] =	vst v63  }
0x8c: {  	_ =	swait.ge [sflag:s18], $0x4000  }
0x8d: {  	[sflag:s18] =	ssyncset.done $0x0  }
0x8e: {  	s10 =	sadd.s32 $0x1400, s7;
	[sflag:s18] =	ssyncadd.s32 $0xFFFFC000  }
0x8f: {  	[tilespmem:s23], [sflag:$0x1] =	stream.indirect.gather [hbm4b:s6+s22], $0x80, s10, s22, $0xb8;
	[tilespmem:$0x1EB00] =	vst v63  }
0x90: {  	_ =	swait.ge [sflag:s28], $0x4000  }
0x91: {  	[sflag:s28] =	ssyncset.done $0x0  }
0x92: {  	[sflag:s28] =	ssyncadd.s32 $0xFFFFC000  }
0x93: {  	_ =	swait.ge [sflag:s29], $0x80  }
0x94: {  	[sflag:s29] =	ssyncset.done $0x0  }
0x95: {  	s7 =	sadd.s32 $0x2780, s7;
	[sflag:s29] =	ssyncadd.s32 $0xFFFFFF80  }
0x96: {  	[spmem:s3] =	stream.indirect.scatter.add.f32 [tilespmem:s20], [sflag:$0x3], $0x1, s7, s22, $0xb8;
	[tilespmem:$0x1EB00] =	vst v63  }
0x97: {  	_ = 	snop  }
0x98: {  	[spmem:s2] =	stream.indirect.scatter.add.f32 [tilespmem:s24], [sflag:$0x4], $0x80, s7, s22, $0xb8;
	[tilespmem:$0x1EB00] =	vst v63  }
0x99: {  	_ =	swait.ge [sflag:s18], $0x4000  }
0x9a: {  	[sflag:s18] =	ssyncset.done $0x0  }
0x9b: {  	[sflag:s18] =	ssyncadd.s32 $0xFFFFC000  }
0x9c: {  	[tilespmem:s24], [sflag:$0x2] =	stream.indirect.gather [hbm4b:s6+s22], $0x80, s31, s22, $0xb8;
	[tilespmem:$0x1EB00] =	vst v63  }
0x9d: {  	_ =	swait.ge [sflag:s25], $0x4000  }
0x9e: {  	[sflag:s25] =	ssyncset.done $0x0  }
0x9f: {  	[sflag:s25] =	ssyncadd.s32 $0xFFFFC000  }
0xa0: {  	_ =	swait.ge [sflag:s29], $0x80  }
0xa1: {  	[sflag:s29] =	ssyncset.done $0x0  }
0xa2: {  	[sflag:s29] =	ssyncadd.s32 $0xFFFFFF80  }
0xa3: {  	[spmem:s3] =	stream.indirect.scatter.add.f32 [tilespmem:s20], [sflag:$0x3], $0x1, s0, s22, $0xb8;
	[tilespmem:$0x1EB00] =	vst v63  }
0xa4: {  	_ = 	snop  }
0xa5: {  	[spmem:s2] =	stream.indirect.scatter.add.f32 [tilespmem:s23], [sflag:$0x4], $0x80, s0, s22, $0xb8;
	[tilespmem:$0x1EB00] =	vst v63  }
0xa6: {  	_ =	swait.ge [sflag:s18], $0x4000  }
0xa7: {  	[sflag:s18] =	ssyncset.done $0x0  }
0xa8: {  	[sflag:s18] =	ssyncadd.s32 $0xFFFFC000  }
0xa9: {  	_ =	swait.ge [sflag:s28], $0x4000  }
0xaa: {  	[sflag:s28] =	ssyncset.done $0x0  }
0xab: {  	[sflag:s28] =	ssyncadd.s32 $0xFFFFC000  }
0xac: {  	_ =	swait.ge [sflag:s29], $0x80  }
0xad: {  	[sflag:s29] =	ssyncset.done $0x0  }
0xae: {  	[sflag:s29] =	ssyncadd.s32 $0xFFFFFF80  }
0xaf: {  	[spmem:s3] =	stream.indirect.scatter.add.f32 [tilespmem:s20], [sflag:$0x3], $0x1, s4, s22, $0xb8;
	[tilespmem:$0x1EB00] =	vst v63  }
0xb0: {  	_ = 	snop  }
0xb1: {  	[spmem:s2] =	stream.indirect.scatter.add.f32 [tilespmem:s24], [sflag:$0x4], $0x80, s4, s22, $0xb8;
	[tilespmem:$0x1EB00] =	vst v63  }
0xb2: {  	_ =	swait.ge [sflag:s18], $0x4000  }
0xb3: {  	[sflag:s18] =	ssyncset.done $0x0  }
0xb4: {  	[sflag:s18] =	ssyncadd.s32 $0xFFFFC000  }
0xb5: {  	_ =	swait.ge [sflag:s29], $0x80  }
0xb6: {  	[sflag:s29] =	ssyncset.done $0x0  }
0xb7: {  	[sflag:s29] =	ssyncadd.s32 $0xFFFFFF80  }
0xb8: {  	[tilespmem:s5], [sflag:$0x4] =	stream.linear.gather [hbm4b:s12+s5], $0x1400, $0x38;
	[tilespmem:$0x1EB00] =	vst v63  }
0xb9: {  	_ =	swait.ge [sflag:s18], $0x1400  }
0xba: {  	[sflag:s18] =	ssyncset.done $0x0  }
0xbb: {  	[sflag:s18] =	ssyncadd.s32 $0xFFFFEC00  }
0xbc: {  	[tilespmem:s21], [sflag:$0x4] =	stream.linear.gather [hbm4b:s13+s5], $0x1400, $0x38;
	[tilespmem:$0x1EB00] =	vst v63  }
0xbd: {  	_ =	swait.ge [sflag:s18], $0x1400  }
0xbe: {  	[sflag:s18] =	ssyncset.done $0x0  }
0xbf: {  	[sflag:s18] =	ssyncadd.s32 $0xFFFFEC00  }
0xc0: {  	[tilespmem:s23], [sflag:$0x1] =	stream.indirect.gather [hbm4b:s6+s22], $0x80, s5, s22, $0xb8;
	[tilespmem:$0x1EB00] =	vst v63  }
0xc1: {  	_ = 	snop  }
0xc2: {  	[tilespmem:s24], [sflag:$0x2] =	stream.indirect.gather [hbm4b:s6+s22], $0x80, s22, s22, $0xb8;
	[tilespmem:$0x1EB00] =	vst v63  }
0xc3: {  	_ =	swait.ge [sflag:s25], $0x4000  }
0xc4: {  	[sflag:s25] =	ssyncset.done $0x0  }
0xc5: {  	[sflag:s25] =	ssyncadd.s32 $0xFFFFC000  }
0xc6: {  	[spmem:s3] =	stream.indirect.scatter.add.f32 [tilespmem:s20], [sflag:$0x3], $0x1, s21, s22, $0xb8;
	[tilespmem:$0x1EB00] =	vst v63  }
0xc7: {  	_ = 	snop  }
0xc8: {  	[spmem:s2] =	stream.indirect.scatter.add.f32 [tilespmem:s23], [sflag:$0x4], $0x80, s21, s22, $0xb8;
	[tilespmem:$0x1EB00] =	vst v63  }
0xc9: {  	_ =	swait.ge [sflag:s18], $0x4000  }
0xca: {  	[sflag:s18] =	ssyncset.done $0x0  }
0xcb: {  	[sflag:s18] =	ssyncadd.s32 $0xFFFFC000  }
0xcc: {  	[tilespmem:s23], [sflag:$0x1] =	stream.indirect.gather [hbm4b:s6+s22], $0x80, s26, s22, $0xb8;
	[tilespmem:$0x1EB00] =	vst v63  }
0xcd: {  	_ =	swait.ge [sflag:s28], $0x4000  }
0xce: {  	[sflag:s28] =	ssyncset.done $0x0  }
0xcf: {  	[sflag:s28] =	ssyncadd.s32 $0xFFFFC000  }
0xd0: {  	_ =	swait.ge [sflag:s29], $0x80  }
0xd1: {  	[sflag:s29] =	ssyncset.done $0x0  }
0xd2: {  	[sflag:s29] =	ssyncadd.s32 $0xFFFFFF80  }
0xd3: {  	[spmem:s3] =	stream.indirect.scatter.add.f32 [tilespmem:s20], [sflag:$0x3], $0x1, s30, s22, $0xb8;
	[tilespmem:$0x1EB00] =	vst v63  }
0xd4: {  	_ = 	snop  }
0xd5: {  	[spmem:s2] =	stream.indirect.scatter.add.f32 [tilespmem:s24], [sflag:$0x4], $0x80, s30, s22, $0xb8;
	[tilespmem:$0x1EB00] =	vst v63  }
0xd6: {  	_ =	swait.ge [sflag:s18], $0x4000  }
0xd7: {  	[sflag:s18] =	ssyncset.done $0x0  }
0xd8: {  	s11 =	simm.s32 $0x180;
	[sflag:s18] =	ssyncadd.s32 $0xFFFFC000  }
0xd9: {  	[tilespmem:s24], [sflag:$0x2] =	stream.indirect.gather [hbm4b:s6+s22], $0x80, s11, s22, $0xb8;
	[tilespmem:$0x1EB00] =	vst v63  }
0xda: {  	_ =	swait.ge [sflag:s25], $0x4000  }
0xdb: {  	[sflag:s25] =	ssyncset.done $0x0  }
0xdc: {  	[sflag:s25] =	ssyncadd.s32 $0xFFFFC000  }
0xdd: {  	_ =	swait.ge [sflag:s29], $0x80  }
0xde: {  	[sflag:s29] =	ssyncset.done $0x0  }
0xdf: {  	s8 =	simm.s32 $0x1500;
	[sflag:s29] =	ssyncadd.s32 $0xFFFFFF80  }
0xe0: {  	[spmem:s3] =	stream.indirect.scatter.add.f32 [tilespmem:s20], [sflag:$0x3], $0x1, s8, s22, $0xb8;
	[tilespmem:$0x1EB00] =	vst v63  }
0xe1: {  	_ = 	snop  }
0xe2: {  	[spmem:s2] =	stream.indirect.scatter.add.f32 [tilespmem:s23], [sflag:$0x4], $0x80, s8, s22, $0xb8;
	[tilespmem:$0x1EB00] =	vst v63  }
0xe3: {  	_ =	swait.ge [sflag:s18], $0x4000  }
0xe4: {  	[sflag:s18] =	ssyncset.done $0x0  }
0xe5: {  	s10 =	simm.s32 $0x200;
	[sflag:s18] =	ssyncadd.s32 $0xFFFFC000  }
0xe6: {  	[tilespmem:s23], [sflag:$0x1] =	stream.indirect.gather [hbm4b:s6+s22], $0x80, s10, s22, $0xb8;
	[tilespmem:$0x1EB00] =	vst v63  }
0xe7: {  	_ =	swait.ge [sflag:s28], $0x4000  }
0xe8: {  	[sflag:s28] =	ssyncset.done $0x0  }
0xe9: {  	[sflag:s28] =	ssyncadd.s32 $0xFFFFC000  }
0xea: {  	_ =	swait.ge [sflag:s29], $0x80  }
0xeb: {  	[sflag:s29] =	ssyncset.done $0x0  }
0xec: {  	s11 =	simm.s32 $0x1580;
	[sflag:s29] =	ssyncadd.s32 $0xFFFFFF80  }
0xed: {  	[spmem:s3] =	stream.indirect.scatter.add.f32 [tilespmem:s20], [sflag:$0x3], $0x1, s11, s22, $0xb8;
	[tilespmem:$0x1EB00] =	vst v63  }
0xee: {  	_ = 	snop  }
0xef: {  	[spmem:s2] =	stream.indirect.scatter.add.f32 [tilespmem:s24], [sflag:$0x4], $0x80, s11, s22, $0xb8;
	[tilespmem:$0x1EB00] =	vst v63  }
0xf0: {  	_ =	swait.ge [sflag:s18], $0x4000  }
0xf1: {  	s7 =	simm.s32 $0xFFFFBC00;
	s8 =	simm.s32 $0xFFFFC000;
	[sflag:s18] =	ssyncset.done $0x0  }
.LBB2_4:
0xf2: {  	s10 =	sshra.s32 s7, $0x2  }
0xf3: {  	[sflag:s18] =	ssyncadd.s32 $0xFFFFC000;
	s7 =	smov.u32 s8;
	s11 =	sadd.s32 $0x400, s8  }
0xf4: {  	p0 =	sne.s32 s8, $0xFFFFFC00;
	s8 =	sadd.s32 $0x1380, s10  }
0xf5: {  	[tilespmem:s24], [sflag:$0x2] =	stream.indirect.gather [hbm4b:s6+s22], $0x80, s8, s22, $0xb8;
	[tilespmem:$0x1EB00] =	vst v63  }
0xf6: {  	_ =	swait.ge [sflag:s25], $0x4000  }
0xf7: {  	[sflag:s25] =	ssyncset.done $0x0  }
0xf8: {  	[sflag:s25] =	ssyncadd.s32 $0xFFFFC000  }
0xf9: {  	_ =	swait.ge [sflag:s29], $0x80  }
0xfa: {  	[sflag:s29] =	ssyncset.done $0x0  }
0xfb: {  	s8 =	sadd.s32 $0x2700, s10;
	[sflag:s29] =	ssyncadd.s32 $0xFFFFFF80  }
0xfc: {  	[spmem:s3] =	stream.indirect.scatter.add.f32 [tilespmem:s20], [sflag:$0x3], $0x1, s8, s22, $0xb8;
	[tilespmem:$0x1EB00] =	vst v63  }
0xfd: {  	_ = 	snop  }
0xfe: {  	[spmem:s2] =	stream.indirect.scatter.add.f32 [tilespmem:s23], [sflag:$0x4], $0x80, s8, s22, $0xb8;
	[tilespmem:$0x1EB00] =	vst v63  }
0xff: {  	_ =	swait.ge [sflag:s18], $0x4000  }
0x100: {  	[sflag:s18] =	ssyncset.done $0x0  }
0x101: {  	s8 =	sadd.s32 $0x1400, s10;
	[sflag:s18] =	ssyncadd.s32 $0xFFFFC000  }
0x102: {  	[tilespmem:s23], [sflag:$0x1] =	stream.indirect.gather [hbm4b:s6+s22], $0x80, s8, s22, $0xb8;
	[tilespmem:$0x1EB00] =	vst v63  }
0x103: {  	_ =	swait.ge [sflag:s28], $0x4000  }
0x104: {  	[sflag:s28] =	ssyncset.done $0x0  }
0x105: {  	[sflag:s28] =	ssyncadd.s32 $0xFFFFC000  }
0x106: {  	_ =	swait.ge [sflag:s29], $0x80  }
0x107: {  	[sflag:s29] =	ssyncset.done $0x0  }
0x108: {  	s8 =	sadd.s32 $0x2780, s10;
	[sflag:s29] =	ssyncadd.s32 $0xFFFFFF80  }
0x109: {  	[spmem:s3] =	stream.indirect.scatter.add.f32 [tilespmem:s20], [sflag:$0x3], $0x1, s8, s22, $0xb8;
	[tilespmem:$0x1EB00] =	vst v63  }
.Ltmp1:
0x10a: {  	_ = 	snop;
	(pc) =	sbr.rel @p0 .LBB2_4-.Ltmp1, $4  }
0x10b: {  	_ = 	snop  }
0x10c: {  	[spmem:s2] =	stream.indirect.scatter.add.f32 [tilespmem:s24], [sflag:$0x4], $0x80, s8, s22, $0xb8;
	[tilespmem:$0x1EB00] =	vst v63  }
0x10d: {  	_ =	swait.ge [sflag:s18], $0x4000  }
0x10e: {  	s8 =	smov.u32 s11;
	[sflag:s18] =	ssyncset.done $0x0  }
0x10f: {  	s7 =	sshra.s32 s7, $0x2  }
0x110: {  	[sflag:s18] =	ssyncadd.s32 $0xFFFFC000;
	s8 =	sadd.s32 $0x1380, s7  }
0x111: {  	[tilespmem:s24], [sflag:$0x2] =	stream.indirect.gather [hbm4b:s6+s22], $0x80, s8, s22, $0xb8;
	[tilespmem:$0x1EB00] =	vst v63  }
0x112: {  	_ =	swait.ge [sflag:s25], $0x4000  }
0x113: {  	[sflag:s25] =	ssyncset.done $0x0  }
0x114: {  	[sflag:s25] =	ssyncadd.s32 $0xFFFFC000  }
0x115: {  	_ =	swait.ge [sflag:s29], $0x80  }
0x116: {  	[sflag:s29] =	ssyncset.done $0x0  }
0x117: {  	s10 =	sadd.s32 $0x2700, s7;
	[sflag:s29] =	ssyncadd.s32 $0xFFFFFF80  }
0x118: {  	[spmem:s3] =	stream.indirect.scatter.add.f32 [tilespmem:s20], [sflag:$0x3], $0x1, s10, s22, $0xb8;
	[tilespmem:$0x1EB00] =	vst v63  }
0x119: {  	_ = 	snop  }
0x11a: {  	[spmem:s2] =	stream.indirect.scatter.add.f32 [tilespmem:s23], [sflag:$0x4], $0x80, s10, s22, $0xb8;
	[tilespmem:$0x1EB00] =	vst v63  }
0x11b: {  	_ =	swait.ge [sflag:s18], $0x4000  }
0x11c: {  	[sflag:s18] =	ssyncset.done $0x0  }
0x11d: {  	s11 =	sadd.s32 $0x1400, s7;
	[sflag:s18] =	ssyncadd.s32 $0xFFFFC000  }
0x11e: {  	[tilespmem:s23], [sflag:$0x1] =	stream.indirect.gather [hbm4b:s6+s22], $0x80, s11, s22, $0xb8;
	[tilespmem:$0x1EB00] =	vst v63  }
0x11f: {  	_ =	swait.ge [sflag:s28], $0x4000  }
0x120: {  	[sflag:s28] =	ssyncset.done $0x0  }
0x121: {  	[sflag:s28] =	ssyncadd.s32 $0xFFFFC000  }
0x122: {  	_ =	swait.ge [sflag:s29], $0x80  }
0x123: {  	[sflag:s29] =	ssyncset.done $0x0  }
0x124: {  	s7 =	sadd.s32 $0x2780, s7;
	[sflag:s29] =	ssyncadd.s32 $0xFFFFFF80  }
0x125: {  	[spmem:s3] =	stream.indirect.scatter.add.f32 [tilespmem:s20], [sflag:$0x3], $0x1, s7, s22, $0xb8;
	[tilespmem:$0x1EB00] =	vst v63  }
0x126: {  	_ = 	snop  }
0x127: {  	[spmem:s2] =	stream.indirect.scatter.add.f32 [tilespmem:s24], [sflag:$0x4], $0x80, s7, s22, $0xb8;
	[tilespmem:$0x1EB00] =	vst v63  }
0x128: {  	_ =	swait.ge [sflag:s18], $0x4000  }
0x129: {  	[sflag:s18] =	ssyncset.done $0x0  }
0x12a: {  	[sflag:s18] =	ssyncadd.s32 $0xFFFFC000  }
0x12b: {  	[tilespmem:s24], [sflag:$0x2] =	stream.indirect.gather [hbm4b:s6+s22], $0x80, s31, s22, $0xb8;
	[tilespmem:$0x1EB00] =	vst v63  }
0x12c: {  	_ =	swait.ge [sflag:s25], $0x4000  }
0x12d: {  	[sflag:s25] =	ssyncset.done $0x0  }
0x12e: {  	[sflag:s25] =	ssyncadd.s32 $0xFFFFC000  }
0x12f: {  	_ =	swait.ge [sflag:s29], $0x80  }
0x130: {  	[sflag:s29] =	ssyncset.done $0x0  }
0x131: {  	[sflag:s29] =	ssyncadd.s32 $0xFFFFFF80  }
0x132: {  	[spmem:s3] =	stream.indirect.scatter.add.f32 [tilespmem:s20], [sflag:$0x3], $0x1, s0, s22, $0xb8;
	[tilespmem:$0x1EB00] =	vst v63  }
0x133: {  	_ = 	snop  }
0x134: {  	[spmem:s2] =	stream.indirect.scatter.add.f32 [tilespmem:s23], [sflag:$0x4], $0x80, s0, s22, $0xb8;
	[tilespmem:$0x1EB00] =	vst v63  }
0x135: {  	_ =	swait.ge [sflag:s18], $0x4000  }
0x136: {  	[sflag:s18] =	ssyncset.done $0x0  }
0x137: {  	[sflag:s18] =	ssyncadd.s32 $0xFFFFC000  }
0x138: {  	_ =	swait.ge [sflag:s28], $0x4000  }
0x139: {  	[sflag:s28] =	ssyncset.done $0x0  }
0x13a: {  	[sflag:s28] =	ssyncadd.s32 $0xFFFFC000  }
0x13b: {  	_ =	swait.ge [sflag:s29], $0x80  }
0x13c: {  	[sflag:s29] =	ssyncset.done $0x0  }
0x13d: {  	[sflag:s29] =	ssyncadd.s32 $0xFFFFFF80  }
0x13e: {  	[spmem:s3] =	stream.indirect.scatter.add.f32 [tilespmem:s20], [sflag:$0x3], $0x1, s4, s22, $0xb8;
	[tilespmem:$0x1EB00] =	vst v63  }
0x13f: {  	_ = 	snop  }
0x140: {  	[spmem:s2] =	stream.indirect.scatter.add.f32 [tilespmem:s24], [sflag:$0x4], $0x80, s4, s22, $0xb8;
	[tilespmem:$0x1EB00] =	vst v63  }
0x141: {  	_ =	swait.ge [sflag:s18], $0x4000  }
0x142: {  	[sflag:s18] =	ssyncset.done $0x0  }
0x143: {  	[sflag:s18] =	ssyncadd.s32 $0xFFFFC000  }
0x144: {  	_ =	swait.ge [sflag:s29], $0x80  }
0x145: {  	[sflag:s29] =	ssyncset.done $0x0  }
0x146: {  	[sflag:s29] =	ssyncadd.s32 $0xFFFFFF80  }
0x147: {  	[bflag:$0x0] =	sbarrier.arrive $0xFFFF  }
0x148: {  	[hbm:s14], [sflag:s9] =	dma.local [spmem:s17], $0x2800  }
0x149: {  	s1 =	sadd.s32 $0x1, s1;
	_ =	swait.ge [sflag:s18], $0x2800  }
0x14a: {  	p0 =	sne.s32 s1, s16;
	s10 =	simm.s32 $0x20;
	[sflag:s18] =	ssyncset.done $0x0  }
.Ltmp2:
0x14b: {  	s11 =	simm.s32 $0x10;
	[sflag:s18] =	ssyncadd.s32 $0xFFFFD800;
	(pc) =	sbr.rel @p0 .LBB2_1-.Ltmp2, $4  }
0x14c: {  	[hbm:s15@s10], [sflag:s9] =	dma.strided [spmem:s19@s11], $0x50, s25, $0x10   }
0x14d: {  	_ =	swait.ge [sflag:s18], $0x50  }
0x14e: {  	[sflag:s18] =	ssyncset.done $0x0  }
0x14f: {  	[sflag:s18] =	ssyncadd.s32 $0xFFFFFFB0  }
0x150: {  	_ =	sfence.sel $0x180000  }
0x151: {  	[bflag:$0x0] =	sbarrier.arrive $0xFFFF  }
0x152: {  	_ =	strace $0x9000004A  }
0x153: {  	s0 =	stileid.u32;
	[bflag:$0x2] =	sbarrier.arrive $0xFFFF  }
0x154: {  	p0 =	sne.s32 s0, $0x0;
	s0 =	rddreg [dreg:$0x4]  }
0x155: {  	s0 =	sadd.s32 @!p0 $0x100000, s0  }
0x156: {  	[sflag:s0] =	ssyncadd.tile.s32 @!p0 $0x1;
	_ =	shalt  }
.Lfunc_end2:
_tile_overlayer_lowered:
.L_overlay_start_2:
0x157: {  	(tag) =	ssettag $0x2  }
0x158: {  	s0 =	rddreg [dreg:$0x0];
	s2 =	stileid.u32  }
0x159: {  	s1 =	rddreg [dreg:$0x1];
	p0 =	sne.s32 s2, $0x0  }
0x15a: {  	s3 =	rddreg [dreg:$0x2];
	[bflag:$0x3] =	sbarrier.arrive $0xFFFF;
	s2 =	simm.s32 @!p0 $0x1C04  }
0x15b: {  	[timem:s3], [sflag:s2] =	dma.local @!p0 [hbm:s0], s1  }
0x15c: {  	s0 =	simm.s32 @!p0 $0x4  }
0x15d: {  	_ =	swait.ge @!p0 [sflag:s0], s1  }
0x15e: {  	s1 =	ssub.s32 @!p0 $0x0, s1;
	[sflag:s0] =	ssyncset.done @!p0 $0x0  }
0x15f: {  	[sflag:s0] =	ssyncadd.s32 @!p0 s1  }
0x160: {  	[bflag:$0x3] =	sbarrier.arrive $0xFFFF  }
0x161: {  	_ =	shalt  }

// kernel: kernel.15.cloned.1.call-start
scs
__scs_entry_jumppad:
0x0: {  	(pc) =	sbr.rel $0x88, $3  }
0x1: {  	(tag) =	ssettag $0x0;
	lr =	simm.s32 $0x1  }
0x2: {  	[smem:$0x3F92] =	sst lr;
	_ =	strace $0xD0000000  }
0x3: {  	_ = 	snop  }
0x4: {  	_ = 	snop  }
0x5: {  	_ = 	snop  }
0x6: {  	_ = 	snop  }
0x7: {  	_ = 	snop  }
__scs_overlays_trampoline_lowered:
0x8: {  	[smem:$0x3FA1] =	sst s0  }
0x9: {  	[smem:$0x3FA2] =	sst s1  }
0xa: {  	[smem:$0x3FA3] =	sst s2  }
0xb: {  	[smem:$0x3FA4] =	sst s3  }
0xc: {  	[smem:$0x3FA5] =	sst s4  }
0xd: {  	[smem:$0x3FA6] =	sst s5  }
0xe: {  	[smem:$0x3FA7] =	sst s6  }
0xf: {  	[smem:$0x3FA8] =	sst s7  }
0x10: {  	[smem:$0x3FA9] =	sst s8  }
0x11: {  	[smem:$0x3FAA] =	sst s9;
	s0 =	simm.s32 @!p0 $0x0  }
0x12: {  	s1 =	sld [smem:$0x3F90];
	s0 =	simm.s32 @p0 $0x1  }
0x13: {  	[smem:$0x3FAB] =	sst s0;
	s0 =	simm.s32 @!p1 $0x0  }
0x14: {  	s2 =	sld [smem:$0x3F8F];
	s0 =	simm.s32 @p1 $0x1  }
0x15: {  	[smem:$0x3FAC] =	sst s0;
	s0 =	simm.s32 @!p2 $0x0  }
0x16: {  	s3 =	sld [smem:$0x3FDB];
	s0 =	simm.s32 @p2 $0x1  }
0x17: {  	s4 =	simm.s32 $0x1BF5;
	[smem:$0x3FAE] =	sst s0  }
0x18: {  	s0 =	sld [smem:$0x3F91];
	_ =	swait.ge [sflag:s4], $0x0  }
0x19: {  	s7 =	sld [smem:$0x3F92]  }
0x1a: {  	s8 =	sadd.s32 $0xFFFFE003, lr  }
0x1b: {  	s9 =	sadd.s32 $0xFFFFFEF7, lr;
	s5 =	simm.s32 $0xFFFFFFFF;
	p2 =	slt.u32 s8, $0xFFFFF086  }
0x1c: {  	p1 =	slt.u32 s9, $0xF7A;
	s5 =	simm.s32 @!p2 $0x0  }
0x1d: {  	s5 =	simm.s32 @p1 $0x1;
	p0 =	seq.s32 s7, s2  }
0x1e: {  	s7 =	smul.u32 @!p0 $0xF7A, s2;
	p2 =	seq.s32 @!p0 s5, $0x0  }
0x1f: {  	s9 =	smul.u32 $0xF7A, s1;
	s8 =	simm.s32 @!p0 $0x1BF5;
	p2 =	por !p2, p0  }
0x20: {  	[sflag:s8] =	ssyncset.s32 @!p0 $0xFFFFF086;
	s6 =	sadd.s32 @!p0 s3, s7;
	s7 =	simm.s32 @!p0 $0x108  }
0x21: {  	s3 =	sadd.s32 s3, s9;
	s6 =	sadd.s32 @!p0 $0x88, s6;
	s7 =	simm.s32 @p2 $0x1082  }
0x22: {  	[simem:s7], [sflag:s8] =	dma.local @!p0 [hbm:s6], $0xF7A  }
0x23: {  	s9 =	sor.u32 $0xD0000000, s2;
	s6 =	simm.s32 $0x108;
	_ =	swait.ge @!p0 [sflag:s8], $0x0  }
0x24: {  	s3 =	sadd.s32 $0x88, s3;
	s6 =	simm.s32 @!p1 $0x1082;
	[sflag:s4] =	ssyncset.s32 $0xFFFFF086  }
0x25: {  	[simem:s6], [sflag:s4] =	dma.local [hbm:s3], $0xF7A  }
0x26: {  	[smem:$0x3F92] =	sst s1;
	(tag) =	ssettag s2;
	_ =	strace s9  }
0x27: {  	s1 =	sld [smem:$0x3FA2]  }
0x28: {  	s2 =	sld [smem:$0x3FA3]  }
0x29: {  	s4 =	sld [smem:$0x3FA5]  }
0x2a: {  	p0 =	seq.s32 s5, $0x0;
	s5 =	sld [smem:$0x3FA6]  }
0x2b: {  	s6 =	sld [smem:$0x3FA7]  }
0x2c: {  	s7 =	sld [smem:$0x3FA8]  }
0x2d: {  	s3 =	simm.s32 $0x108;
	s8 =	sld [smem:$0x3FA9]  }
0x2e: {  	s3 =	simm.s32 @!p0 $0x1082;
	s9 =	sld [smem:$0x3FAA]  }
0x2f: {  	lr =	sadd.s32 s0, s3;
	s0 =	sld [smem:$0x3FA1]  }
0x30: {  	s3 =	sld [smem:$0x3FA4]  }
0x31: {  	[smem:$0x3FAD] =	sst s10  }
0x32: {  	s10 =	sld [smem:$0x3FAB];
	_ =	sdelay $0x3  }
0x33: {  	p0 =	seq.s32 s10, $0x1;
	s10 =	sld [smem:$0x3FAD];
	_ =	sdelay $0x3  }
0x34: {  	[smem:$0x3FAD] =	sst s10  }
0x35: {  	s10 =	sld [smem:$0x3FAC];
	_ =	sdelay $0x3  }
0x36: {  	p1 =	seq.s32 s10, $0x1;
	s10 =	sld [smem:$0x3FAD];
	_ =	sdelay $0x3  }
0x37: {  	[smem:$0x3FAD] =	sst s10  }
0x38: {  	s10 =	sld [smem:$0x3FAE]  }
0x39: {  	_ = 	snop;
	(pc) =	sbr.ind lr, $3  }
0x3a: {  	_ = 	snop  }
0x3b: {  	_ = 	snop  }
0x3c: {  	p2 =	seq.s32 s10, $0x1;
	s10 =	sld [smem:$0x3FAD]  }
0x3d: {  	_ =	shalt  }
0x3e: {  	_ =	shalt  }
0x3f: {  	_ =	shalt  }
0x40: {  	_ =	shalt  }
0x41: {  	_ =	shalt  }
0x42: {  	_ =	shalt  }
0x43: {  	_ =	shalt  }
0x44: {  	_ =	shalt  }
0x45: {  	_ =	shalt  }
0x46: {  	_ =	shalt  }
0x47: {  	_ =	shalt  }
0x48: {  	_ =	shalt  }
0x49: {  	_ =	shalt  }
0x4a: {  	_ =	shalt  }
0x4b: {  	_ =	shalt  }
0x4c: {  	_ =	shalt  }
0x4d: {  	_ =	shalt  }
0x4e: {  	_ =	shalt  }
0x4f: {  	_ =	shalt  }
0x50: {  	_ =	shalt  }
0x51: {  	_ =	shalt  }
0x52: {  	_ =	shalt  }
0x53: {  	_ =	shalt  }
0x54: {  	_ =	shalt  }
0x55: {  	_ =	shalt  }
0x56: {  	_ =	shalt  }
0x57: {  	_ =	shalt  }
0x58: {  	_ =	shalt  }
0x59: {  	_ =	shalt  }
0x5a: {  	_ =	shalt  }
0x5b: {  	_ =	shalt  }
0x5c: {  	_ =	shalt  }
0x5d: {  	_ =	shalt  }
0x5e: {  	_ =	shalt  }
0x5f: {  	_ =	shalt  }
0x60: {  	_ =	shalt  }
0x61: {  	_ =	shalt  }
0x62: {  	_ =	shalt  }
0x63: {  	_ =	shalt  }
0x64: {  	_ =	shalt  }
0x65: {  	_ =	shalt  }
0x66: {  	_ =	shalt  }
0x67: {  	_ =	shalt  }
0x68: {  	_ =	shalt  }
0x69: {  	_ =	shalt  }
0x6a: {  	_ =	shalt  }
0x6b: {  	_ =	shalt  }
0x6c: {  	_ =	shalt  }
0x6d: {  	_ =	shalt  }
0x6e: {  	_ =	shalt  }
0x6f: {  	_ =	shalt  }
0x70: {  	_ =	shalt  }
0x71: {  	_ =	shalt  }
0x72: {  	_ =	shalt  }
0x73: {  	_ =	shalt  }
0x74: {  	_ =	shalt  }
0x75: {  	_ =	shalt  }
0x76: {  	_ =	shalt  }
0x77: {  	_ =	shalt  }
0x78: {  	_ =	shalt  }
0x79: {  	_ =	shalt  }
0x7a: {  	_ =	shalt  }
0x7b: {  	_ =	shalt  }
0x7c: {  	_ =	shalt  }
0x7d: {  	_ =	shalt  }
0x7e: {  	_ =	shalt  }
0x7f: {  	_ =	shalt  }
0x80: {  	_ =	shalt  }
0x81: {  	_ =	shalt  }
0x82: {  	_ =	shalt  }
0x83: {  	_ =	shalt  }
0x84: {  	_ =	shalt  }
0x85: {  	_ =	shalt  }
0x86: {  	_ =	shalt  }
0x87: {  	_ =	shalt  }
.Lfunc_end0:
.L_simem_size_0:
called_computation.2_lowered:
.L_overlay_start_0:
0x88: {  	s2 =	sld [smem:$0x3FD9]  }
0x89: {  	s3 =	sld [smem:$0x3FFE];
	_ =	sdelay $0x1  }
0x8a: {  	s1 =	srdreg.scid  }
0x8b: {  	s0 =	sand.u32 $0x1, s1  }
0x8c: {  	s16 =	sshll.u32 s0, $0xA;
	s2 =	sadd.s32 s3, s2  }
0x8d: {  	s2 =	sadd.s32 s2, s16  }
0x8e: {  	[smem:$0x3FB9] =	sst s2  }
0x8f: {  	_ = 	snop  }
0x90: {  	(tm) =	ssettm $0x1  }
0x91: {  	s17 =	sld [smem:$0x3FFB];
	_ =	sdelay $0x3  }
0x92: {  	_ =	strace s17  }
0x93: {  	s2 =	sld [smem:$0x3FFC];
	_ =	sdelay $0x3  }
0x94: {  	_ =	strace s2  }
0x95: {  	s2 =	sld [smem:$0x3FFD];
	_ =	sdelay $0x3  }
0x96: {  	_ =	strace s2  }
0x97: {  	_ =	strace $0x8FFFFFFF  }
0x98: {  	s18 =	sld [smem:$0x3FDB];
	_ =	sdelay $0x1  }
0x99: {  	s19 =	simm.s32 $_scs_section_size  }
0x9a: {  	s4 =	simm.s32 $_size__tile_overlayer_lowered;
	s5 =	simm.s32 $_tile_overlayer_lowered  }
0x9b: {  	s22 =	simm.s32 $0x1BFF;
	s21 =	sshll.u32 s5, $0x1;
	s2 =	sadd.s32 s19, s18  }
0x9c: {  	s6 =	simm.s32 $0x0;
	s20 =	sshll.u32 s4, $0x1;
	s4 =	sadd.s32 s21, s2  }
0x9d: {  	[timem:s6], [sflag:s22] =	dma.local [hbm:s4], s20  }
0x9e: {  	_ =	swait.ge [sflag:s22], s20  }
0x9f: {  	s3 =	ssub.s32 $0x0, s20;
	[sflag:s22] =	ssyncset.done $0x0  }
0xa0: {  	[sflag:s22] =	ssyncadd.s32 s3;
	_ =	sdelay $0x1  }
0xa1: {  	s23 =	simm.s32 $0x1B8B  }
0xa2: {  	_ =	swait.ge [sflag:s23], $0x1  }
0xa3: {  	[sflag:s23] =	ssyncset.done $0x0  }
0xa4: {  	s25 =	simm.s32 $0x1B8E;
	s24 =	sld [smem:$0x3FFE];
	[sflag:s23] =	ssyncadd.s32 $0xFFFFFFFF  }
0xa5: {  	s26 =	simm.s32 $execute0_lowered;
	[smem:$0x3FD2] =	sst s25  }
0xa6: {  	s4 =	sshll.u32 s26, $0x1;
	_ =	strace $0x8000004C;
	[dreg:$0x1] =	wrdreg $0xFFFFFFFF  }
0xa7: {  	s28 =	simm.s32 $_size_execute0_lowered;
	s2 =	sadd.s32 s2, s4;
	[dreg:$0x0] =	wrdreg $0x0  }
0xa8: {  	s4 =	sshll.u32 s28, $0x1;
	[dreg:$0x2] =	wrdreg s2  }
0xa9: {  	[dreg:$0x3] =	wrdreg s4  }
0xaa: {  	[dreg:$0x4] =	wrdreg $0xC0  }
0xab: {  	_ =	task [dreg:s6], $0x5FFFF  }
0xac: {  	[dreg:$0x1] =	wrdreg $0xFFFFFFFF  }
0xad: {  	[dreg:$0x0] =	wrdreg $0x60  }
0xae: {  	[dreg:$0x2] =	wrdreg s24  }
0xaf: {  	[dreg:$0x3] =	wrdreg $0x9  }
0xb0: {  	_ =	task.clear_ibuf [dreg:s6], $0x4FFFF;
	_ =	strace $0x9000004C  }
0xb1: {  	s29 =	simm.s32 $0x9;
	_ =	strace $0x8000004E  }
0xb2: {  	_ =	swait.ge [sflag:s29], $0x1  }
0xb3: {  	[sflag:s29] =	ssyncadd.s32 $0xFFFFFFFF  }
0xb4: {  	_ =	strace $0x9000004E  }
0xb5: {  	_ =	sfence  }
0xb6: {  	s30 =	sld [smem:$0x0];
	_ =	sdelay $0x2  }
0xb7: {  	s31 =	sshll.u32 s1, $0xD;
	s1 =	sshrl.u32 s1, $0x2  }
0xb8: {  	s3 =	sand.u32 $0x4000, s31;
	s1 =	sadd.s32 s1, s30  }
0xb9: {  	s0 =	sor.u32 s3, s0;
	s1 =	sshll.u32 s1, $0x11  }
0xba: {  	s0 =	sor.u32 s1, s0  }
0xbb: {  	s0 =	sadd.s32 $0x8F2B, s0  }
0xbc: {  	[sflag:s0] =	ssyncadd.remote.s32 $0x1  }
0xbd: {  	_ =	sfence.sel $0xFFFF  }
0xbe: {  	[dreg:$0x0] =	wrdreg $0xFFFFFFFF;
	(pc) =	sbr.abs _section_cstart, $3  }
0xbf: {  	[dreg:$0x1] =	wrdreg $0xFFFFFFFF  }
0xc0: {  	_ =	task.clear_ibuf [dreg:s6], $0x2FFFF;
	_ =	strace $0x9FFFFFFF  }
0xc1: {  	(tm) =	ssettm $0x7FFFFFFF  }
tec
execute0_lowered:
.L_overlay_start_1:
0x0: {  	(tag) =	ssettag $0x1  }
0x1: {  	s1 =	srdreg.scid  }
0x2: {  	s0 =	stileid.u32;
	s13 =	sand.u32 $0x1, s1  }
0x3: {  	s2 =	sshll.u32 s0, $0x9;
	s1 =	sshll.u32 s13, $0xD  }
0x4: {  	s9 =	rddreg [dreg:$0x0];
	s10 =	sor.u32 s2, s1  }
0x5: {  	s1 =	rddreg [dreg:$0x1];
	s2 =	simm.s32 $0x0;
	s3 =	sshrl.u32 s10, $0x3  }
0x6: {  	[smem:$0x7FF] =	sst s2;
	s3 =	sadd.s32 s3, s9  }
0x7: {  	_ =	strace $0x8000004D;
	s4 =	sadd.s32 $0xE1A00, s3;
	s3 =	simm.s32 $0x2  }
0x8: {  	[tilespmem:s2], [sflag:$0x2] =	stream.linear.gather [hbm4b:s4+s2], $0x200, $0x38;
	[tilespmem:$0x4200] =	vst v63  }
0x9: {  	_ =	swait.ge [sflag:s3], $0x200  }
0xa: {  	s6 =	simm.s32 $0x80;
	s7 =	simm.s32 $0x200;
	[sflag:s3] =	ssyncset.done $0x0  }
0xb: {  	s8 =	simm.s32 $0x1;
	s5 =	sadd.s32 $0x3400, s9;
	[sflag:s3] =	ssyncadd.s32 $0xFFFFFE00  }
0xc: {  	[tilespmem:s7], [sflag:$0x1] =	stream.indirect.gather [hbm4b:s5+s6], $0x80, s2, s6, $0xb8;
	[tilespmem:$0x4200] =	vst v63  }
0xd: {  	s10 =	sshll.u32 s10, $0x4;
	_ =	swait.ge [sflag:s8], $0x4000  }
0xe: {  	s14 =	sadd.s32 s10, s9;
	[sflag:s8] =	ssyncset.done $0x0  }
0xf: {  	s9 =	sadd.s32 $0x2A600, s14;
	[sflag:s8] =	ssyncadd.s32 $0xFFFFC000  }
0x10: {  	[hbm4b:s9+s2] =	stream.linear.scatter [tilespmem:s7], [sflag:$0x2], $0x4000, $0x38;
	[tilespmem:$0x4200] =	vst v63  }
0x11: {  	_ =	swait.ge [sflag:s3], $0x4000  }
0x12: {  	[sflag:s3] =	ssyncset.done $0x0  }
0x13: {  	[sflag:s3] =	ssyncadd.s32 $0xFFFFC000  }
0x14: {  	[tilespmem:s7], [sflag:$0x1] =	stream.indirect.gather [hbm4b:s5+s6], $0x80, s6, s6, $0xb8;
	[tilespmem:$0x4200] =	vst v63  }
0x15: {  	_ =	swait.ge [sflag:s8], $0x4000  }
0x16: {  	[sflag:s8] =	ssyncset.done $0x0  }
0x17: {  	s10 =	sadd.s32 $0x2AE00, s14;
	[sflag:s8] =	ssyncadd.s32 $0xFFFFC000  }
0x18: {  	[hbm4b:s10+s2] =	stream.linear.scatter [tilespmem:s7], [sflag:$0x2], $0x4000, $0x38;
	[tilespmem:$0x4200] =	vst v63  }
0x19: {  	_ =	swait.ge [sflag:s3], $0x4000  }
0x1a: {  	[sflag:s3] =	ssyncset.done $0x0  }
0x1b: {  	s11 =	simm.s32 $0x100;
	[sflag:s3] =	ssyncadd.s32 $0xFFFFC000  }
0x1c: {  	[tilespmem:s7], [sflag:$0x1] =	stream.indirect.gather [hbm4b:s5+s6], $0x80, s11, s6, $0xb8;
	[tilespmem:$0x4200] =	vst v63  }
0x1d: {  	_ =	swait.ge [sflag:s8], $0x4000  }
0x1e: {  	[sflag:s8] =	ssyncset.done $0x0  }
0x1f: {  	s15 =	ssub.s32 $0x2, s13;
	s12 =	sadd.s32 $0x2B600, s14;
	[sflag:s8] =	ssyncadd.s32 $0xFFFFC000  }
0x20: {  	[hbm4b:s12+s2] =	stream.linear.scatter [tilespmem:s7], [sflag:$0x2], $0x4000, $0x38;
	[tilespmem:$0x4200] =	vst v63  }
0x21: {  	s16 =	sshrl.u32 s15, $0x1;
	_ =	swait.ge [sflag:s3], $0x4000  }
0x22: {  	s15 =	ssub.s32 s15, s16;
	[sflag:s3] =	ssyncset.done $0x0  }
0x23: {  	s13 =	simm.s32 $0x180;
	s15 =	smax.u32 s15, $0x1;
	[sflag:s3] =	ssyncadd.s32 $0xFFFFC000  }
0x24: {  	[tilespmem:s7], [sflag:$0x1] =	stream.indirect.gather [hbm4b:s5+s6], $0x80, s13, s6, $0xb8;
	[tilespmem:$0x4200] =	vst v63  }
0x25: {  	p0 =	sne.s32 s15, $0x1;
	_ =	swait.ge [sflag:s8], $0x4000  }
.Ltmp0:
0x26: {  	[sflag:s8] =	ssyncset.done $0x0;
	(pc) =	sbr.rel @!p0 .LBB2_2-.Ltmp0, $4  }
0x27: {  	s14 =	sadd.s32 $0x2BE00, s14;
	[sflag:s8] =	ssyncadd.s32 $0xFFFFC000  }
0x28: {  	[hbm4b:s14+s2] =	stream.linear.scatter [tilespmem:s7], [sflag:$0x2], $0x4000, $0x38;
	[tilespmem:$0x4200] =	vst v63  }
0x29: {  	_ =	swait.ge [sflag:s3], $0x4000  }
0x2a: {  	s15 =	sadd.s32 $0xFFFFFFFF, s15;
	[sflag:s3] =	ssyncset.done $0x0  }
.LBB2_1:
0x2b: {  	p0 =	sne.s32 s15, $0x1;
	s15 =	sadd.s32 $0xFFFFFFFF, s15;
	[sflag:s3] =	ssyncadd.s32 $0xFFFFC000  }
0x2c: {  	[tilespmem:s2], [sflag:$0x2] =	stream.linear.gather [hbm4b:s4+s2], $0x200, $0x38;
	[tilespmem:$0x4200] =	vst v63  }
0x2d: {  	_ =	swait.ge [sflag:s3], $0x200  }
0x2e: {  	[sflag:s3] =	ssyncset.done $0x0  }
0x2f: {  	[sflag:s3] =	ssyncadd.s32 $0xFFFFFE00  }
0x30: {  	[tilespmem:s7], [sflag:$0x1] =	stream.indirect.gather [hbm4b:s5+s6], $0x80, s2, s6, $0xb8;
	[tilespmem:$0x4200] =	vst v63  }
0x31: {  	_ =	swait.ge [sflag:s8], $0x4000  }
0x32: {  	[sflag:s8] =	ssyncset.done $0x0  }
0x33: {  	[sflag:s8] =	ssyncadd.s32 $0xFFFFC000  }
0x34: {  	[hbm4b:s9+s2] =	stream.linear.scatter [tilespmem:s7], [sflag:$0x2], $0x4000, $0x38;
	[tilespmem:$0x4200] =	vst v63  }
0x35: {  	_ =	swait.ge [sflag:s3], $0x4000  }
0x36: {  	[sflag:s3] =	ssyncset.done $0x0  }
0x37: {  	[sflag:s3] =	ssyncadd.s32 $0xFFFFC000  }
0x38: {  	[tilespmem:s7], [sflag:$0x1] =	stream.indirect.gather [hbm4b:s5+s6], $0x80, s6, s6, $0xb8;
	[tilespmem:$0x4200] =	vst v63  }
0x39: {  	_ =	swait.ge [sflag:s8], $0x4000  }
0x3a: {  	[sflag:s8] =	ssyncset.done $0x0  }
0x3b: {  	[sflag:s8] =	ssyncadd.s32 $0xFFFFC000  }
0x3c: {  	[hbm4b:s10+s2] =	stream.linear.scatter [tilespmem:s7], [sflag:$0x2], $0x4000, $0x38;
	[tilespmem:$0x4200] =	vst v63  }
0x3d: {  	_ =	swait.ge [sflag:s3], $0x4000  }
0x3e: {  	[sflag:s3] =	ssyncset.done $0x0  }
0x3f: {  	[sflag:s3] =	ssyncadd.s32 $0xFFFFC000  }
0x40: {  	[tilespmem:s7], [sflag:$0x1] =	stream.indirect.gather [hbm4b:s5+s6], $0x80, s11, s6, $0xb8;
	[tilespmem:$0x4200] =	vst v63  }
0x41: {  	_ =	swait.ge [sflag:s8], $0x4000  }
0x42: {  	[sflag:s8] =	ssyncset.done $0x0  }
0x43: {  	[sflag:s8] =	ssyncadd.s32 $0xFFFFC000  }
0x44: {  	[hbm4b:s12+s2] =	stream.linear.scatter [tilespmem:s7], [sflag:$0x2], $0x4000, $0x38;
	[tilespmem:$0x4200] =	vst v63  }
0x45: {  	_ =	swait.ge [sflag:s3], $0x4000  }
0x46: {  	[sflag:s3] =	ssyncset.done $0x0  }
0x47: {  	[sflag:s3] =	ssyncadd.s32 $0xFFFFC000  }
0x48: {  	[tilespmem:s7], [sflag:$0x1] =	stream.indirect.gather [hbm4b:s5+s6], $0x80, s13, s6, $0xb8;
	[tilespmem:$0x4200] =	vst v63  }
0x49: {  	_ =	swait.ge [sflag:s8], $0x4000  }
.Ltmp1:
0x4a: {  	[sflag:s8] =	ssyncset.done $0x0;
	(pc) =	sbr.rel @p0 .LBB2_1-.Ltmp1, $4  }
0x4b: {  	[sflag:s8] =	ssyncadd.s32 $0xFFFFC000  }
0x4c: {  	[hbm4b:s14+s2] =	stream.linear.scatter [tilespmem:s7], [sflag:$0x2], $0x4000, $0x38;
	[tilespmem:$0x4200] =	vst v63  }
0x4d: {  	_ =	swait.ge [sflag:s3], $0x4000  }
0x4e: {  	[sflag:s3] =	ssyncset.done $0x0  }
.LBB2_2:
0x4f: {  	[sflag:s3] =	ssyncadd.s32 $0xFFFFC000  }
0x50: {  	_ =	sfence.sel $0x180000  }
0x51: {  	[bflag:$0x0] =	sbarrier.arrive $0xFFFF  }
0x52: {  	p0 =	sne.s32 s0, $0x0;
	_ =	strace $0x9000004D  }
0x53: {  	s0 =	sadd.s32 @!p0 $0x100000, s1;
	[bflag:$0x2] =	sbarrier.arrive $0xFFFF  }
0x54: {  	[sflag:s0] =	ssyncadd.tile.s32 @!p0 $0x1;
	_ =	shalt  }
.Lfunc_end2:
_tile_overlayer_lowered:
.L_overlay_start_2:
0x55: {  	(tag) =	ssettag $0x2  }
0x56: {  	s0 =	rddreg [dreg:$0x0];
	s2 =	stileid.u32  }
0x57: {  	s1 =	rddreg [dreg:$0x1];
	p0 =	sne.s32 s2, $0x0  }
0x58: {  	s3 =	rddreg [dreg:$0x2];
	[bflag:$0x3] =	sbarrier.arrive $0xFFFF;
	s2 =	simm.s32 @!p0 $0x1C02  }
0x59: {  	[timem:s3], [sflag:s2] =	dma.local @!p0 [hbm:s0], s1  }
0x5a: {  	s0 =	simm.s32 @!p0 $0x2  }
0x5b: {  	_ =	swait.ge @!p0 [sflag:s0], s1  }
0x5c: {  	s1 =	ssub.s32 @!p0 $0x0, s1;
	[sflag:s0] =	ssyncset.done @!p0 $0x0  }
0x5d: {  	[sflag:s0] =	ssyncadd.s32 @!p0 s1  }
0x5e: {  	[bflag:$0x3] =	sbarrier.arrive $0xFFFF  }
0x5f: {  	_ =	shalt  }

// kernel: kernel.9.cloned.1.call-start
scs
__scs_entry_jumppad:
0x0: {  	(pc) =	sbr.rel $0x88, $3  }
0x1: {  	(tag) =	ssettag $0x0;
	lr =	simm.s32 $0x1  }
0x2: {  	[smem:$0x3F92] =	sst lr;
	_ =	strace $0xD0000000  }
0x3: {  	_ = 	snop  }
0x4: {  	_ = 	snop  }
0x5: {  	_ = 	snop  }
0x6: {  	_ = 	snop  }
0x7: {  	_ = 	snop  }
__scs_overlays_trampoline_lowered:
0x8: {  	[smem:$0x3FA1] =	sst s0  }
0x9: {  	[smem:$0x3FA2] =	sst s1  }
0xa: {  	[smem:$0x3FA3] =	sst s2  }
0xb: {  	[smem:$0x3FA4] =	sst s3  }
0xc: {  	[smem:$0x3FA5] =	sst s4  }
0xd: {  	[smem:$0x3FA6] =	sst s5  }
0xe: {  	[smem:$0x3FA7] =	sst s6  }
0xf: {  	[smem:$0x3FA8] =	sst s7  }
0x10: {  	[smem:$0x3FA9] =	sst s8  }
0x11: {  	[smem:$0x3FAA] =	sst s9;
	s0 =	simm.s32 @!p0 $0x0  }
0x12: {  	s1 =	sld [smem:$0x3F90];
	s0 =	simm.s32 @p0 $0x1  }
0x13: {  	[smem:$0x3FAB] =	sst s0;
	s0 =	simm.s32 @!p1 $0x0  }
0x14: {  	s2 =	sld [smem:$0x3F8F];
	s0 =	simm.s32 @p1 $0x1  }
0x15: {  	[smem:$0x3FAC] =	sst s0;
	s0 =	simm.s32 @!p2 $0x0  }
0x16: {  	s3 =	sld [smem:$0x3FDB];
	s0 =	simm.s32 @p2 $0x1  }
0x17: {  	s4 =	simm.s32 $0x1BF5;
	[smem:$0x3FAE] =	sst s0  }
0x18: {  	s0 =	sld [smem:$0x3F91];
	_ =	swait.ge [sflag:s4], $0x0  }
0x19: {  	s7 =	sld [smem:$0x3F92]  }
0x1a: {  	s8 =	sadd.s32 $0xFFFFE003, lr  }
0x1b: {  	s9 =	sadd.s32 $0xFFFFFEF7, lr;
	s5 =	simm.s32 $0xFFFFFFFF;
	p2 =	slt.u32 s8, $0xFFFFF086  }
0x1c: {  	p1 =	slt.u32 s9, $0xF7A;
	s5 =	simm.s32 @!p2 $0x0  }
0x1d: {  	s5 =	simm.s32 @p1 $0x1;
	p0 =	seq.s32 s7, s2  }
0x1e: {  	s7 =	smul.u32 @!p0 $0xF7A, s2;
	p2 =	seq.s32 @!p0 s5, $0x0  }
0x1f: {  	s9 =	smul.u32 $0xF7A, s1;
	s8 =	simm.s32 @!p0 $0x1BF5;
	p2 =	por !p2, p0  }
0x20: {  	[sflag:s8] =	ssyncset.s32 @!p0 $0xFFFFF086;
	s6 =	sadd.s32 @!p0 s3, s7;
	s7 =	simm.s32 @!p0 $0x108  }
0x21: {  	s3 =	sadd.s32 s3, s9;
	s6 =	sadd.s32 @!p0 $0x88, s6;
	s7 =	simm.s32 @p2 $0x1082  }
0x22: {  	[simem:s7], [sflag:s8] =	dma.local @!p0 [hbm:s6], $0xF7A  }
0x23: {  	s9 =	sor.u32 $0xD0000000, s2;
	s6 =	simm.s32 $0x108;
	_ =	swait.ge @!p0 [sflag:s8], $0x0  }
0x24: {  	s3 =	sadd.s32 $0x88, s3;
	s6 =	simm.s32 @!p1 $0x1082;
	[sflag:s4] =	ssyncset.s32 $0xFFFFF086  }
0x25: {  	[simem:s6], [sflag:s4] =	dma.local [hbm:s3], $0xF7A  }
0x26: {  	[smem:$0x3F92] =	sst s1;
	(tag) =	ssettag s2;
	_ =	strace s9  }
0x27: {  	s1 =	sld [smem:$0x3FA2]  }
0x28: {  	s2 =	sld [smem:$0x3FA3]  }
0x29: {  	s4 =	sld [smem:$0x3FA5]  }
0x2a: {  	p0 =	seq.s32 s5, $0x0;
	s5 =	sld [smem:$0x3FA6]  }
0x2b: {  	s6 =	sld [smem:$0x3FA7]  }
0x2c: {  	s7 =	sld [smem:$0x3FA8]  }
0x2d: {  	s3 =	simm.s32 $0x108;
	s8 =	sld [smem:$0x3FA9]  }
0x2e: {  	s3 =	simm.s32 @!p0 $0x1082;
	s9 =	sld [smem:$0x3FAA]  }
0x2f: {  	lr =	sadd.s32 s0, s3;
	s0 =	sld [smem:$0x3FA1]  }
0x30: {  	s3 =	sld [smem:$0x3FA4]  }
0x31: {  	[smem:$0x3FAD] =	sst s10  }
0x32: {  	s10 =	sld [smem:$0x3FAB];
	_ =	sdelay $0x3  }
0x33: {  	p0 =	seq.s32 s10, $0x1;
	s10 =	sld [smem:$0x3FAD];
	_ =	sdelay $0x3  }
0x34: {  	[smem:$0x3FAD] =	sst s10  }
0x35: {  	s10 =	sld [smem:$0x3FAC];
	_ =	sdelay $0x3  }
0x36: {  	p1 =	seq.s32 s10, $0x1;
	s10 =	sld [smem:$0x3FAD];
	_ =	sdelay $0x3  }
0x37: {  	[smem:$0x3FAD] =	sst s10  }
0x38: {  	s10 =	sld [smem:$0x3FAE]  }
0x39: {  	_ = 	snop;
	(pc) =	sbr.ind lr, $3  }
0x3a: {  	_ = 	snop  }
0x3b: {  	_ = 	snop  }
0x3c: {  	p2 =	seq.s32 s10, $0x1;
	s10 =	sld [smem:$0x3FAD]  }
0x3d: {  	_ =	shalt  }
0x3e: {  	_ =	shalt  }
0x3f: {  	_ =	shalt  }
0x40: {  	_ =	shalt  }
0x41: {  	_ =	shalt  }
0x42: {  	_ =	shalt  }
0x43: {  	_ =	shalt  }
0x44: {  	_ =	shalt  }
0x45: {  	_ =	shalt  }
0x46: {  	_ =	shalt  }
0x47: {  	_ =	shalt  }
0x48: {  	_ =	shalt  }
0x49: {  	_ =	shalt  }
0x4a: {  	_ =	shalt  }
0x4b: {  	_ =	shalt  }
0x4c: {  	_ =	shalt  }
0x4d: {  	_ =	shalt  }
0x4e: {  	_ =	shalt  }
0x4f: {  	_ =	shalt  }
0x50: {  	_ =	shalt  }
0x51: {  	_ =	shalt  }
0x52: {  	_ =	shalt  }
0x53: {  	_ =	shalt  }
0x54: {  	_ =	shalt  }
0x55: {  	_ =	shalt  }
0x56: {  	_ =	shalt  }
0x57: {  	_ =	shalt  }
0x58: {  	_ =	shalt  }
0x59: {  	_ =	shalt  }
0x5a: {  	_ =	shalt  }
0x5b: {  	_ =	shalt  }
0x5c: {  	_ =	shalt  }
0x5d: {  	_ =	shalt  }
0x5e: {  	_ =	shalt  }
0x5f: {  	_ =	shalt  }
0x60: {  	_ =	shalt  }
0x61: {  	_ =	shalt  }
0x62: {  	_ =	shalt  }
0x63: {  	_ =	shalt  }
0x64: {  	_ =	shalt  }
0x65: {  	_ =	shalt  }
0x66: {  	_ =	shalt  }
0x67: {  	_ =	shalt  }
0x68: {  	_ =	shalt  }
0x69: {  	_ =	shalt  }
0x6a: {  	_ =	shalt  }
0x6b: {  	_ =	shalt  }
0x6c: {  	_ =	shalt  }
0x6d: {  	_ =	shalt  }
0x6e: {  	_ =	shalt  }
0x6f: {  	_ =	shalt  }
0x70: {  	_ =	shalt  }
0x71: {  	_ =	shalt  }
0x72: {  	_ =	shalt  }
0x73: {  	_ =	shalt  }
0x74: {  	_ =	shalt  }
0x75: {  	_ =	shalt  }
0x76: {  	_ =	shalt  }
0x77: {  	_ =	shalt  }
0x78: {  	_ =	shalt  }
0x79: {  	_ =	shalt  }
0x7a: {  	_ =	shalt  }
0x7b: {  	_ =	shalt  }
0x7c: {  	_ =	shalt  }
0x7d: {  	_ =	shalt  }
0x7e: {  	_ =	shalt  }
0x7f: {  	_ =	shalt  }
0x80: {  	_ =	shalt  }
0x81: {  	_ =	shalt  }
0x82: {  	_ =	shalt  }
0x83: {  	_ =	shalt  }
0x84: {  	_ =	shalt  }
0x85: {  	_ =	shalt  }
0x86: {  	_ =	shalt  }
0x87: {  	_ =	shalt  }
.Lfunc_end0:
.L_simem_size_0:
called_computation_lowered:
.L_overlay_start_0:
0x88: {  	s2 =	sld [smem:$0x3FD9]  }
0x89: {  	s3 =	sld [smem:$0x3FFE];
	_ =	sdelay $0x1  }
0x8a: {  	s1 =	srdreg.scid  }
0x8b: {  	s0 =	sand.u32 $0x1, s1  }
0x8c: {  	s17 =	sshll.u32 s0, $0xA;
	s2 =	sadd.s32 s3, s2  }
0x8d: {  	s2 =	sadd.s32 s2, s17  }
0x8e: {  	[smem:$0x3FB9] =	sst s2  }
0x8f: {  	_ = 	snop  }
0x90: {  	s2 =	sld [smem:$0x3FD0];
	(tm) =	ssettm $0x1  }
0x91: {  	s18 =	sld [smem:$0x3FFB];
	_ =	sdelay $0x3  }
0x92: {  	_ =	strace s18  }
0x93: {  	s3 =	sld [smem:$0x3FFC];
	_ =	sdelay $0x3  }
0x94: {  	_ =	strace s3  }
0x95: {  	s3 =	sld [smem:$0x3FFD];
	_ =	sdelay $0x3  }
0x96: {  	_ =	strace s3  }
0x97: {  	_ =	strace $0x8FFFFFFF  }
0x98: {  	s19 =	sld [smem:$0x3FDB];
	_ =	sdelay $0x1  }
0x99: {  	s4 =	simm.s32 $_scs_section_size  }
0x9a: {  	s5 =	simm.s32 $_size__tile_overlayer_lowered;
	s6 =	simm.s32 $_tile_overlayer_lowered  }
0x9b: {  	s22 =	simm.s32 $0x1BFF;
	s21 =	sshll.u32 s6, $0x1;
	s3 =	sadd.s32 s4, s19  }
0x9c: {  	s7 =	simm.s32 $0x0;
	s20 =	sshll.u32 s5, $0x1;
	s5 =	sadd.s32 s21, s3  }
0x9d: {  	[timem:s7], [sflag:s22] =	dma.local [hbm:s5], s20  }
0x9e: {  	_ =	swait.ge [sflag:s22], s20  }
0x9f: {  	s4 =	ssub.s32 $0x0, s20;
	[sflag:s22] =	ssyncset.done $0x0  }
0xa0: {  	[sflag:s22] =	ssyncadd.s32 s4;
	_ =	sdelay $0x1  }
0xa1: {  	s23 =	simm.s32 $0x1B8B  }
0xa2: {  	_ =	swait.ge [sflag:s23], $0x1  }
0xa3: {  	[sflag:s23] =	ssyncset.done $0x0  }
0xa4: {  	s25 =	simm.s32 $0x1B8E;
	s24 =	sld [smem:$0x3FFE];
	[sflag:s23] =	ssyncadd.s32 $0xFFFFFFFF  }
0xa5: {  	s26 =	simm.s32 $execute0_lowered;
	[smem:$0x3FD2] =	sst s25  }
0xa6: {  	s5 =	sshll.u32 s26, $0x1;
	_ =	strace $0x80000046;
	[dreg:$0x1] =	wrdreg $0xFFFFFFFF  }
0xa7: {  	s28 =	simm.s32 $_size_execute0_lowered;
	s3 =	sadd.s32 s3, s5;
	[dreg:$0x0] =	wrdreg $0x0  }
0xa8: {  	s5 =	sshll.u32 s28, $0x1;
	[dreg:$0x2] =	wrdreg s3  }
0xa9: {  	[dreg:$0x3] =	wrdreg s5  }
0xaa: {  	[dreg:$0x4] =	wrdreg $0xC0  }
0xab: {  	_ =	task [dreg:s7], $0x5FFFF  }
0xac: {  	[dreg:$0x1] =	wrdreg $0xFFFFFFFF  }
0xad: {  	[dreg:$0x0] =	wrdreg $0x60  }
0xae: {  	[dreg:$0x2] =	wrdreg s24  }
0xaf: {  	[dreg:$0x3] =	wrdreg s2  }
0xb0: {  	[dreg:$0x4] =	wrdreg $0xA8800  }
0xb1: {  	[dreg:$0x5] =	wrdreg $0x1E8800  }
0xb2: {  	[dreg:$0x6] =	wrdreg $0x9  }
0xb3: {  	_ =	task.clear_ibuf [dreg:s7], $0x7FFFF;
	_ =	strace $0x90000046  }
0xb4: {  	s29 =	simm.s32 $0x9;
	_ =	strace $0x80000048  }
0xb5: {  	_ =	swait.ge [sflag:s29], $0x1  }
0xb6: {  	[sflag:s29] =	ssyncadd.s32 $0xFFFFFFFF  }
0xb7: {  	_ =	strace $0x90000048  }
0xb8: {  	_ =	sfence  }
0xb9: {  	s30 =	sld [smem:$0x0];
	_ =	sdelay $0x2  }
0xba: {  	s31 =	sshll.u32 s1, $0xD;
	s1 =	sshrl.u32 s1, $0x2  }
0xbb: {  	s3 =	sand.u32 $0x4000, s31;
	s1 =	sadd.s32 s1, s30  }
0xbc: {  	s0 =	sor.u32 s3, s0;
	s1 =	sshll.u32 s1, $0x11  }
0xbd: {  	s0 =	sor.u32 s1, s0  }
0xbe: {  	s0 =	sadd.s32 $0x8F2B, s0  }
0xbf: {  	[sflag:s0] =	ssyncadd.remote.s32 $0x1  }
0xc0: {  	_ =	sfence.sel $0xFFFF  }
0xc1: {  	[dreg:$0x0] =	wrdreg $0xFFFFFFFF;
	(pc) =	sbr.abs _section_cstart, $3  }
0xc2: {  	[dreg:$0x1] =	wrdreg $0xFFFFFFFF  }
0xc3: {  	_ =	task.clear_ibuf [dreg:s7], $0x2FFFF;
	_ =	strace $0x9FFFFFFF  }
0xc4: {  	(tm) =	ssettm $0x7FFFFFFF  }
0xc5: {  	_ =	shalt  }
tec
execute0_lowered:
.L_overlay_start_1:
0x0: {  	(tag) =	ssettag $0x1  }
0x1: {  	s0 =	rddreg [dreg:$0x0]  }
0x2: {  	s2 =	rddreg [dreg:$0x2]  }
0x3: {  	s3 =	rddreg [dreg:$0x3];
	s1 =	srdreg.scid;
	s5 =	simm.s32 $0x0  }
0x4: {  	s11 =	stileid.u32;
	s28 =	simm.s32 $0x2;
	s29 =	simm.s32 $0x3  }
0x5: {  	s30 =	simm.s32 $0x1480;
	s31 =	simm.s32 $0x1380;
	s7 =	smul.u32 $0x14000, s11  }
0x6: {  	s1 =	sand.u32 $0x1, s1;
	[smem:$0x7FF] =	sst s5;
	s8 =	smul.u32 $0x500, s11  }
0x7: {  	s6 =	sadd.s32 $0x17400, s0;
	s12 =	sadd.s32 $0x3400, s0;
	s22 =	smul.u32 $0x50000, s11  }
0x8: {  	s13 =	sadd.s32 $0xD400, s0;
	s19 =	sadd.s32 $0x3E600, s0;
	s10 =	smul.u32 $0xA00, s11  }
0x9: {  	s20 =	sadd.s32 $0x40E00, s0;
	s24 =	sshll.u32 s11, $0x6;
	s4 =	smul.u32 $0x140000, s1  }
0xa: {  	_ =	strace $0x80000047;
	s9 =	sshll.u32 s1, $0x7;
	[dreg:$0x5] =	wrdreg s19  }
0xb: {  	[dreg:$0x6] =	wrdreg s20;
	s21 =	ssub.s32 $0x2, s1;
	s1 =	sshll.u32 s1, $0x4  }
0xc: {  	s20 =	simm.s32 $0xA800;
	s18 =	sor.u32 s9, s8;
	s23 =	sshrl.u32 s21, $0x1  }
0xd: {  	s1 =	sor.u32 s11, s1;
	s8 =	sshrl.u32 s22, $0x2;
	s10 =	sshrl.u32 s10, $0x2  }
0xe: {  	s9 =	sor.u32 $0x1C04, s24;
	s22 =	simm.s32 $0x80;
	s24 =	simm.s32 $0x6800  }
0xf: {  	s4 =	sadd.s32 s7, s4;
	s7 =	sshrl.u32 s18, $0x3;
	s1 =	smul.u32 $0x2800, s1  }
0x10: {  	s8 =	sadd.s32 s8, s2;
	s19 =	sadd.s32 s10, s3;
	s18 =	simm.s32 $0x4  }
0x11: {  	s4 =	sshrl.u32 s4, $0x3;
	s17 =	sshrl.u32 s8, $0x3;
	s19 =	sshrl.u32 s19, $0x3  }
0x12: {  	s4 =	sadd.s32 s4, s0;
	s0 =	sadd.s32 s7, s0;
	s7 =	ssub.s32 s21, s23  }
0x13: {  	s1 =	sshrl.u32 s1, $0x3;
	s21 =	simm.s32 $0x1400;
	s23 =	simm.s32 $0x2800  }
0x14: {  	s25 =	sadd.s32 s12, s1;
	s26 =	sadd.s32 s13, s1;
	s1 =	sadd.s32 $0x280, s1  }
0x15: {  	s14 =	sadd.s32 $0x41A00, s4;
	s15 =	sadd.s32 $0x41000, s0;
	s16 =	smax.u32 s7, $0x1  }
0x16: {  	s0 =	simm.s32 $0x2700;
	s4 =	simm.s32 $0x2780;
	[dreg:$0x7] =	wrdreg s25  }
0x17: {  	[dreg:$0x8] =	wrdreg s26;
	s12 =	sadd.s32 s12, s1;
	s13 =	sadd.s32 s13, s1  }
0x18: {  	s25 =	simm.s32 $0x1;
	s26 =	simm.s32 $0x100;
	s1 =	simm.s32 $0x0  }
.LBB2_1:
0x19: {  	s7 =	rddreg [dreg:$0x5]  }
0x1a: {  	[spmem:s17], [sflag:s9] =	dma.local [hbm:s7], $0x2800  }
0x1b: {  	_ =	swait.ge [sflag:s18], $0x2800  }
0x1c: {  	[sflag:s18] =	ssyncset.done $0x0  }
0x1d: {  	[sflag:s18] =	ssyncadd.s32 $0xFFFFD800  }
0x1e: {  	s10 =	rddreg [dreg:$0x1]  }
0x1f: {  	[spmem:s19], [sflag:s9] =	dma.local [hbm:s10], $0x50  }
0x20: {  	_ =	swait.ge [sflag:s18], $0x50  }
0x21: {  	[sflag:s18] =	ssyncset.done $0x0  }
0x22: {  	s11 =	rddreg [dreg:$0x6];
	[sflag:s18] =	ssyncadd.s32 $0xFFFFFFB0  }
0x23: {  	[tilespmem:s20], [sflag:$0x4] =	stream.linear.gather [hbm4b:s11+s5], $0x80, $0x38;
	[tilespmem:$0x1EB00] =	vst v63  }
0x24: {  	_ =	swait.ge [sflag:s18], $0x80  }
0x25: {  	[sflag:s18] =	ssyncset.done $0x0  }
0x26: {  	[sflag:s18] =	ssyncadd.s32 $0xFFFFFF80  }
0x27: {  	[bflag:$0x0] =	sbarrier.arrive $0xFFFF  }
0x28: {  	s8 =	rddreg [dreg:$0x7]  }
0x29: {  	[tilespmem:s5], [sflag:$0x4] =	stream.linear.gather [hbm4b:s8+s5], $0x1400, $0x38;
	[tilespmem:$0x1EB00] =	vst v63  }
0x2a: {  	_ =	swait.ge [sflag:s18], $0x1400  }
0x2b: {  	[sflag:s18] =	ssyncset.done $0x0  }
0x2c: {  	s10 =	rddreg [dreg:$0x8];
	[sflag:s18] =	ssyncadd.s32 $0xFFFFEC00  }
0x2d: {  	[tilespmem:s21], [sflag:$0x4] =	stream.linear.gather [hbm4b:s10+s5], $0x1400, $0x38;
	[tilespmem:$0x1EB00] =	vst v63  }
0x2e: {  	_ =	swait.ge [sflag:s18], $0x1400  }
0x2f: {  	[sflag:s18] =	ssyncset.done $0x0  }
0x30: {  	[sflag:s18] =	ssyncadd.s32 $0xFFFFEC00  }
0x31: {  	[tilespmem:s23], [sflag:$0x1] =	stream.indirect.gather [hbm4b:s6+s22], $0x80, s5, s22, $0xb8;
	[tilespmem:$0x1EB00] =	vst v63  }
0x32: {  	_ = 	snop  }
0x33: {  	[tilespmem:s24], [sflag:$0x2] =	stream.indirect.gather [hbm4b:s6+s22], $0x80, s22, s22, $0xb8;
	[tilespmem:$0x1EB00] =	vst v63  }
0x34: {  	_ =	swait.ge [sflag:s25], $0x4000  }
0x35: {  	[sflag:s25] =	ssyncset.done $0x0  }
0x36: {  	[sflag:s25] =	ssyncadd.s32 $0xFFFFC000  }
0x37: {  	[spmem:s3] =	stream.indirect.scatter.add.f32 [tilespmem:s20], [sflag:$0x3], $0x1, s21, s22, $0xb8;
	[tilespmem:$0x1EB00] =	vst v63  }
0x38: {  	_ = 	snop  }
0x39: {  	[spmem:s2] =	stream.indirect.scatter.add.f32 [tilespmem:s23], [sflag:$0x4], $0x80, s21, s22, $0xb8;
	[tilespmem:$0x1EB00] =	vst v63  }
0x3a: {  	_ =	swait.ge [sflag:s18], $0x4000  }
0x3b: {  	[sflag:s18] =	ssyncset.done $0x0  }
0x3c: {  	[sflag:s18] =	ssyncadd.s32 $0xFFFFC000  }
0x3d: {  	[tilespmem:s23], [sflag:$0x1] =	stream.indirect.gather [hbm4b:s6+s22], $0x80, s26, s22, $0xb8;
	[tilespmem:$0x1EB00] =	vst v63  }
0x3e: {  	_ =	swait.ge [sflag:s28], $0x4000  }
0x3f: {  	[sflag:s28] =	ssyncset.done $0x0  }
0x40: {  	[sflag:s28] =	ssyncadd.s32 $0xFFFFC000  }
0x41: {  	_ =	swait.ge [sflag:s29], $0x80  }
0x42: {  	[sflag:s29] =	ssyncset.done $0x0  }
0x43: {  	[sflag:s29] =	ssyncadd.s32 $0xFFFFFF80  }
0x44: {  	[spmem:s3] =	stream.indirect.scatter.add.f32 [tilespmem:s20], [sflag:$0x3], $0x1, s30, s22, $0xb8;
	[tilespmem:$0x1EB00] =	vst v63  }
0x45: {  	_ = 	snop  }
0x46: {  	[spmem:s2] =	stream.indirect.scatter.add.f32 [tilespmem:s24], [sflag:$0x4], $0x80, s30, s22, $0xb8;
	[tilespmem:$0x1EB00] =	vst v63  }
0x47: {  	_ =	swait.ge [sflag:s18], $0x4000  }
0x48: {  	[sflag:s18] =	ssyncset.done $0x0  }
0x49: {  	s11 =	simm.s32 $0x180;
	[sflag:s18] =	ssyncadd.s32 $0xFFFFC000  }
0x4a: {  	[tilespmem:s24], [sflag:$0x2] =	stream.indirect.gather [hbm4b:s6+s22], $0x80, s11, s22, $0xb8;
	[tilespmem:$0x1EB00] =	vst v63  }
0x4b: {  	_ =	swait.ge [sflag:s25], $0x4000  }
0x4c: {  	[sflag:s25] =	ssyncset.done $0x0  }
0x4d: {  	[sflag:s25] =	ssyncadd.s32 $0xFFFFC000  }
0x4e: {  	_ =	swait.ge [sflag:s29], $0x80  }
0x4f: {  	[sflag:s29] =	ssyncset.done $0x0  }
0x50: {  	s8 =	simm.s32 $0x1500;
	[sflag:s29] =	ssyncadd.s32 $0xFFFFFF80  }
0x51: {  	[spmem:s3] =	stream.indirect.scatter.add.f32 [tilespmem:s20], [sflag:$0x3], $0x1, s8, s22, $0xb8;
	[tilespmem:$0x1EB00] =	vst v63  }
0x52: {  	_ = 	snop  }
0x53: {  	[spmem:s2] =	stream.indirect.scatter.add.f32 [tilespmem:s23], [sflag:$0x4], $0x80, s8, s22, $0xb8;
	[tilespmem:$0x1EB00] =	vst v63  }
0x54: {  	_ =	swait.ge [sflag:s18], $0x4000  }
0x55: {  	[sflag:s18] =	ssyncset.done $0x0  }
0x56: {  	s10 =	simm.s32 $0x200;
	[sflag:s18] =	ssyncadd.s32 $0xFFFFC000  }
0x57: {  	[tilespmem:s23], [sflag:$0x1] =	stream.indirect.gather [hbm4b:s6+s22], $0x80, s10, s22, $0xb8;
	[tilespmem:$0x1EB00] =	vst v63  }
0x58: {  	_ =	swait.ge [sflag:s28], $0x4000  }
0x59: {  	[sflag:s28] =	ssyncset.done $0x0  }
0x5a: {  	[sflag:s28] =	ssyncadd.s32 $0xFFFFC000  }
0x5b: {  	_ =	swait.ge [sflag:s29], $0x80  }
0x5c: {  	[sflag:s29] =	ssyncset.done $0x0  }
0x5d: {  	s11 =	simm.s32 $0x1580;
	[sflag:s29] =	ssyncadd.s32 $0xFFFFFF80  }
0x5e: {  	[spmem:s3] =	stream.indirect.scatter.add.f32 [tilespmem:s20], [sflag:$0x3], $0x1, s11, s22, $0xb8;
	[tilespmem:$0x1EB00] =	vst v63  }
0x5f: {  	_ = 	snop  }
0x60: {  	[spmem:s2] =	stream.indirect.scatter.add.f32 [tilespmem:s24], [sflag:$0x4], $0x80, s11, s22, $0xb8;
	[tilespmem:$0x1EB00] =	vst v63  }
0x61: {  	_ =	swait.ge [sflag:s18], $0x4000  }
0x62: {  	s7 =	simm.s32 $0xFFFFBC00;
	s8 =	simm.s32 $0xFFFFC000;
	[sflag:s18] =	ssyncset.done $0x0  }
.LBB2_2:
0x63: {  	s10 =	sshra.s32 s7, $0x2  }
0x64: {  	[sflag:s18] =	ssyncadd.s32 $0xFFFFC000;
	s7 =	smov.u32 s8;
	s11 =	sadd.s32 $0x400, s8  }
0x65: {  	p0 =	sne.s32 s8, $0xFFFFFC00;
	s8 =	sadd.s32 $0x1380, s10  }
0x66: {  	[tilespmem:s24], [sflag:$0x2] =	stream.indirect.gather [hbm4b:s6+s22], $0x80, s8, s22, $0xb8;
	[tilespmem:$0x1EB00] =	vst v63  }
0x67: {  	_ =	swait.ge [sflag:s25], $0x4000  }
0x68: {  	[sflag:s25] =	ssyncset.done $0x0  }
0x69: {  	[sflag:s25] =	ssyncadd.s32 $0xFFFFC000  }
0x6a: {  	_ =	swait.ge [sflag:s29], $0x80  }
0x6b: {  	[sflag:s29] =	ssyncset.done $0x0  }
0x6c: {  	s8 =	sadd.s32 $0x2700, s10;
	[sflag:s29] =	ssyncadd.s32 $0xFFFFFF80  }
0x6d: {  	[spmem:s3] =	stream.indirect.scatter.add.f32 [tilespmem:s20], [sflag:$0x3], $0x1, s8, s22, $0xb8;
	[tilespmem:$0x1EB00] =	vst v63  }
0x6e: {  	_ = 	snop  }
0x6f: {  	[spmem:s2] =	stream.indirect.scatter.add.f32 [tilespmem:s23], [sflag:$0x4], $0x80, s8, s22, $0xb8;
	[tilespmem:$0x1EB00] =	vst v63  }
0x70: {  	_ =	swait.ge [sflag:s18], $0x4000  }
0x71: {  	[sflag:s18] =	ssyncset.done $0x0  }
0x72: {  	s8 =	sadd.s32 $0x1400, s10;
	[sflag:s18] =	ssyncadd.s32 $0xFFFFC000  }
0x73: {  	[tilespmem:s23], [sflag:$0x1] =	stream.indirect.gather [hbm4b:s6+s22], $0x80, s8, s22, $0xb8;
	[tilespmem:$0x1EB00] =	vst v63  }
0x74: {  	_ =	swait.ge [sflag:s28], $0x4000  }
0x75: {  	[sflag:s28] =	ssyncset.done $0x0  }
0x76: {  	[sflag:s28] =	ssyncadd.s32 $0xFFFFC000  }
0x77: {  	_ =	swait.ge [sflag:s29], $0x80  }
0x78: {  	[sflag:s29] =	ssyncset.done $0x0  }
0x79: {  	s8 =	sadd.s32 $0x2780, s10;
	[sflag:s29] =	ssyncadd.s32 $0xFFFFFF80  }
0x7a: {  	[spmem:s3] =	stream.indirect.scatter.add.f32 [tilespmem:s20], [sflag:$0x3], $0x1, s8, s22, $0xb8;
	[tilespmem:$0x1EB00] =	vst v63  }
.Ltmp0:
0x7b: {  	_ = 	snop;
	(pc) =	sbr.rel @p0 .LBB2_2-.Ltmp0, $4  }
0x7c: {  	_ = 	snop  }
0x7d: {  	[spmem:s2] =	stream.indirect.scatter.add.f32 [tilespmem:s24], [sflag:$0x4], $0x80, s8, s22, $0xb8;
	[tilespmem:$0x1EB00] =	vst v63  }
0x7e: {  	_ =	swait.ge [sflag:s18], $0x4000  }
0x7f: {  	s8 =	smov.u32 s11;
	[sflag:s18] =	ssyncset.done $0x0  }
0x80: {  	s7 =	sshra.s32 s7, $0x2  }
0x81: {  	[sflag:s18] =	ssyncadd.s32 $0xFFFFC000;
	s8 =	sadd.s32 $0x1380, s7  }
0x82: {  	[tilespmem:s24], [sflag:$0x2] =	stream.indirect.gather [hbm4b:s6+s22], $0x80, s8, s22, $0xb8;
	[tilespmem:$0x1EB00] =	vst v63  }
0x83: {  	_ =	swait.ge [sflag:s25], $0x4000  }
0x84: {  	[sflag:s25] =	ssyncset.done $0x0  }
0x85: {  	[sflag:s25] =	ssyncadd.s32 $0xFFFFC000  }
0x86: {  	_ =	swait.ge [sflag:s29], $0x80  }
0x87: {  	[sflag:s29] =	ssyncset.done $0x0  }
0x88: {  	s11 =	sadd.s32 $0x2700, s7;
	[sflag:s29] =	ssyncadd.s32 $0xFFFFFF80  }
0x89: {  	[spmem:s3] =	stream.indirect.scatter.add.f32 [tilespmem:s20], [sflag:$0x3], $0x1, s11, s22, $0xb8;
	[tilespmem:$0x1EB00] =	vst v63  }
0x8a: {  	_ = 	snop  }
0x8b: {  	[spmem:s2] =	stream.indirect.scatter.add.f32 [tilespmem:s23], [sflag:$0x4], $0x80, s11, s22, $0xb8;
	[tilespmem:$0x1EB00] =	vst v63  }
0x8c: {  	_ =	swait.ge [sflag:s18], $0x4000  }
0x8d: {  	[sflag:s18] =	ssyncset.done $0x0  }
0x8e: {  	s10 =	sadd.s32 $0x1400, s7;
	[sflag:s18] =	ssyncadd.s32 $0xFFFFC000  }
0x8f: {  	[tilespmem:s23], [sflag:$0x1] =	stream.indirect.gather [hbm4b:s6+s22], $0x80, s10, s22, $0xb8;
	[tilespmem:$0x1EB00] =	vst v63  }
0x90: {  	_ =	swait.ge [sflag:s28], $0x4000  }
0x91: {  	[sflag:s28] =	ssyncset.done $0x0  }
0x92: {  	[sflag:s28] =	ssyncadd.s32 $0xFFFFC000  }
0x93: {  	_ =	swait.ge [sflag:s29], $0x80  }
0x94: {  	[sflag:s29] =	ssyncset.done $0x0  }
0x95: {  	s7 =	sadd.s32 $0x2780, s7;
	[sflag:s29] =	ssyncadd.s32 $0xFFFFFF80  }
0x96: {  	[spmem:s3] =	stream.indirect.scatter.add.f32 [tilespmem:s20], [sflag:$0x3], $0x1, s7, s22, $0xb8;
	[tilespmem:$0x1EB00] =	vst v63  }
0x97: {  	_ = 	snop  }
0x98: {  	[spmem:s2] =	stream.indirect.scatter.add.f32 [tilespmem:s24], [sflag:$0x4], $0x80, s7, s22, $0xb8;
	[tilespmem:$0x1EB00] =	vst v63  }
0x99: {  	_ =	swait.ge [sflag:s18], $0x4000  }
0x9a: {  	[sflag:s18] =	ssyncset.done $0x0  }
0x9b: {  	[sflag:s18] =	ssyncadd.s32 $0xFFFFC000  }
0x9c: {  	[tilespmem:s24], [sflag:$0x2] =	stream.indirect.gather [hbm4b:s6+s22], $0x80, s31, s22, $0xb8;
	[tilespmem:$0x1EB00] =	vst v63  }
0x9d: {  	_ =	swait.ge [sflag:s25], $0x4000  }
0x9e: {  	[sflag:s25] =	ssyncset.done $0x0  }
0x9f: {  	[sflag:s25] =	ssyncadd.s32 $0xFFFFC000  }
0xa0: {  	_ =	swait.ge [sflag:s29], $0x80  }
0xa1: {  	[sflag:s29] =	ssyncset.done $0x0  }
0xa2: {  	[sflag:s29] =	ssyncadd.s32 $0xFFFFFF80  }
0xa3: {  	[spmem:s3] =	stream.indirect.scatter.add.f32 [tilespmem:s20], [sflag:$0x3], $0x1, s0, s22, $0xb8;
	[tilespmem:$0x1EB00] =	vst v63  }
0xa4: {  	_ = 	snop  }
0xa5: {  	[spmem:s2] =	stream.indirect.scatter.add.f32 [tilespmem:s23], [sflag:$0x4], $0x80, s0, s22, $0xb8;
	[tilespmem:$0x1EB00] =	vst v63  }
0xa6: {  	_ =	swait.ge [sflag:s18], $0x4000  }
0xa7: {  	[sflag:s18] =	ssyncset.done $0x0  }
0xa8: {  	[sflag:s18] =	ssyncadd.s32 $0xFFFFC000  }
0xa9: {  	_ =	swait.ge [sflag:s28], $0x4000  }
0xaa: {  	[sflag:s28] =	ssyncset.done $0x0  }
0xab: {  	[sflag:s28] =	ssyncadd.s32 $0xFFFFC000  }
0xac: {  	_ =	swait.ge [sflag:s29], $0x80  }
0xad: {  	[sflag:s29] =	ssyncset.done $0x0  }
0xae: {  	[sflag:s29] =	ssyncadd.s32 $0xFFFFFF80  }
0xaf: {  	[spmem:s3] =	stream.indirect.scatter.add.f32 [tilespmem:s20], [sflag:$0x3], $0x1, s4, s22, $0xb8;
	[tilespmem:$0x1EB00] =	vst v63  }
0xb0: {  	_ = 	snop  }
0xb1: {  	[spmem:s2] =	stream.indirect.scatter.add.f32 [tilespmem:s24], [sflag:$0x4], $0x80, s4, s22, $0xb8;
	[tilespmem:$0x1EB00] =	vst v63  }
0xb2: {  	_ =	swait.ge [sflag:s18], $0x4000  }
0xb3: {  	[sflag:s18] =	ssyncset.done $0x0  }
0xb4: {  	[sflag:s18] =	ssyncadd.s32 $0xFFFFC000  }
0xb5: {  	_ =	swait.ge [sflag:s29], $0x80  }
0xb6: {  	[sflag:s29] =	ssyncset.done $0x0  }
0xb7: {  	[sflag:s29] =	ssyncadd.s32 $0xFFFFFF80  }
0xb8: {  	[tilespmem:s5], [sflag:$0x4] =	stream.linear.gather [hbm4b:s12+s5], $0x1400, $0x38;
	[tilespmem:$0x1EB00] =	vst v63  }
0xb9: {  	_ =	swait.ge [sflag:s18], $0x1400  }
0xba: {  	[sflag:s18] =	ssyncset.done $0x0  }
0xbb: {  	[sflag:s18] =	ssyncadd.s32 $0xFFFFEC00  }
0xbc: {  	[tilespmem:s21], [sflag:$0x4] =	stream.linear.gather [hbm4b:s13+s5], $0x1400, $0x38;
	[tilespmem:$0x1EB00] =	vst v63  }
0xbd: {  	_ =	swait.ge [sflag:s18], $0x1400  }
0xbe: {  	[sflag:s18] =	ssyncset.done $0x0  }
0xbf: {  	[sflag:s18] =	ssyncadd.s32 $0xFFFFEC00  }
0xc0: {  	[tilespmem:s23], [sflag:$0x1] =	stream.indirect.gather [hbm4b:s6+s22], $0x80, s5, s22, $0xb8;
	[tilespmem:$0x1EB00] =	vst v63  }
0xc1: {  	_ = 	snop  }
0xc2: {  	[tilespmem:s24], [sflag:$0x2] =	stream.indirect.gather [hbm4b:s6+s22], $0x80, s22, s22, $0xb8;
	[tilespmem:$0x1EB00] =	vst v63  }
0xc3: {  	_ =	swait.ge [sflag:s25], $0x4000  }
0xc4: {  	[sflag:s25] =	ssyncset.done $0x0  }
0xc5: {  	[sflag:s25] =	ssyncadd.s32 $0xFFFFC000  }
0xc6: {  	[spmem:s3] =	stream.indirect.scatter.add.f32 [tilespmem:s20], [sflag:$0x3], $0x1, s21, s22, $0xb8;
	[tilespmem:$0x1EB00] =	vst v63  }
0xc7: {  	_ = 	snop  }
0xc8: {  	[spmem:s2] =	stream.indirect.scatter.add.f32 [tilespmem:s23], [sflag:$0x4], $0x80, s21, s22, $0xb8;
	[tilespmem:$0x1EB00] =	vst v63  }
0xc9: {  	_ =	swait.ge [sflag:s18], $0x4000  }
0xca: {  	[sflag:s18] =	ssyncset.done $0x0  }
0xcb: {  	[sflag:s18] =	ssyncadd.s32 $0xFFFFC000  }
0xcc: {  	[tilespmem:s23], [sflag:$0x1] =	stream.indirect.gather [hbm4b:s6+s22], $0x80, s26, s22, $0xb8;
	[tilespmem:$0x1EB00] =	vst v63  }
0xcd: {  	_ =	swait.ge [sflag:s28], $0x4000  }
0xce: {  	[sflag:s28] =	ssyncset.done $0x0  }
0xcf: {  	[sflag:s28] =	ssyncadd.s32 $0xFFFFC000  }
0xd0: {  	_ =	swait.ge [sflag:s29], $0x80  }
0xd1: {  	[sflag:s29] =	ssyncset.done $0x0  }
0xd2: {  	[sflag:s29] =	ssyncadd.s32 $0xFFFFFF80  }
0xd3: {  	[spmem:s3] =	stream.indirect.scatter.add.f32 [tilespmem:s20], [sflag:$0x3], $0x1, s30, s22, $0xb8;
	[tilespmem:$0x1EB00] =	vst v63  }
0xd4: {  	_ = 	snop  }
0xd5: {  	[spmem:s2] =	stream.indirect.scatter.add.f32 [tilespmem:s24], [sflag:$0x4], $0x80, s30, s22, $0xb8;
	[tilespmem:$0x1EB00] =	vst v63  }
0xd6: {  	_ =	swait.ge [sflag:s18], $0x4000  }
0xd7: {  	[sflag:s18] =	ssyncset.done $0x0  }
0xd8: {  	s11 =	simm.s32 $0x180;
	[sflag:s18] =	ssyncadd.s32 $0xFFFFC000  }
0xd9: {  	[tilespmem:s24], [sflag:$0x2] =	stream.indirect.gather [hbm4b:s6+s22], $0x80, s11, s22, $0xb8;
	[tilespmem:$0x1EB00] =	vst v63  }
0xda: {  	_ =	swait.ge [sflag:s25], $0x4000  }
0xdb: {  	[sflag:s25] =	ssyncset.done $0x0  }
0xdc: {  	[sflag:s25] =	ssyncadd.s32 $0xFFFFC000  }
0xdd: {  	_ =	swait.ge [sflag:s29], $0x80  }
0xde: {  	[sflag:s29] =	ssyncset.done $0x0  }
0xdf: {  	s8 =	simm.s32 $0x1500;
	[sflag:s29] =	ssyncadd.s32 $0xFFFFFF80  }
0xe0: {  	[spmem:s3] =	stream.indirect.scatter.add.f32 [tilespmem:s20], [sflag:$0x3], $0x1, s8, s22, $0xb8;
	[tilespmem:$0x1EB00] =	vst v63  }
0xe1: {  	_ = 	snop  }
0xe2: {  	[spmem:s2] =	stream.indirect.scatter.add.f32 [tilespmem:s23], [sflag:$0x4], $0x80, s8, s22, $0xb8;
	[tilespmem:$0x1EB00] =	vst v63  }
0xe3: {  	_ =	swait.ge [sflag:s18], $0x4000  }
0xe4: {  	[sflag:s18] =	ssyncset.done $0x0  }
0xe5: {  	s10 =	simm.s32 $0x200;
	[sflag:s18] =	ssyncadd.s32 $0xFFFFC000  }
0xe6: {  	[tilespmem:s23], [sflag:$0x1] =	stream.indirect.gather [hbm4b:s6+s22], $0x80, s10, s22, $0xb8;
	[tilespmem:$0x1EB00] =	vst v63  }
0xe7: {  	_ =	swait.ge [sflag:s28], $0x4000  }
0xe8: {  	[sflag:s28] =	ssyncset.done $0x0  }
0xe9: {  	[sflag:s28] =	ssyncadd.s32 $0xFFFFC000  }
0xea: {  	_ =	swait.ge [sflag:s29], $0x80  }
0xeb: {  	[sflag:s29] =	ssyncset.done $0x0  }
0xec: {  	s11 =	simm.s32 $0x1580;
	[sflag:s29] =	ssyncadd.s32 $0xFFFFFF80  }
0xed: {  	[spmem:s3] =	stream.indirect.scatter.add.f32 [tilespmem:s20], [sflag:$0x3], $0x1, s11, s22, $0xb8;
	[tilespmem:$0x1EB00] =	vst v63  }
0xee: {  	_ = 	snop  }
0xef: {  	[spmem:s2] =	stream.indirect.scatter.add.f32 [tilespmem:s24], [sflag:$0x4], $0x80, s11, s22, $0xb8;
	[tilespmem:$0x1EB00] =	vst v63  }
0xf0: {  	_ =	swait.ge [sflag:s18], $0x4000  }
0xf1: {  	s7 =	simm.s32 $0xFFFFBC00;
	s8 =	simm.s32 $0xFFFFC000;
	[sflag:s18] =	ssyncset.done $0x0  }
.LBB2_4:
0xf2: {  	s10 =	sshra.s32 s7, $0x2  }
0xf3: {  	[sflag:s18] =	ssyncadd.s32 $0xFFFFC000;
	s7 =	smov.u32 s8;
	s11 =	sadd.s32 $0x400, s8  }
0xf4: {  	p0 =	sne.s32 s8, $0xFFFFFC00;
	s8 =	sadd.s32 $0x1380, s10  }
0xf5: {  	[tilespmem:s24], [sflag:$0x2] =	stream.indirect.gather [hbm4b:s6+s22], $0x80, s8, s22, $0xb8;
	[tilespmem:$0x1EB00] =	vst v63  }
0xf6: {  	_ =	swait.ge [sflag:s25], $0x4000  }
0xf7: {  	[sflag:s25] =	ssyncset.done $0x0  }
0xf8: {  	[sflag:s25] =	ssyncadd.s32 $0xFFFFC000  }
0xf9: {  	_ =	swait.ge [sflag:s29], $0x80  }
0xfa: {  	[sflag:s29] =	ssyncset.done $0x0  }
0xfb: {  	s8 =	sadd.s32 $0x2700, s10;
	[sflag:s29] =	ssyncadd.s32 $0xFFFFFF80  }
0xfc: {  	[spmem:s3] =	stream.indirect.scatter.add.f32 [tilespmem:s20], [sflag:$0x3], $0x1, s8, s22, $0xb8;
	[tilespmem:$0x1EB00] =	vst v63  }
0xfd: {  	_ = 	snop  }
0xfe: {  	[spmem:s2] =	stream.indirect.scatter.add.f32 [tilespmem:s23], [sflag:$0x4], $0x80, s8, s22, $0xb8;
	[tilespmem:$0x1EB00] =	vst v63  }
0xff: {  	_ =	swait.ge [sflag:s18], $0x4000  }
0x100: {  	[sflag:s18] =	ssyncset.done $0x0  }
0x101: {  	s8 =	sadd.s32 $0x1400, s10;
	[sflag:s18] =	ssyncadd.s32 $0xFFFFC000  }
0x102: {  	[tilespmem:s23], [sflag:$0x1] =	stream.indirect.gather [hbm4b:s6+s22], $0x80, s8, s22, $0xb8;
	[tilespmem:$0x1EB00] =	vst v63  }
0x103: {  	_ =	swait.ge [sflag:s28], $0x4000  }
0x104: {  	[sflag:s28] =	ssyncset.done $0x0  }
0x105: {  	[sflag:s28] =	ssyncadd.s32 $0xFFFFC000  }
0x106: {  	_ =	swait.ge [sflag:s29], $0x80  }
0x107: {  	[sflag:s29] =	ssyncset.done $0x0  }
0x108: {  	s8 =	sadd.s32 $0x2780, s10;
	[sflag:s29] =	ssyncadd.s32 $0xFFFFFF80  }
0x109: {  	[spmem:s3] =	stream.indirect.scatter.add.f32 [tilespmem:s20], [sflag:$0x3], $0x1, s8, s22, $0xb8;
	[tilespmem:$0x1EB00] =	vst v63  }
.Ltmp1:
0x10a: {  	_ = 	snop;
	(pc) =	sbr.rel @p0 .LBB2_4-.Ltmp1, $4  }
0x10b: {  	_ = 	snop  }
0x10c: {  	[spmem:s2] =	stream.indirect.scatter.add.f32 [tilespmem:s24], [sflag:$0x4], $0x80, s8, s22, $0xb8;
	[tilespmem:$0x1EB00] =	vst v63  }
0x10d: {  	_ =	swait.ge [sflag:s18], $0x4000  }
0x10e: {  	s8 =	smov.u32 s11;
	[sflag:s18] =	ssyncset.done $0x0  }
0x10f: {  	s7 =	sshra.s32 s7, $0x2  }
0x110: {  	[sflag:s18] =	ssyncadd.s32 $0xFFFFC000;
	s8 =	sadd.s32 $0x1380, s7  }
0x111: {  	[tilespmem:s24], [sflag:$0x2] =	stream.indirect.gather [hbm4b:s6+s22], $0x80, s8, s22, $0xb8;
	[tilespmem:$0x1EB00] =	vst v63  }
0x112: {  	_ =	swait.ge [sflag:s25], $0x4000  }
0x113: {  	[sflag:s25] =	ssyncset.done $0x0  }
0x114: {  	[sflag:s25] =	ssyncadd.s32 $0xFFFFC000  }
0x115: {  	_ =	swait.ge [sflag:s29], $0x80  }
0x116: {  	[sflag:s29] =	ssyncset.done $0x0  }
0x117: {  	s10 =	sadd.s32 $0x2700, s7;
	[sflag:s29] =	ssyncadd.s32 $0xFFFFFF80  }
0x118: {  	[spmem:s3] =	stream.indirect.scatter.add.f32 [tilespmem:s20], [sflag:$0x3], $0x1, s10, s22, $0xb8;
	[tilespmem:$0x1EB00] =	vst v63  }
0x119: {  	_ = 	snop  }
0x11a: {  	[spmem:s2] =	stream.indirect.scatter.add.f32 [tilespmem:s23], [sflag:$0x4], $0x80, s10, s22, $0xb8;
	[tilespmem:$0x1EB00] =	vst v63  }
0x11b: {  	_ =	swait.ge [sflag:s18], $0x4000  }
0x11c: {  	[sflag:s18] =	ssyncset.done $0x0  }
0x11d: {  	s11 =	sadd.s32 $0x1400, s7;
	[sflag:s18] =	ssyncadd.s32 $0xFFFFC000  }
0x11e: {  	[tilespmem:s23], [sflag:$0x1] =	stream.indirect.gather [hbm4b:s6+s22], $0x80, s11, s22, $0xb8;
	[tilespmem:$0x1EB00] =	vst v63  }
0x11f: {  	_ =	swait.ge [sflag:s28], $0x4000  }
0x120: {  	[sflag:s28] =	ssyncset.done $0x0  }
0x121: {  	[sflag:s28] =	ssyncadd.s32 $0xFFFFC000  }
0x122: {  	_ =	swait.ge [sflag:s29], $0x80  }
0x123: {  	[sflag:s29] =	ssyncset.done $0x0  }
0x124: {  	s7 =	sadd.s32 $0x2780, s7;
	[sflag:s29] =	ssyncadd.s32 $0xFFFFFF80  }
0x125: {  	[spmem:s3] =	stream.indirect.scatter.add.f32 [tilespmem:s20], [sflag:$0x3], $0x1, s7, s22, $0xb8;
	[tilespmem:$0x1EB00] =	vst v63  }
0x126: {  	_ = 	snop  }
0x127: {  	[spmem:s2] =	stream.indirect.scatter.add.f32 [tilespmem:s24], [sflag:$0x4], $0x80, s7, s22, $0xb8;
	[tilespmem:$0x1EB00] =	vst v63  }
0x128: {  	_ =	swait.ge [sflag:s18], $0x4000  }
0x129: {  	[sflag:s18] =	ssyncset.done $0x0  }
0x12a: {  	[sflag:s18] =	ssyncadd.s32 $0xFFFFC000  }
0x12b: {  	[tilespmem:s24], [sflag:$0x2] =	stream.indirect.gather [hbm4b:s6+s22], $0x80, s31, s22, $0xb8;
	[tilespmem:$0x1EB00] =	vst v63  }
0x12c: {  	_ =	swait.ge [sflag:s25], $0x4000  }
0x12d: {  	[sflag:s25] =	ssyncset.done $0x0  }
0x12e: {  	[sflag:s25] =	ssyncadd.s32 $0xFFFFC000  }
0x12f: {  	_ =	swait.ge [sflag:s29], $0x80  }
0x130: {  	[sflag:s29] =	ssyncset.done $0x0  }
0x131: {  	[sflag:s29] =	ssyncadd.s32 $0xFFFFFF80  }
0x132: {  	[spmem:s3] =	stream.indirect.scatter.add.f32 [tilespmem:s20], [sflag:$0x3], $0x1, s0, s22, $0xb8;
	[tilespmem:$0x1EB00] =	vst v63  }
0x133: {  	_ = 	snop  }
0x134: {  	[spmem:s2] =	stream.indirect.scatter.add.f32 [tilespmem:s23], [sflag:$0x4], $0x80, s0, s22, $0xb8;
	[tilespmem:$0x1EB00] =	vst v63  }
0x135: {  	_ =	swait.ge [sflag:s18], $0x4000  }
0x136: {  	[sflag:s18] =	ssyncset.done $0x0  }
0x137: {  	[sflag:s18] =	ssyncadd.s32 $0xFFFFC000  }
0x138: {  	_ =	swait.ge [sflag:s28], $0x4000  }
0x139: {  	[sflag:s28] =	ssyncset.done $0x0  }
0x13a: {  	[sflag:s28] =	ssyncadd.s32 $0xFFFFC000  }
0x13b: {  	_ =	swait.ge [sflag:s29], $0x80  }
0x13c: {  	[sflag:s29] =	ssyncset.done $0x0  }
0x13d: {  	[sflag:s29] =	ssyncadd.s32 $0xFFFFFF80  }
0x13e: {  	[spmem:s3] =	stream.indirect.scatter.add.f32 [tilespmem:s20], [sflag:$0x3], $0x1, s4, s22, $0xb8;
	[tilespmem:$0x1EB00] =	vst v63  }
0x13f: {  	_ = 	snop  }
0x140: {  	[spmem:s2] =	stream.indirect.scatter.add.f32 [tilespmem:s24], [sflag:$0x4], $0x80, s4, s22, $0xb8;
	[tilespmem:$0x1EB00] =	vst v63  }
0x141: {  	_ =	swait.ge [sflag:s18], $0x4000  }
0x142: {  	[sflag:s18] =	ssyncset.done $0x0  }
0x143: {  	[sflag:s18] =	ssyncadd.s32 $0xFFFFC000  }
0x144: {  	_ =	swait.ge [sflag:s29], $0x80  }
0x145: {  	[sflag:s29] =	ssyncset.done $0x0  }
0x146: {  	[sflag:s29] =	ssyncadd.s32 $0xFFFFFF80  }
0x147: {  	[bflag:$0x0] =	sbarrier.arrive $0xFFFF  }
0x148: {  	[hbm:s14], [sflag:s9] =	dma.local [spmem:s17], $0x2800  }
0x149: {  	s1 =	sadd.s32 $0x1, s1;
	_ =	swait.ge [sflag:s18], $0x2800  }
0x14a: {  	p0 =	sne.s32 s1, s16;
	s10 =	simm.s32 $0x20;
	[sflag:s18] =	ssyncset.done $0x0  }
.Ltmp2:
0x14b: {  	s11 =	simm.s32 $0x10;
	[sflag:s18] =	ssyncadd.s32 $0xFFFFD800;
	(pc) =	sbr.rel @p0 .LBB2_1-.Ltmp2, $4  }
0x14c: {  	[hbm:s15@s10], [sflag:s9] =	dma.strided [spmem:s19@s11], $0x50, s25, $0x10   }
0x14d: {  	_ =	swait.ge [sflag:s18], $0x50  }
0x14e: {  	[sflag:s18] =	ssyncset.done $0x0  }
0x14f: {  	[sflag:s18] =	ssyncadd.s32 $0xFFFFFFB0  }
0x150: {  	_ =	sfence.sel $0x180000  }
0x151: {  	[bflag:$0x0] =	sbarrier.arrive $0xFFFF  }
0x152: {  	_ =	strace $0x90000047  }
0x153: {  	s0 =	stileid.u32;
	[bflag:$0x2] =	sbarrier.arrive $0xFFFF  }
0x154: {  	p0 =	sne.s32 s0, $0x0;
	s0 =	rddreg [dreg:$0x4]  }
0x155: {  	s0 =	sadd.s32 @!p0 $0x100000, s0  }
0x156: {  	[sflag:s0] =	ssyncadd.tile.s32 @!p0 $0x1;
	_ =	shalt  }
.Lfunc_end2:
_tile_overlayer_lowered:
.L_overlay_start_2:
0x157: {  	(tag) =	ssettag $0x2  }
0x158: {  	s0 =	rddreg [dreg:$0x0];
	s2 =	stileid.u32  }
0x159: {  	s1 =	rddreg [dreg:$0x1];
	p0 =	sne.s32 s2, $0x0  }
0x15a: {  	s3 =	rddreg [dreg:$0x2];
	[bflag:$0x3] =	sbarrier.arrive $0xFFFF;
	s2 =	simm.s32 @!p0 $0x1C04  }
0x15b: {  	[timem:s3], [sflag:s2] =	dma.local @!p0 [hbm:s0], s1  }
0x15c: {  	s0 =	simm.s32 @!p0 $0x4  }
0x15d: {  	_ =	swait.ge @!p0 [sflag:s0], s1  }
0x15e: {  	s1 =	ssub.s32 @!p0 $0x0, s1;
	[sflag:s0] =	ssyncset.done @!p0 $0x0  }
0x15f: {  	[sflag:s0] =	ssyncadd.s32 @!p0 s1  }
0x160: {  	[bflag:$0x3] =	sbarrier.arrive $0xFFFF  }
0x161: {  	_ =	shalt  }

</sc_bundles>
